<compile_context>
chip_gen: v7x
topology: tpu7x:2x2x1
jax: 0.10.2.dev20260603
libtpu: 0.0.44.dev20260713+nightly
codegen_flags: <defaults>
</compile_context>

<pallas_src>
import functools

import jax
import jax.numpy as jnp
from jax import lax
from jax.experimental import pallas as pl
from jax.experimental.pallas import tpu as pltpu
from jax.experimental.pallas import tpu_sc as plsc

N_NODES_C = 10000
N_EDGES_C = 320000
D_C = 128

NC = 2
NS = 16
NW = NC * NS
EDGES_PER_W = N_EDGES_C // NW
CHUNK = 128
N_CHUNKS = EDGES_PER_W // CHUNK
RCH = EDGES_PER_W - N_CHUNKS * CHUNK
ROWS_A = 624
ZCH = 48
NZCH = ROWS_A // ZCH
TAIL0 = NS * ROWS_A
TAILN = N_NODES_C - TAIL0
NPAD = 10240
L = 16
G = 13
NG = N_CHUNKS // G

_sc_mesh = plsc.VectorSubcoreMesh(
    core_axis_name="c", subcore_axis_name="s", num_cores=NC, num_subcores=NS)


@functools.partial(
    pl.kernel,
    out_type=(
        jax.ShapeDtypeStruct((NC, N_NODES_C, D_C), jnp.float32),
        jax.ShapeDtypeStruct((NW * NPAD,), jnp.float32),
    ),
    mesh=_sc_mesh,
    scratch_types=[
        pltpu.VMEM_SHARED((N_NODES_C, D_C), jnp.float32),
        pltpu.VMEM((G * CHUNK,), jnp.int32),
        pltpu.VMEM((G, CHUNK), jnp.int32),
        pltpu.VMEM((RCH,), jnp.int32),
        pltpu.VMEM((RCH,), jnp.int32),
        pltpu.VMEM((CHUNK, D_C), jnp.float32),
        pltpu.VMEM((CHUNK, D_C), jnp.float32),
        pltpu.VMEM((NPAD,), jnp.float32),
        pltpu.SemaphoreType.DMA,
        pltpu.SemaphoreType.DMA,
        pltpu.SemaphoreType.DMA,
        pltpu.SemaphoreType.DMA,
        pltpu.SemaphoreType.DMA,
    ],
    compiler_params=pltpu.CompilerParams(needs_layout_passes=False),
)
def _sc_aggregate(src_hbm, dst_hbm, table_hbm, zrow_hbm, zdeg_hbm,
                  aggp_hbm, degp_hbm,
                  acc, sidxb, didxb, sidx2, didx2, rows0, rows1, degloc,
                  isem, gsem0, gsem1, osem0, osem1):
    c = lax.axis_index("c")
    s = lax.axis_index("s")
    w = c * NS + s
    r0 = pl.multiple_of(s * ROWS_A, 8)
    rows = (rows0, rows1)
    gsem = (gsem0, gsem1)

    pltpu.sync_copy(zrow_hbm, rows0.at[pl.ds(0, ZCH)])
    pltpu.sync_copy(zdeg_hbm, degloc)

    def zbody(j, carry):
        q0 = pl.multiple_of(r0 + j * ZCH, 8)
        pltpu.sync_copy(rows0.at[pl.ds(0, ZCH)], acc.at[pl.ds(q0, ZCH)])
        return carry

    lax.fori_loop(0, NZCH, zbody, 0)

    @pl.when(s == NS - 1)
    def _zero_tail():
        pltpu.sync_copy(rows0.at[pl.ds(0, TAILN)], acc.at[pl.ds(TAIL0, TAILN)])

    plsc.subcore_barrier()

    ebase = w * EDGES_PER_W
    ones16 = jnp.full((L,), 1.0, jnp.float32)

    def hist(dref, j):
        for k in range(CHUNK // L):
            plsc.addupdate_scatter(degloc, [dref[j, pl.ds(k * L, L)]], ones16)

    def body(g, carry):
        gb = ebase + g * (G * CHUNK)
        iws = [pltpu.async_copy(src_hbm.at[pl.ds(gb, G * CHUNK)], sidxb, isem)]
        for j in range(G):
            iws.append(pltpu.async_copy(
                dst_hbm.at[pl.ds(gb + j * CHUNK, CHUNK)], didxb.at[j], isem))
        for h in iws:
            h.wait()
        hs = [None, None]
        hs[0] = pltpu.async_copy(
            table_hbm.at[sidxb.at[pl.ds(0, CHUNK)]], rows0, gsem0)
        for j in range(G):
            b = j % 2
            if j + 1 < G:
                nb = (j + 1) % 2
                hs[nb] = pltpu.async_copy(
                    table_hbm.at[sidxb.at[pl.ds((j + 1) * CHUNK, CHUNK)]],
                    rows[nb], gsem[nb])
            hs[b].wait()
            pltpu.sync_copy(rows[b], acc.at[didxb.at[j]], add=True)
            hist(didxb, j)
        return carry

    lax.fori_loop(0, NG, body, 0)

    rbase = ebase + NG * G * CHUNK
    pltpu.sync_copy(src_hbm.at[pl.ds(rbase, RCH)], sidx2)
    pltpu.sync_copy(dst_hbm.at[pl.ds(rbase, RCH)], didx2)
    pltpu.async_copy(table_hbm.at[sidx2], rows0.at[pl.ds(0, RCH)], gsem0).wait()
    pltpu.sync_copy(rows0.at[pl.ds(0, RCH)], acc.at[didx2], add=True)
    for k in range(RCH // L):
        plsc.addupdate_scatter(degloc, [didx2[pl.ds(k * L, L)]], ones16)

    pltpu.sync_copy(degloc, degp_hbm.at[pl.ds(w * NPAD, NPAD)])

    plsc.subcore_barrier()

    osem = (osem0, osem1)
    hw = [None, None]

    def obody(j, carry):
        for u in range(2):
            q0 = pl.multiple_of(r0 + (2 * j + u) * ZCH, 8)
            buf = rows[u].at[pl.ds(0, ZCH)]
            pltpu.sync_copy(acc.at[pl.ds(q0, ZCH)], buf)
            hw[u] = pltpu.async_copy(buf, aggp_hbm.at[c, pl.ds(q0, ZCH)],
                                     osem[u])
        hw[0].wait()
        hw[1].wait()
        return carry

    lax.fori_loop(0, NZCH // 2, obody, 0)
    qf = pl.multiple_of(r0 + (NZCH - 1) * ZCH, 8)
    pltpu.sync_copy(acc.at[pl.ds(qf, ZCH)], rows0.at[pl.ds(0, ZCH)])
    pltpu.sync_copy(rows0.at[pl.ds(0, ZCH)], aggp_hbm.at[c, pl.ds(qf, ZCH)])

    @pl.when(s == NS - 1)
    def _copy_tail():
        pltpu.sync_copy(acc.at[pl.ds(TAIL0, TAILN)], rows1.at[pl.ds(0, TAILN)])
        pltpu.sync_copy(rows1.at[pl.ds(0, TAILN)],
                        aggp_hbm.at[c, pl.ds(TAIL0, TAILN)])


_DCH = 2048


def _tc_degsum_body(hist_ref, out_ref):
    out_ref[...] = jnp.sum(hist_ref[...], axis=0, keepdims=True)


def _tc_degsum(hist):
    return pl.pallas_call(
        _tc_degsum_body,
        grid=(NPAD // _DCH,),
        in_specs=[pl.BlockSpec((NW, _DCH), lambda i: (0, i))],
        out_specs=pl.BlockSpec((1, _DCH), lambda i: (0, i)),
        out_shape=jax.ShapeDtypeStruct((1, NPAD), jnp.float32),
    )(hist)


_TC_BLOCK = 1000


def _tc_body(aggp_ref, deg_ref, w_ref, b_ref, out_ref):
    a = aggp_ref[0] + aggp_ref[1]
    h = a / jnp.maximum(deg_ref[...], 1.0)
    y = jnp.dot(h, w_ref[...], preferred_element_type=jnp.float32) + b_ref[...]
    out_ref[...] = jnp.maximum(y, 0.0)


def _tc_finish(aggp, deg2d, W, b2d):
    grid = (N_NODES_C // _TC_BLOCK,)
    return pl.pallas_call(
        _tc_body,
        grid=grid,
        in_specs=[
            pl.BlockSpec((NC, _TC_BLOCK, D_C), lambda i: (0, i, 0)),
            pl.BlockSpec((_TC_BLOCK, 1), lambda i: (i, 0)),
            pl.BlockSpec((D_C, D_C), lambda i: (0, 0)),
            pl.BlockSpec((1, D_C), lambda i: (0, 0)),
        ],
        out_specs=pl.BlockSpec((_TC_BLOCK, D_C), lambda i: (i, 0)),
        out_shape=jax.ShapeDtypeStruct((N_NODES_C, D_C), jnp.float32),
    )(aggp, deg2d, W, b2d)


def kernel(edge_index, nodes, embed_table, W, b):
    del nodes
    src = edge_index[0].astype(jnp.int32)
    dst = edge_index[1].astype(jnp.int32)
    zrow = jnp.zeros((ZCH, D_C), jnp.float32)
    zdeg = jnp.zeros((NPAD,), jnp.float32)
    aggp, degp = _sc_aggregate(src, dst, embed_table, zrow, zdeg)
    deg = _tc_degsum(degp.reshape(NW, NPAD))
    deg2d = deg.reshape(NPAD)[:N_NODES_C].reshape(N_NODES_C, 1)
    return _tc_finish(aggp, deg2d, W, b.reshape(1, D_C))

# --- scband reference (transcript-rebuilt; emitter-appended) ---
"""Pipeline reference for scband-node-embedding-gnn-73383811219519 (READ-ONLY COPY).

The authoritative reference and input builder live on the scoring server;
editing this copy changes nothing except your own understanding.
"""

import jax, jax.numpy as jnp
import numpy as np

N_NODES = 10000
N_EDGES = 320000
D = 128

def setup_inputs(seed: int = 0) -> dict:
    key = jax.random.key(seed)
    k1, k2, k3, k4 = jax.random.split(key, 4)
    edge_index = jax.random.randint(k1, (2, N_EDGES), 0, N_NODES, dtype=jnp.int64 if jax.config.jax_enable_x64 else jnp.int32)
    nodes = jnp.arange(N_NODES, dtype=edge_index.dtype)
    embed_table = jax.random.normal(k2, (N_NODES, D), dtype=jnp.float32) * 0.02
    W = jax.random.normal(k3, (D, D), dtype=jnp.float32) * (1.0 / np.sqrt(D))
    b = jnp.zeros((D,), dtype=jnp.float32)
    return {"edge_index": edge_index, "nodes": nodes, "embed_table": embed_table, "W": W, "b": b}

def reference(edge_index, nodes, embed_table, W, b):
    # features = self.embed(nodes)
    features = jnp.take(embed_table, nodes, axis=0)
    # h = self.gnn(g, features): mean-aggregation GraphConv layer
    src = edge_index[0]
    dst = edge_index[1]
    msgs = jnp.take(features, src, axis=0)
    agg = jax.ops.segment_sum(msgs, dst, num_segments=N_NODES)
    deg = jax.ops.segment_sum(jnp.ones((N_EDGES,), dtype=jnp.float32), dst, num_segments=N_NODES)
    h = agg / jnp.maximum(deg, 1.0)[:, None]
    out = jax.nn.relu(h @ W + b)
    return out

if __name__ == "__main__":
    import jax
    _d = setup_inputs()
    print(jax.jit(kernel)(*tuple(_d.values())))

</pallas_src>

<mosaic_0001>
#map = affine_map<(d0, d1) -> (0)>
#map1 = affine_map<(d0, d1) -> (0, 0)>
#map2 = affine_map<(d0, d1) -> (0, 0, 0)>
module attributes {stable_mosaic.version = 14 : i64} {
  func.func @_sc_aggregate(%arg0: i32, %arg1: i32, %arg2: memref<320000xi32, #tpu.memory_space<hbm>>, %arg3: memref<320000xi32, #tpu.memory_space<hbm>>, %arg4: memref<10000x128xf32, #tpu.memory_space<hbm>>, %arg5: memref<48x128xf32, #tpu.memory_space<hbm>>, %arg6: memref<10240xf32, #tpu.memory_space<hbm>>, %arg7: memref<2x10000x128xf32, #tpu.memory_space<hbm>>, %arg8: memref<327680xf32, #tpu.memory_space<hbm>>, %arg9: memref<10000x128xf32, #tpu.memory_space<vmem_shared>>, %arg10: memref<1664xi32, #tpu.memory_space<vmem>>, %arg11: memref<13x128xi32, #tpu.memory_space<vmem>>, %arg12: memref<16xi32, #tpu.memory_space<vmem>>, %arg13: memref<16xi32, #tpu.memory_space<vmem>>, %arg14: memref<128x128xf32, #tpu.memory_space<vmem>>, %arg15: memref<128x128xf32, #tpu.memory_space<vmem>>, %arg16: memref<10240xf32, #tpu.memory_space<vmem>>, %arg17: memref<!tpu.dma_semaphore, #tpu.memory_space<semaphore_mem>>, %arg18: memref<!tpu.dma_semaphore, #tpu.memory_space<semaphore_mem>>, %arg19: memref<!tpu.dma_semaphore, #tpu.memory_space<semaphore_mem>>, %arg20: memref<!tpu.dma_semaphore, #tpu.memory_space<semaphore_mem>>, %arg21: memref<!tpu.dma_semaphore, #tpu.memory_space<semaphore_mem>>) attributes {dimension_semantics = [#tpu.dimension_semantics<core_parallel>, #tpu.dimension_semantics<subcore_parallel>], iteration_bounds = array<i64: 2, 16>, scalar_prefetch = 0 : i64, scratch_operands = 13 : i64, tpu.core_type = #tpu.core_type<sc_vector_subcore>, window_params = [{transform_indices = #map}, {transform_indices = #map}, {transform_indices = #map1}, {transform_indices = #map1}, {transform_indices = #map}, {transform_indices = #map2}, {transform_indices = #map}]} {
    %mul3A = arith.constant 16 : i32
    %mul3A_0 = arith.muli %arg0, %mul3A : i32
    %add3A = arith.addi %mul3A_0, %arg1 : i32
    %mul3A_1 = arith.constant 624 : i32
    %mul3A_2 = arith.muli %arg1, %mul3A_1 : i32
    %multiple_of3A = tpu.assume_multiple %mul3A_2, 8 : i32
    "tpu.region"() ({
      %run_scoped3A = tpu.sem_alloc : memref<!tpu.dma_semaphore, #tpu.memory_space<semaphore_mem>>
      %dma_start3A_49 = arith.constant 0 : i32
      %dma_start3A_50 = arith.constant 0 : i32
      %dma_start3A_51 = tpu.memref_slice %arg14[%dma_start3A_49, %dma_start3A_50] : memref<128x128xf32, #tpu.memory_space<vmem>> -> memref<48x128xf32, #tpu.memory_space<vmem>>
      %dma_start3A_52 = arith.constant 0 : i32
      %dma_start3A_53 = arith.constant 0 : i32
      %dma_start3A_54 = tpu.memref_slice %arg14[%dma_start3A_52, %dma_start3A_53] : memref<128x128xf32, #tpu.memory_space<vmem>> -> memref<48x128xf32, #tpu.memory_space<vmem>>
      tpu.enqueue_dma source(%arg5 : memref<48x128xf32, #tpu.memory_space<hbm>>) target(%dma_start3A_54 : memref<48x128xf32, #tpu.memory_space<vmem>>) target_semaphore(%run_scoped3A : memref<!tpu.dma_semaphore, #tpu.memory_space<semaphore_mem>>)
      %dma_wait3A_55 = arith.constant 0 : i32
      %dma_wait3A_56 = arith.constant 0 : i32
      %dma_wait3A_57 = tpu.memref_slice %arg14[%dma_wait3A_55, %dma_wait3A_56] : memref<128x128xf32, #tpu.memory_space<vmem>> -> memref<48x128xf32, #tpu.memory_space<vmem>>
      %dma_wait3A_58 = arith.constant 0 : i32
      %dma_wait3A_59 = arith.constant 0 : i32
      %dma_wait3A_60 = tpu.memref_slice %arg14[%dma_wait3A_58, %dma_wait3A_59] : memref<128x128xf32, #tpu.memory_space<vmem>> -> memref<48x128xf32, #tpu.memory_space<vmem>>
      tpu.wait_dma2 semaphore(%run_scoped3A : memref<!tpu.dma_semaphore, #tpu.memory_space<semaphore_mem>>) src(%arg5 : memref<48x128xf32, #tpu.memory_space<hbm>>) dst(%dma_wait3A_60 : memref<48x128xf32, #tpu.memory_space<vmem>>)
      tpu.yield
    }) : () -> ()
    "tpu.region"() ({
      %run_scoped3A = tpu.sem_alloc : memref<!tpu.dma_semaphore, #tpu.memory_space<semaphore_mem>>
      tpu.enqueue_dma source(%arg6 : memref<10240xf32, #tpu.memory_space<hbm>>) target(%arg16 : memref<10240xf32, #tpu.memory_space<vmem>>) target_semaphore(%run_scoped3A : memref<!tpu.dma_semaphore, #tpu.memory_space<semaphore_mem>>)
      tpu.wait_dma2 semaphore(%run_scoped3A : memref<!tpu.dma_semaphore, #tpu.memory_space<semaphore_mem>>) src(%arg6 : memref<10240xf32, #tpu.memory_space<hbm>>) dst(%arg16 : memref<10240xf32, #tpu.memory_space<vmem>>)
      tpu.yield
    }) : () -> ()
    %scan3A = arith.constant 0 : i32
    %scan3A_3 = arith.constant 0 : i32
    %scan3A_4 = arith.constant 13 : i32
    %scan3A_5 = arith.addi %scan3A_3, %scan3A_4 : i32
    %scan3A_6 = arith.constant 1 : i32
    scf.for %scan3A_49 = %scan3A_3 to %scan3A_5 step %scan3A_6  : i32 {
      %mul3A_50 = arith.constant 48 : i32
      %mul3A_51 = arith.muli %scan3A_49, %mul3A_50 : i32
      %add3A_52 = arith.addi %multiple_of3A, %mul3A_51 : i32
      %multiple_of3A_53 = tpu.assume_multiple %add3A_52, 8 : i32
      "tpu.region"() ({
        %run_scoped3A = tpu.sem_alloc : memref<!tpu.dma_semaphore, #tpu.memory_space<semaphore_mem>>
        %dma_start3A_54 = arith.constant 0 : i32
        %dma_start3A_55 = arith.constant 0 : i32
        %dma_start3A_56 = tpu.memref_slice %arg14[%dma_start3A_54, %dma_start3A_55] : memref<128x128xf32, #tpu.memory_space<vmem>> -> memref<48x128xf32, #tpu.memory_space<vmem>>
        %dma_start3A_57 = arith.constant 0 : i32
        %dma_start3A_58 = tpu.memref_slice %arg9[%multiple_of3A_53, %dma_start3A_57] : memref<10000x128xf32, #tpu.memory_space<vmem_shared>> -> memref<48x128xf32, #tpu.memory_space<vmem_shared>>
        %dma_start3A_59 = arith.constant 0 : i32
        %dma_start3A_60 = tpu.memref_slice %arg9[%multiple_of3A_53, %dma_start3A_59] : memref<10000x128xf32, #tpu.memory_space<vmem_shared>> -> memref<48x128xf32, #tpu.memory_space<vmem_shared>>
        %dma_start3A_61 = arith.constant 0 : i32
        %dma_start3A_62 = arith.constant 0 : i32
        %dma_start3A_63 = tpu.memref_slice %arg14[%dma_start3A_61, %dma_start3A_62] : memref<128x128xf32, #tpu.memory_space<vmem>> -> memref<48x128xf32, #tpu.memory_space<vmem>>
        tpu.enqueue_dma source(%dma_start3A_63 : memref<48x128xf32, #tpu.memory_space<vmem>>) target(%dma_start3A_60 : memref<48x128xf32, #tpu.memory_space<vmem_shared>>) target_semaphore(%run_scoped3A : memref<!tpu.dma_semaphore, #tpu.memory_space<semaphore_mem>>)
        %dma_wait3A_64 = arith.constant 0 : i32
        %dma_wait3A_65 = arith.constant 0 : i32
        %dma_wait3A_66 = tpu.memref_slice %arg14[%dma_wait3A_64, %dma_wait3A_65] : memref<128x128xf32, #tpu.memory_space<vmem>> -> memref<48x128xf32, #tpu.memory_space<vmem>>
        %dma_wait3A_67 = arith.constant 0 : i32
        %dma_wait3A_68 = tpu.memref_slice %arg9[%multiple_of3A_53, %dma_wait3A_67] : memref<10000x128xf32, #tpu.memory_space<vmem_shared>> -> memref<48x128xf32, #tpu.memory_space<vmem_shared>>
        %dma_wait3A_69 = arith.constant 0 : i32
        %dma_wait3A_70 = tpu.memref_slice %arg9[%multiple_of3A_53, %dma_wait3A_69] : memref<10000x128xf32, #tpu.memory_space<vmem_shared>> -> memref<48x128xf32, #tpu.memory_space<vmem_shared>>
        %dma_wait3A_71 = arith.constant 0 : i32
        %dma_wait3A_72 = arith.constant 0 : i32
        %dma_wait3A_73 = tpu.memref_slice %arg14[%dma_wait3A_71, %dma_wait3A_72] : memref<128x128xf32, #tpu.memory_space<vmem>> -> memref<48x128xf32, #tpu.memory_space<vmem>>
        tpu.wait_dma2 semaphore(%run_scoped3A : memref<!tpu.dma_semaphore, #tpu.memory_space<semaphore_mem>>) src(%dma_wait3A_73 : memref<48x128xf32, #tpu.memory_space<vmem>>) dst(%dma_wait3A_70 : memref<48x128xf32, #tpu.memory_space<vmem_shared>>)
        tpu.yield
      }) : () -> ()
    }
    %scan3A_7 = arith.constant 13 : i32
    %eq3A = arith.constant 15 : i32
    %eq3A_8 = arith.cmpi eq, %arg1, %eq3A : i32
    %convert_element_type3A = arith.extui %eq3A_8 : i1 to i32
    %cond3A = arith.constant 0 : i32
    %cond3A_9 = arith.cmpi ne, %convert_element_type3A, %cond3A : i32
    scf.if %cond3A_9 {
      "tpu.region"() ({
        %run_scoped3A = tpu.sem_alloc : memref<!tpu.dma_semaphore, #tpu.memory_space<semaphore_mem>>
        %dma_start3A_49 = arith.constant 0 : i32
        %dma_start3A_50 = arith.constant 0 : i32
        %dma_start3A_51 = tpu.memref_slice %arg14[%dma_start3A_49, %dma_start3A_50] : memref<128x128xf32, #tpu.memory_space<vmem>> -> memref<16x128xf32, #tpu.memory_space<vmem>>
        %dma_start3A_52 = arith.constant 9984 : i32
        %dma_start3A_53 = arith.constant 0 : i32
        %dma_start3A_54 = tpu.memref_slice %arg9[%dma_start3A_52, %dma_start3A_53] : memref<10000x128xf32, #tpu.memory_space<vmem_shared>> -> memref<16x128xf32, #tpu.memory_space<vmem_shared>>
        %dma_start3A_55 = arith.constant 9984 : i32
        %dma_start3A_56 = arith.constant 0 : i32
        %dma_start3A_57 = tpu.memref_slice %arg9[%dma_start3A_55, %dma_start3A_56] : memref<10000x128xf32, #tpu.memory_space<vmem_shared>> -> memref<16x128xf32, #tpu.memory_space<vmem_shared>>
        %dma_start3A_58 = arith.constant 0 : i32
        %dma_start3A_59 = arith.constant 0 : i32
        %dma_start3A_60 = tpu.memref_slice %arg14[%dma_start3A_58, %dma_start3A_59] : memref<128x128xf32, #tpu.memory_space<vmem>> -> memref<16x128xf32, #tpu.memory_space<vmem>>
        tpu.enqueue_dma source(%dma_start3A_60 : memref<16x128xf32, #tpu.memory_space<vmem>>) target(%dma_start3A_57 : memref<16x128xf32, #tpu.memory_space<vmem_shared>>) target_semaphore(%run_scoped3A : memref<!tpu.dma_semaphore, #tpu.memory_space<semaphore_mem>>)
        %dma_wait3A_61 = arith.constant 0 : i32
        %dma_wait3A_62 = arith.constant 0 : i32
        %dma_wait3A_63 = tpu.memref_slice %arg14[%dma_wait3A_61, %dma_wait3A_62] : memref<128x128xf32, #tpu.memory_space<vmem>> -> memref<16x128xf32, #tpu.memory_space<vmem>>
        %dma_wait3A_64 = arith.constant 9984 : i32
        %dma_wait3A_65 = arith.constant 0 : i32
        %dma_wait3A_66 = tpu.memref_slice %arg9[%dma_wait3A_64, %dma_wait3A_65] : memref<10000x128xf32, #tpu.memory_space<vmem_shared>> -> memref<16x128xf32, #tpu.memory_space<vmem_shared>>
        %dma_wait3A_67 = arith.constant 9984 : i32
        %dma_wait3A_68 = arith.constant 0 : i32
        %dma_wait3A_69 = tpu.memref_slice %arg9[%dma_wait3A_67, %dma_wait3A_68] : memref<10000x128xf32, #tpu.memory_space<vmem_shared>> -> memref<16x128xf32, #tpu.memory_space<vmem_shared>>
        %dma_wait3A_70 = arith.constant 0 : i32
        %dma_wait3A_71 = arith.constant 0 : i32
        %dma_wait3A_72 = tpu.memref_slice %arg14[%dma_wait3A_70, %dma_wait3A_71] : memref<128x128xf32, #tpu.memory_space<vmem>> -> memref<16x128xf32, #tpu.memory_space<vmem>>
        tpu.wait_dma2 semaphore(%run_scoped3A : memref<!tpu.dma_semaphore, #tpu.memory_space<semaphore_mem>>) src(%dma_wait3A_72 : memref<16x128xf32, #tpu.memory_space<vmem>>) dst(%dma_wait3A_69 : memref<16x128xf32, #tpu.memory_space<vmem_shared>>)
        tpu.yield
      }) : () -> ()
    } else {
    }
    %barrier3A = arith.constant 0 : index
    tpu.barrier barrier_id(%barrier3A)
    %mul3A_10 = arith.constant 10000 : i32
    %mul3A_11 = arith.muli %add3A, %mul3A_10 : i32
    %broadcast_in_dim3A = arith.constant 1.000000e+00 : f32
    %broadcast_in_dim3A_12 = vector.broadcast %broadcast_in_dim3A : f32 to vector<16xf32>
    %scan3A_13 = arith.constant 0 : i32
    %scan3A_14 = arith.constant 0 : i32
    %scan3A_15 = arith.constant 6 : i32
    %scan3A_16 = arith.addi %scan3A_14, %scan3A_15 : i32
    %scan3A_17 = arith.constant 1 : i32
    scf.for %scan3A_49 = %scan3A_14 to %scan3A_16 step %scan3A_17  : i32 {
      %mul3A_50 = arith.constant 1664 : i32
      %mul3A_51 = arith.muli %scan3A_49, %mul3A_50 : i32
      %add3A_52 = arith.addi %mul3A_11, %mul3A_51 : i32
      %dma_start3A_53 = tpu.memref_slice %arg2[%add3A_52] : memref<320000xi32, #tpu.memory_space<hbm>> -> memref<1664xi32, #tpu.memory_space<hbm>>
      %dma_start3A_54 = tpu.memref_slice %arg2[%add3A_52] : memref<320000xi32, #tpu.memory_space<hbm>> -> memref<1664xi32, #tpu.memory_space<hbm>>
      tpu.enqueue_dma source(%dma_start3A_54 : memref<1664xi32, #tpu.memory_space<hbm>>) target(%arg10 : memref<1664xi32, #tpu.memory_space<vmem>>) target_semaphore(%arg17 : memref<!tpu.dma_semaphore, #tpu.memory_space<semaphore_mem>>)
      %add3A_55 = arith.constant 0 : i32
      %add3A_56 = arith.addi %add3A_52, %add3A_55 : i32
      %dma_start3A_57 = arith.constant 0 : i32
      %dma_start3A_58 = arith.constant 0 : i32
      %dma_start3A_59 = tpu.memref_slice %arg11[%dma_start3A_57, %dma_start3A_58] : memref<13x128xi32, #tpu.memory_space<vmem>> -> memref<1x128xi32, #tpu.memory_space<vmem>>
      %dma_start3A_60 = tpu.memref_squeeze %dma_start3A_59 : memref<1x128xi32, #tpu.memory_space<vmem>> -> memref<128xi32, #tpu.memory_space<vmem>>
      %dma_start3A_61 = tpu.memref_slice %arg3[%add3A_56] : memref<320000xi32, #tpu.memory_space<hbm>> -> memref<128xi32, #tpu.memory_space<hbm>>
      %dma_start3A_62 = arith.constant 0 : i32
      %dma_start3A_63 = tpu.memref_slice %arg11[%dma_start3A_57, %dma_start3A_62] : memref<13x128xi32, #tpu.memory_space<vmem>> -> memref<1x128xi32, #tpu.memory_space<vmem>>
      %dma_start3A_64 = tpu.memref_squeeze %dma_start3A_63 : memref<1x128xi32, #tpu.memory_space<vmem>> -> memref<128xi32, #tpu.memory_space<vmem>>
      %dma_start3A_65 = tpu.memref_slice %arg3[%add3A_56] : memref<320000xi32, #tpu.memory_space<hbm>> -> memref<128xi32, #tpu.memory_space<hbm>>
      tpu.enqueue_dma source(%dma_start3A_65 : memref<128xi32, #tpu.memory_space<hbm>>) target(%dma_start3A_64 : memref<128xi32, #tpu.memory_space<vmem>>) target_semaphore(%arg17 : memref<!tpu.dma_semaphore, #tpu.memory_space<semaphore_mem>>)
      %add3A_66 = arith.constant 128 : i32
      %add3A_67 = arith.addi %add3A_52, %add3A_66 : i32
      %dma_start3A_68 = arith.constant 1 : i32
      %dma_start3A_69 = arith.constant 0 : i32
      %dma_start3A_70 = tpu.memref_slice %arg11[%dma_start3A_68, %dma_start3A_69] : memref<13x128xi32, #tpu.memory_space<vmem>> -> memref<1x128xi32, #tpu.memory_space<vmem>>
      %dma_start3A_71 = tpu.memref_squeeze %dma_start3A_70 : memref<1x128xi32, #tpu.memory_space<vmem>> -> memref<128xi32, #tpu.memory_space<vmem>>
      %dma_start3A_72 = tpu.memref_slice %arg3[%add3A_67] : memref<320000xi32, #tpu.memory_space<hbm>> -> memref<128xi32, #tpu.memory_space<hbm>>
      %dma_start3A_73 = arith.constant 0 : i32
      %dma_start3A_74 = tpu.memref_slice %arg11[%dma_start3A_68, %dma_start3A_73] : memref<13x128xi32, #tpu.memory_space<vmem>> -> memref<1x128xi32, #tpu.memory_space<vmem>>
      %dma_start3A_75 = tpu.memref_squeeze %dma_start3A_74 : memref<1x128xi32, #tpu.memory_space<vmem>> -> memref<128xi32, #tpu.memory_space<vmem>>
      %dma_start3A_76 = tpu.memref_slice %arg3[%add3A_67] : memref<320000xi32, #tpu.memory_space<hbm>> -> memref<128xi32, #tpu.memory_space<hbm>>
      tpu.enqueue_dma source(%dma_start3A_76 : memref<128xi32, #tpu.memory_space<hbm>>) target(%dma_start3A_75 : memref<128xi32, #tpu.memory_space<vmem>>) target_semaphore(%arg17 : memref<!tpu.dma_semaphore, #tpu.memory_space<semaphore_mem>>)
      %add3A_77 = arith.constant 256 : i32
      %add3A_78 = arith.addi %add3A_52, %add3A_77 : i32
      %dma_start3A_79 = arith.constant 2 : i32
      %dma_start3A_80 = arith.constant 0 : i32
      %dma_start3A_81 = tpu.memref_slice %arg11[%dma_start3A_79, %dma_start3A_80] : memref<13x128xi32, #tpu.memory_space<vmem>> -> memref<1x128xi32, #tpu.memory_space<vmem>>
      %dma_start3A_82 = tpu.memref_squeeze %dma_start3A_81 : memref<1x128xi32, #tpu.memory_space<vmem>> -> memref<128xi32, #tpu.memory_space<vmem>>
      %dma_start3A_83 = tpu.memref_slice %arg3[%add3A_78] : memref<320000xi32, #tpu.memory_space<hbm>> -> memref<128xi32, #tpu.memory_space<hbm>>
      %dma_start3A_84 = arith.constant 0 : i32
      %dma_start3A_85 = tpu.memref_slice %arg11[%dma_start3A_79, %dma_start3A_84] : memref<13x128xi32, #tpu.memory_space<vmem>> -> memref<1x128xi32, #tpu.memory_space<vmem>>
      %dma_start3A_86 = tpu.memref_squeeze %dma_start3A_85 : memref<1x128xi32, #tpu.memory_space<vmem>> -> memref<128xi32, #tpu.memory_space<vmem>>
      %dma_start3A_87 = tpu.memref_slice %arg3[%add3A_78] : memref<320000xi32, #tpu.memory_space<hbm>> -> memref<128xi32, #tpu.memory_space<hbm>>
      tpu.enqueue_dma source(%dma_start3A_87 : memref<128xi32, #tpu.memory_space<hbm>>) target(%dma_start3A_86 : memref<128xi32, #tpu.memory_space<vmem>>) target_semaphore(%arg17 : memref<!tpu.dma_semaphore, #tpu.memory_space<semaphore_mem>>)
      %add3A_88 = arith.constant 384 : i32
      %add3A_89 = arith.addi %add3A_52, %add3A_88 : i32
      %dma_start3A_90 = arith.constant 3 : i32
      %dma_start3A_91 = arith.constant 0 : i32
      %dma_start3A_92 = tpu.memref_slice %arg11[%dma_start3A_90, %dma_start3A_91] : memref<13x128xi32, #tpu.memory_space<vmem>> -> memref<1x128xi32, #tpu.memory_space<vmem>>
      %dma_start3A_93 = tpu.memref_squeeze %dma_start3A_92 : memref<1x128xi32, #tpu.memory_space<vmem>> -> memref<128xi32, #tpu.memory_space<vmem>>
      %dma_start3A_94 = tpu.memref_slice %arg3[%add3A_89] : memref<320000xi32, #tpu.memory_space<hbm>> -> memref<128xi32, #tpu.memory_space<hbm>>
      %dma_start3A_95 = arith.constant 0 : i32
      %dma_start3A_96 = tpu.memref_slice %arg11[%dma_start3A_90, %dma_start3A_95] : memref<13x128xi32, #tpu.memory_space<vmem>> -> memref<1x128xi32, #tpu.memory_space<vmem>>
      %dma_start3A_97 = tpu.memref_squeeze %dma_start3A_96 : memref<1x128xi32, #tpu.memory_space<vmem>> -> memref<128xi32, #tpu.memory_space<vmem>>
      %dma_start3A_98 = tpu.memref_slice %arg3[%add3A_89] : memref<320000xi32, #tpu.memory_space<hbm>> -> memref<128xi32, #tpu.memory_space<hbm>>
      tpu.enqueue_dma source(%dma_start3A_98 : memref<128xi32, #tpu.memory_space<hbm>>) target(%dma_start3A_97 : memref<128xi32, #tpu.memory_space<vmem>>) target_semaphore(%arg17 : memref<!tpu.dma_semaphore, #tpu.memory_space<semaphore_mem>>)
      %add3A_99 = arith.constant 512 : i32
      %add3A_100 = arith.addi %add3A_52, %add3A_99 : i32
      %dma_start3A_101 = arith.constant 4 : i32
      %dma_start3A_102 = arith.constant 0 : i32
      %dma_start3A_103 = tpu.memref_slice %arg11[%dma_start3A_101, %dma_start3A_102] : memref<13x128xi32, #tpu.memory_space<vmem>> -> memref<1x128xi32, #tpu.memory_space<vmem>>
      %dma_start3A_104 = tpu.memref_squeeze %dma_start3A_103 : memref<1x128xi32, #tpu.memory_space<vmem>> -> memref<128xi32, #tpu.memory_space<vmem>>
      %dma_start3A_105 = tpu.memref_slice %arg3[%add3A_100] : memref<320000xi32, #tpu.memory_space<hbm>> -> memref<128xi32, #tpu.memory_space<hbm>>
      %dma_start3A_106 = arith.constant 0 : i32
      %dma_start3A_107 = tpu.memref_slice %arg11[%dma_start3A_101, %dma_start3A_106] : memref<13x128xi32, #tpu.memory_space<vmem>> -> memref<1x128xi32, #tpu.memory_space<vmem>>
      %dma_start3A_108 = tpu.memref_squeeze %dma_start3A_107 : memref<1x128xi32, #tpu.memory_space<vmem>> -> memref<128xi32, #tpu.memory_space<vmem>>
      %dma_start3A_109 = tpu.memref_slice %arg3[%add3A_100] : memref<320000xi32, #tpu.memory_space<hbm>> -> memref<128xi32, #tpu.memory_space<hbm>>
      tpu.enqueue_dma source(%dma_start3A_109 : memref<128xi32, #tpu.memory_space<hbm>>) target(%dma_start3A_108 : memref<128xi32, #tpu.memory_space<vmem>>) target_semaphore(%arg17 : memref<!tpu.dma_semaphore, #tpu.memory_space<semaphore_mem>>)
      %add3A_110 = arith.constant 640 : i32
      %add3A_111 = arith.addi %add3A_52, %add3A_110 : i32
      %dma_start3A_112 = arith.constant 5 : i32
      %dma_start3A_113 = arith.constant 0 : i32
      %dma_start3A_114 = tpu.memref_slice %arg11[%dma_start3A_112, %dma_start3A_113] : memref<13x128xi32, #tpu.memory_space<vmem>> -> memref<1x128xi32, #tpu.memory_space<vmem>>
      %dma_start3A_115 = tpu.memref_squeeze %dma_start3A_114 : memref<1x128xi32, #tpu.memory_space<vmem>> -> memref<128xi32, #tpu.memory_space<vmem>>
      %dma_start3A_116 = tpu.memref_slice %arg3[%add3A_111] : memref<320000xi32, #tpu.memory_space<hbm>> -> memref<128xi32, #tpu.memory_space<hbm>>
      %dma_start3A_117 = arith.constant 0 : i32
      %dma_start3A_118 = tpu.memref_slice %arg11[%dma_start3A_112, %dma_start3A_117] : memref<13x128xi32, #tpu.memory_space<vmem>> -> memref<1x128xi32, #tpu.memory_space<vmem>>
      %dma_start3A_119 = tpu.memref_squeeze %dma_start3A_118 : memref<1x128xi32, #tpu.memory_space<vmem>> -> memref<128xi32, #tpu.memory_space<vmem>>
      %dma_start3A_120 = tpu.memref_slice %arg3[%add3A_111] : memref<320000xi32, #tpu.memory_space<hbm>> -> memref<128xi32, #tpu.memory_space<hbm>>
      tpu.enqueue_dma source(%dma_start3A_120 : memref<128xi32, #tpu.memory_space<hbm>>) target(%dma_start3A_119 : memref<128xi32, #tpu.memory_space<vmem>>) target_semaphore(%arg17 : memref<!tpu.dma_semaphore, #tpu.memory_space<semaphore_mem>>)
      %add3A_121 = arith.constant 768 : i32
      %add3A_122 = arith.addi %add3A_52, %add3A_121 : i32
      %dma_start3A_123 = arith.constant 6 : i32
      %dma_start3A_124 = arith.constant 0 : i32
      %dma_start3A_125 = tpu.memref_slice %arg11[%dma_start3A_123, %dma_start3A_124] : memref<13x128xi32, #tpu.memory_space<vmem>> -> memref<1x128xi32, #tpu.memory_space<vmem>>
      %dma_start3A_126 = tpu.memref_squeeze %dma_start3A_125 : memref<1x128xi32, #tpu.memory_space<vmem>> -> memref<128xi32, #tpu.memory_space<vmem>>
      %dma_start3A_127 = tpu.memref_slice %arg3[%add3A_122] : memref<320000xi32, #tpu.memory_space<hbm>> -> memref<128xi32, #tpu.memory_space<hbm>>
      %dma_start3A_128 = arith.constant 0 : i32
      %dma_start3A_129 = tpu.memref_slice %arg11[%dma_start3A_123, %dma_start3A_128] : memref<13x128xi32, #tpu.memory_space<vmem>> -> memref<1x128xi32, #tpu.memory_space<vmem>>
      %dma_start3A_130 = tpu.memref_squeeze %dma_start3A_129 : memref<1x128xi32, #tpu.memory_space<vmem>> -> memref<128xi32, #tpu.memory_space<vmem>>
      %dma_start3A_131 = tpu.memref_slice %arg3[%add3A_122] : memref<320000xi32, #tpu.memory_space<hbm>> -> memref<128xi32, #tpu.memory_space<hbm>>
      tpu.enqueue_dma source(%dma_start3A_131 : memref<128xi32, #tpu.memory_space<hbm>>) target(%dma_start3A_130 : memref<128xi32, #tpu.memory_space<vmem>>) target_semaphore(%arg17 : memref<!tpu.dma_semaphore, #tpu.memory_space<semaphore_mem>>)
      %add3A_132 = arith.constant 896 : i32
      %add3A_133 = arith.addi %add3A_52, %add3A_132 : i32
      %dma_start3A_134 = arith.constant 7 : i32
      %dma_start3A_135 = arith.constant 0 : i32
      %dma_start3A_136 = tpu.memref_slice %arg11[%dma_start3A_134, %dma_start3A_135] : memref<13x128xi32, #tpu.memory_space<vmem>> -> memref<1x128xi32, #tpu.memory_space<vmem>>
      %dma_start3A_137 = tpu.memref_squeeze %dma_start3A_136 : memref<1x128xi32, #tpu.memory_space<vmem>> -> memref<128xi32, #tpu.memory_space<vmem>>
      %dma_start3A_138 = tpu.memref_slice %arg3[%add3A_133] : memref<320000xi32, #tpu.memory_space<hbm>> -> memref<128xi32, #tpu.memory_space<hbm>>
      %dma_start3A_139 = arith.constant 0 : i32
      %dma_start3A_140 = tpu.memref_slice %arg11[%dma_start3A_134, %dma_start3A_139] : memref<13x128xi32, #tpu.memory_space<vmem>> -> memref<1x128xi32, #tpu.memory_space<vmem>>
      %dma_start3A_141 = tpu.memref_squeeze %dma_start3A_140 : memref<1x128xi32, #tpu.memory_space<vmem>> -> memref<128xi32, #tpu.memory_space<vmem>>
      %dma_start3A_142 = tpu.memref_slice %arg3[%add3A_133] : memref<320000xi32, #tpu.memory_space<hbm>> -> memref<128xi32, #tpu.memory_space<hbm>>
      tpu.enqueue_dma source(%dma_start3A_142 : memref<128xi32, #tpu.memory_space<hbm>>) target(%dma_start3A_141 : memref<128xi32, #tpu.memory_space<vmem>>) target_semaphore(%arg17 : memref<!tpu.dma_semaphore, #tpu.memory_space<semaphore_mem>>)
      %add3A_143 = arith.constant 1024 : i32
      %add3A_144 = arith.addi %add3A_52, %add3A_143 : i32
      %dma_start3A_145 = arith.constant 8 : i32
      %dma_start3A_146 = arith.constant 0 : i32
      %dma_start3A_147 = tpu.memref_slice %arg11[%dma_start3A_145, %dma_start3A_146] : memref<13x128xi32, #tpu.memory_space<vmem>> -> memref<1x128xi32, #tpu.memory_space<vmem>>
      %dma_start3A_148 = tpu.memref_squeeze %dma_start3A_147 : memref<1x128xi32, #tpu.memory_space<vmem>> -> memref<128xi32, #tpu.memory_space<vmem>>
      %dma_start3A_149 = tpu.memref_slice %arg3[%add3A_144] : memref<320000xi32, #tpu.memory_space<hbm>> -> memref<128xi32, #tpu.memory_space<hbm>>
      %dma_start3A_150 = arith.constant 0 : i32
      %dma_start3A_151 = tpu.memref_slice %arg11[%dma_start3A_145, %dma_start3A_150] : memref<13x128xi32, #tpu.memory_space<vmem>> -> memref<1x128xi32, #tpu.memory_space<vmem>>
      %dma_start3A_152 = tpu.memref_squeeze %dma_start3A_151 : memref<1x128xi32, #tpu.memory_space<vmem>> -> memref<128xi32, #tpu.memory_space<vmem>>
      %dma_start3A_153 = tpu.memref_slice %arg3[%add3A_144] : memref<320000xi32, #tpu.memory_space<hbm>> -> memref<128xi32, #tpu.memory_space<hbm>>
      tpu.enqueue_dma source(%dma_start3A_153 : memref<128xi32, #tpu.memory_space<hbm>>) target(%dma_start3A_152 : memref<128xi32, #tpu.memory_space<vmem>>) target_semaphore(%arg17 : memref<!tpu.dma_semaphore, #tpu.memory_space<semaphore_mem>>)
      %add3A_154 = arith.constant 1152 : i32
      %add3A_155 = arith.addi %add3A_52, %add3A_154 : i32
      %dma_start3A_156 = arith.constant 9 : i32
      %dma_start3A_157 = arith.constant 0 : i32
      %dma_start3A_158 = tpu.memref_slice %arg11[%dma_start3A_156, %dma_start3A_157] : memref<13x128xi32, #tpu.memory_space<vmem>> -> memref<1x128xi32, #tpu.memory_space<vmem>>
      %dma_start3A_159 = tpu.memref_squeeze %dma_start3A_158 : memref<1x128xi32, #tpu.memory_space<vmem>> -> memref<128xi32, #tpu.memory_space<vmem>>
      %dma_start3A_160 = tpu.memref_slice %arg3[%add3A_155] : memref<320000xi32, #tpu.memory_space<hbm>> -> memref<128xi32, #tpu.memory_space<hbm>>
      %dma_start3A_161 = arith.constant 0 : i32
      %dma_start3A_162 = tpu.memref_slice %arg11[%dma_start3A_156, %dma_start3A_161] : memref<13x128xi32, #tpu.memory_space<vmem>> -> memref<1x128xi32, #tpu.memory_space<vmem>>
      %dma_start3A_163 = tpu.memref_squeeze %dma_start3A_162 : memref<1x128xi32, #tpu.memory_space<vmem>> -> memref<128xi32, #tpu.memory_space<vmem>>
      %dma_start3A_164 = tpu.memref_slice %arg3[%add3A_155] : memref<320000xi32, #tpu.memory_space<hbm>> -> memref<128xi32, #tpu.memory_space<hbm>>
      tpu.enqueue_dma source(%dma_start3A_164 : memref<128xi32, #tpu.memory_space<hbm>>) target(%dma_start3A_163 : memref<128xi32, #tpu.memory_space<vmem>>) target_semaphore(%arg17 : memref<!tpu.dma_semaphore, #tpu.memory_space<semaphore_mem>>)
      %add3A_165 = arith.constant 1280 : i32
      %add3A_166 = arith.addi %add3A_52, %add3A_165 : i32
      %dma_start3A_167 = arith.constant 10 : i32
      %dma_start3A_168 = arith.constant 0 : i32
      %dma_start3A_169 = tpu.memref_slice %arg11[%dma_start3A_167, %dma_start3A_168] : memref<13x128xi32, #tpu.memory_space<vmem>> -> memref<1x128xi32, #tpu.memory_space<vmem>>
      %dma_start3A_170 = tpu.memref_squeeze %dma_start3A_169 : memref<1x128xi32, #tpu.memory_space<vmem>> -> memref<128xi32, #tpu.memory_space<vmem>>
      %dma_start3A_171 = tpu.memref_slice %arg3[%add3A_166] : memref<320000xi32, #tpu.memory_space<hbm>> -> memref<128xi32, #tpu.memory_space<hbm>>
      %dma_start3A_172 = arith.constant 0 : i32
      %dma_start3A_173 = tpu.memref_slice %arg11[%dma_start3A_167, %dma_start3A_172] : memref<13x128xi32, #tpu.memory_space<vmem>> -> memref<1x128xi32, #tpu.memory_space<vmem>>
      %dma_start3A_174 = tpu.memref_squeeze %dma_start3A_173 : memref<1x128xi32, #tpu.memory_space<vmem>> -> memref<128xi32, #tpu.memory_space<vmem>>
      %dma_start3A_175 = tpu.memref_slice %arg3[%add3A_166] : memref<320000xi32, #tpu.memory_space<hbm>> -> memref<128xi32, #tpu.memory_space<hbm>>
      tpu.enqueue_dma source(%dma_start3A_175 : memref<128xi32, #tpu.memory_space<hbm>>) target(%dma_start3A_174 : memref<128xi32, #tpu.memory_space<vmem>>) target_semaphore(%arg17 : memref<!tpu.dma_semaphore, #tpu.memory_space<semaphore_mem>>)
      %add3A_176 = arith.constant 1408 : i32
      %add3A_177 = arith.addi %add3A_52, %add3A_176 : i32
      %dma_start3A_178 = arith.constant 11 : i32
      %dma_start3A_179 = arith.constant 0 : i32
      %dma_start3A_180 = tpu.memref_slice %arg11[%dma_start3A_178, %dma_start3A_179] : memref<13x128xi32, #tpu.memory_space<vmem>> -> memref<1x128xi32, #tpu.memory_space<vmem>>
      %dma_start3A_181 = tpu.memref_squeeze %dma_start3A_180 : memref<1x128xi32, #tpu.memory_space<vmem>> -> memref<128xi32, #tpu.memory_space<vmem>>
      %dma_start3A_182 = tpu.memref_slice %arg3[%add3A_177] : memref<320000xi32, #tpu.memory_space<hbm>> -> memref<128xi32, #tpu.memory_space<hbm>>
      %dma_start3A_183 = arith.constant 0 : i32
      %dma_start3A_184 = tpu.memref_slice %arg11[%dma_start3A_178, %dma_start3A_183] : memref<13x128xi32, #tpu.memory_space<vmem>> -> memref<1x128xi32, #tpu.memory_space<vmem>>
      %dma_start3A_185 = tpu.memref_squeeze %dma_start3A_184 : memref<1x128xi32, #tpu.memory_space<vmem>> -> memref<128xi32, #tpu.memory_space<vmem>>
      %dma_start3A_186 = tpu.memref_slice %arg3[%add3A_177] : memref<320000xi32, #tpu.memory_space<hbm>> -> memref<128xi32, #tpu.memory_space<hbm>>
      tpu.enqueue_dma source(%dma_start3A_186 : memref<128xi32, #tpu.memory_space<hbm>>) target(%dma_start3A_185 : memref<128xi32, #tpu.memory_space<vmem>>) target_semaphore(%arg17 : memref<!tpu.dma_semaphore, #tpu.memory_space<semaphore_mem>>)
      %add3A_187 = arith.constant 1536 : i32
      %add3A_188 = arith.addi %add3A_52, %add3A_187 : i32
      %dma_start3A_189 = arith.constant 12 : i32
      %dma_start3A_190 = arith.constant 0 : i32
      %dma_start3A_191 = tpu.memref_slice %arg11[%dma_start3A_189, %dma_start3A_190] : memref<13x128xi32, #tpu.memory_space<vmem>> -> memref<1x128xi32, #tpu.memory_space<vmem>>
      %dma_start3A_192 = tpu.memref_squeeze %dma_start3A_191 : memref<1x128xi32, #tpu.memory_space<vmem>> -> memref<128xi32, #tpu.memory_space<vmem>>
      %dma_start3A_193 = tpu.memref_slice %arg3[%add3A_188] : memref<320000xi32, #tpu.memory_space<hbm>> -> memref<128xi32, #tpu.memory_space<hbm>>
      %dma_start3A_194 = arith.constant 0 : i32
      %dma_start3A_195 = tpu.memref_slice %arg11[%dma_start3A_189, %dma_start3A_194] : memref<13x128xi32, #tpu.memory_space<vmem>> -> memref<1x128xi32, #tpu.memory_space<vmem>>
      %dma_start3A_196 = tpu.memref_squeeze %dma_start3A_195 : memref<1x128xi32, #tpu.memory_space<vmem>> -> memref<128xi32, #tpu.memory_space<vmem>>
      %dma_start3A_197 = tpu.memref_slice %arg3[%add3A_188] : memref<320000xi32, #tpu.memory_space<hbm>> -> memref<128xi32, #tpu.memory_space<hbm>>
      tpu.enqueue_dma source(%dma_start3A_197 : memref<128xi32, #tpu.memory_space<hbm>>) target(%dma_start3A_196 : memref<128xi32, #tpu.memory_space<vmem>>) target_semaphore(%arg17 : memref<!tpu.dma_semaphore, #tpu.memory_space<semaphore_mem>>)
      %dma_wait3A_198 = tpu.memref_slice %arg2[%add3A_52] : memref<320000xi32, #tpu.memory_space<hbm>> -> memref<1664xi32, #tpu.memory_space<hbm>>
      %dma_wait3A_199 = tpu.memref_slice %arg2[%add3A_52] : memref<320000xi32, #tpu.memory_space<hbm>> -> memref<1664xi32, #tpu.memory_space<hbm>>
      tpu.wait_dma2 semaphore(%arg17 : memref<!tpu.dma_semaphore, #tpu.memory_space<semaphore_mem>>) src(%dma_wait3A_199 : memref<1664xi32, #tpu.memory_space<hbm>>) dst(%arg10 : memref<1664xi32, #tpu.memory_space<vmem>>)
      %dma_wait3A_200 = arith.constant 0 : i32
      %dma_wait3A_201 = arith.constant 0 : i32
      %dma_wait3A_202 = tpu.memref_slice %arg11[%dma_wait3A_200, %dma_wait3A_201] : memref<13x128xi32, #tpu.memory_space<vmem>> -> memref<1x128xi32, #tpu.memory_space<vmem>>
      %dma_wait3A_203 = tpu.memref_squeeze %dma_wait3A_202 : memref<1x128xi32, #tpu.memory_space<vmem>> -> memref<128xi32, #tpu.memory_space<vmem>>
      %dma_wait3A_204 = tpu.memref_slice %arg3[%add3A_56] : memref<320000xi32, #tpu.memory_space<hbm>> -> memref<128xi32, #tpu.memory_space<hbm>>
      %dma_wait3A_205 = arith.constant 0 : i32
      %dma_wait3A_206 = tpu.memref_slice %arg11[%dma_wait3A_200, %dma_wait3A_205] : memref<13x128xi32, #tpu.memory_space<vmem>> -> memref<1x128xi32, #tpu.memory_space<vmem>>
      %dma_wait3A_207 = tpu.memref_squeeze %dma_wait3A_206 : memref<1x128xi32, #tpu.memory_space<vmem>> -> memref<128xi32, #tpu.memory_space<vmem>>
      %dma_wait3A_208 = tpu.memref_slice %arg3[%add3A_56] : memref<320000xi32, #tpu.memory_space<hbm>> -> memref<128xi32, #tpu.memory_space<hbm>>
      tpu.wait_dma2 semaphore(%arg17 : memref<!tpu.dma_semaphore, #tpu.memory_space<semaphore_mem>>) src(%dma_wait3A_208 : memref<128xi32, #tpu.memory_space<hbm>>) dst(%dma_wait3A_207 : memref<128xi32, #tpu.memory_space<vmem>>)
      %dma_wait3A_209 = arith.constant 1 : i32
      %dma_wait3A_210 = arith.constant 0 : i32
      %dma_wait3A_211 = tpu.memref_slice %arg11[%dma_wait3A_209, %dma_wait3A_210] : memref<13x128xi32, #tpu.memory_space<vmem>> -> memref<1x128xi32, #tpu.memory_space<vmem>>
      %dma_wait3A_212 = tpu.memref_squeeze %dma_wait3A_211 : memref<1x128xi32, #tpu.memory_space<vmem>> -> memref<128xi32, #tpu.memory_space<vmem>>
      %dma_wait3A_213 = tpu.memref_slice %arg3[%add3A_67] : memref<320000xi32, #tpu.memory_space<hbm>> -> memref<128xi32, #tpu.memory_space<hbm>>
      %dma_wait3A_214 = arith.constant 0 : i32
      %dma_wait3A_215 = tpu.memref_slice %arg11[%dma_wait3A_209, %dma_wait3A_214] : memref<13x128xi32, #tpu.memory_space<vmem>> -> memref<1x128xi32, #tpu.memory_space<vmem>>
      %dma_wait3A_216 = tpu.memref_squeeze %dma_wait3A_215 : memref<1x128xi32, #tpu.memory_space<vmem>> -> memref<128xi32, #tpu.memory_space<vmem>>
      %dma_wait3A_217 = tpu.memref_slice %arg3[%add3A_67] : memref<320000xi32, #tpu.memory_space<hbm>> -> memref<128xi32, #tpu.memory_space<hbm>>
      tpu.wait_dma2 semaphore(%arg17 : memref<!tpu.dma_semaphore, #tpu.memory_space<semaphore_mem>>) src(%dma_wait3A_217 : memref<128xi32, #tpu.memory_space<hbm>>) dst(%dma_wait3A_216 : memref<128xi32, #tpu.memory_space<vmem>>)
      %dma_wait3A_218 = arith.constant 2 : i32
      %dma_wait3A_219 = arith.constant 0 : i32
      %dma_wait3A_220 = tpu.memref_slice %arg11[%dma_wait3A_218, %dma_wait3A_219] : memref<13x128xi32, #tpu.memory_space<vmem>> -> memref<1x128xi32, #tpu.memory_space<vmem>>
      %dma_wait3A_221 = tpu.memref_squeeze %dma_wait3A_220 : memref<1x128xi32, #tpu.memory_space<vmem>> -> memref<128xi32, #tpu.memory_space<vmem>>
      %dma_wait3A_222 = tpu.memref_slice %arg3[%add3A_78] : memref<320000xi32, #tpu.memory_space<hbm>> -> memref<128xi32, #tpu.memory_space<hbm>>
      %dma_wait3A_223 = arith.constant 0 : i32
      %dma_wait3A_224 = tpu.memref_slice %arg11[%dma_wait3A_218, %dma_wait3A_223] : memref<13x128xi32, #tpu.memory_space<vmem>> -> memref<1x128xi32, #tpu.memory_space<vmem>>
      %dma_wait3A_225 = tpu.memref_squeeze %dma_wait3A_224 : memref<1x128xi32, #tpu.memory_space<vmem>> -> memref<128xi32, #tpu.memory_space<vmem>>
      %dma_wait3A_226 = tpu.memref_slice %arg3[%add3A_78] : memref<320000xi32, #tpu.memory_space<hbm>> -> memref<128xi32, #tpu.memory_space<hbm>>
      tpu.wait_dma2 semaphore(%arg17 : memref<!tpu.dma_semaphore, #tpu.memory_space<semaphore_mem>>) src(%dma_wait3A_226 : memref<128xi32, #tpu.memory_space<hbm>>) dst(%dma_wait3A_225 : memref<128xi32, #tpu.memory_space<vmem>>)
      %dma_wait3A_227 = arith.constant 3 : i32
      %dma_wait3A_228 = arith.constant 0 : i32
      %dma_wait3A_229 = tpu.memref_slice %arg11[%dma_wait3A_227, %dma_wait3A_228] : memref<13x128xi32, #tpu.memory_space<vmem>> -> memref<1x128xi32, #tpu.memory_space<vmem>>
      %dma_wait3A_230 = tpu.memref_squeeze %dma_wait3A_229 : memref<1x128xi32, #tpu.memory_space<vmem>> -> memref<128xi32, #tpu.memory_space<vmem>>
      %dma_wait3A_231 = tpu.memref_slice %arg3[%add3A_89] : memref<320000xi32, #tpu.memory_space<hbm>> -> memref<128xi32, #tpu.memory_space<hbm>>
      %dma_wait3A_232 = arith.constant 0 : i32
      %dma_wait3A_233 = tpu.memref_slice %arg11[%dma_wait3A_227, %dma_wait3A_232] : memref<13x128xi32, #tpu.memory_space<vmem>> -> memref<1x128xi32, #tpu.memory_space<vmem>>
      %dma_wait3A_234 = tpu.memref_squeeze %dma_wait3A_233 : memref<1x128xi32, #tpu.memory_space<vmem>> -> memref<128xi32, #tpu.memory_space<vmem>>
      %dma_wait3A_235 = tpu.memref_slice %arg3[%add3A_89] : memref<320000xi32, #tpu.memory_space<hbm>> -> memref<128xi32, #tpu.memory_space<hbm>>
      tpu.wait_dma2 semaphore(%arg17 : memref<!tpu.dma_semaphore, #tpu.memory_space<semaphore_mem>>) src(%dma_wait3A_235 : memref<128xi32, #tpu.memory_space<hbm>>) dst(%dma_wait3A_234 : memref<128xi32, #tpu.memory_space<vmem>>)
      %dma_wait3A_236 = arith.constant 4 : i32
      %dma_wait3A_237 = arith.constant 0 : i32
      %dma_wait3A_238 = tpu.memref_slice %arg11[%dma_wait3A_236, %dma_wait3A_237] : memref<13x128xi32, #tpu.memory_space<vmem>> -> memref<1x128xi32, #tpu.memory_space<vmem>>
      %dma_wait3A_239 = tpu.memref_squeeze %dma_wait3A_238 : memref<1x128xi32, #tpu.memory_space<vmem>> -> memref<128xi32, #tpu.memory_space<vmem>>
      %dma_wait3A_240 = tpu.memref_slice %arg3[%add3A_100] : memref<320000xi32, #tpu.memory_space<hbm>> -> memref<128xi32, #tpu.memory_space<hbm>>
      %dma_wait3A_241 = arith.constant 0 : i32
      %dma_wait3A_242 = tpu.memref_slice %arg11[%dma_wait3A_236, %dma_wait3A_241] : memref<13x128xi32, #tpu.memory_space<vmem>> -> memref<1x128xi32, #tpu.memory_space<vmem>>
      %dma_wait3A_243 = tpu.memref_squeeze %dma_wait3A_242 : memref<1x128xi32, #tpu.memory_space<vmem>> -> memref<128xi32, #tpu.memory_space<vmem>>
      %dma_wait3A_244 = tpu.memref_slice %arg3[%add3A_100] : memref<320000xi32, #tpu.memory_space<hbm>> -> memref<128xi32, #tpu.memory_space<hbm>>
      tpu.wait_dma2 semaphore(%arg17 : memref<!tpu.dma_semaphore, #tpu.memory_space<semaphore_mem>>) src(%dma_wait3A_244 : memref<128xi32, #tpu.memory_space<hbm>>) dst(%dma_wait3A_243 : memref<128xi32, #tpu.memory_space<vmem>>)
      %dma_wait3A_245 = arith.constant 5 : i32
      %dma_wait3A_246 = arith.constant 0 : i32
      %dma_wait3A_247 = tpu.memref_slice %arg11[%dma_wait3A_245, %dma_wait3A_246] : memref<13x128xi32, #tpu.memory_space<vmem>> -> memref<1x128xi32, #tpu.memory_space<vmem>>
      %dma_wait3A_248 = tpu.memref_squeeze %dma_wait3A_247 : memref<1x128xi32, #tpu.memory_space<vmem>> -> memref<128xi32, #tpu.memory_space<vmem>>
      %dma_wait3A_249 = tpu.memref_slice %arg3[%add3A_111] : memref<320000xi32, #tpu.memory_space<hbm>> -> memref<128xi32, #tpu.memory_space<hbm>>
      %dma_wait3A_250 = arith.constant 0 : i32
      %dma_wait3A_251 = tpu.memref_slice %arg11[%dma_wait3A_245, %dma_wait3A_250] : memref<13x128xi32, #tpu.memory_space<vmem>> -> memref<1x128xi32, #tpu.memory_space<vmem>>
      %dma_wait3A_252 = tpu.memref_squeeze %dma_wait3A_251 : memref<1x128xi32, #tpu.memory_space<vmem>> -> memref<128xi32, #tpu.memory_space<vmem>>
      %dma_wait3A_253 = tpu.memref_slice %arg3[%add3A_111] : memref<320000xi32, #tpu.memory_space<hbm>> -> memref<128xi32, #tpu.memory_space<hbm>>
      tpu.wait_dma2 semaphore(%arg17 : memref<!tpu.dma_semaphore, #tpu.memory_space<semaphore_mem>>) src(%dma_wait3A_253 : memref<128xi32, #tpu.memory_space<hbm>>) dst(%dma_wait3A_252 : memref<128xi32, #tpu.memory_space<vmem>>)
      %dma_wait3A_254 = arith.constant 6 : i32
      %dma_wait3A_255 = arith.constant 0 : i32
      %dma_wait3A_256 = tpu.memref_slice %arg11[%dma_wait3A_254, %dma_wait3A_255] : memref<13x128xi32, #tpu.memory_space<vmem>> -> memref<1x128xi32, #tpu.memory_space<vmem>>
      %dma_wait3A_257 = tpu.memref_squeeze %dma_wait3A_256 : memref<1x128xi32, #tpu.memory_space<vmem>> -> memref<128xi32, #tpu.memory_space<vmem>>
      %dma_wait3A_258 = tpu.memref_slice %arg3[%add3A_122] : memref<320000xi32, #tpu.memory_space<hbm>> -> memref<128xi32, #tpu.memory_space<hbm>>
      %dma_wait3A_259 = arith.constant 0 : i32
      %dma_wait3A_260 = tpu.memref_slice %arg11[%dma_wait3A_254, %dma_wait3A_259] : memref<13x128xi32, #tpu.memory_space<vmem>> -> memref<1x128xi32, #tpu.memory_space<vmem>>
      %dma_wait3A_261 = tpu.memref_squeeze %dma_wait3A_260 : memref<1x128xi32, #tpu.memory_space<vmem>> -> memref<128xi32, #tpu.memory_space<vmem>>
      %dma_wait3A_262 = tpu.memref_slice %arg3[%add3A_122] : memref<320000xi32, #tpu.memory_space<hbm>> -> memref<128xi32, #tpu.memory_space<hbm>>
      tpu.wait_dma2 semaphore(%arg17 : memref<!tpu.dma_semaphore, #tpu.memory_space<semaphore_mem>>) src(%dma_wait3A_262 : memref<128xi32, #tpu.memory_space<hbm>>) dst(%dma_wait3A_261 : memref<128xi32, #tpu.memory_space<vmem>>)
      %dma_wait3A_263 = arith.constant 7 : i32
      %dma_wait3A_264 = arith.constant 0 : i32
      %dma_wait3A_265 = tpu.memref_slice %arg11[%dma_wait3A_263, %dma_wait3A_264] : memref<13x128xi32, #tpu.memory_space<vmem>> -> memref<1x128xi32, #tpu.memory_space<vmem>>
      %dma_wait3A_266 = tpu.memref_squeeze %dma_wait3A_265 : memref<1x128xi32, #tpu.memory_space<vmem>> -> memref<128xi32, #tpu.memory_space<vmem>>
      %dma_wait3A_267 = tpu.memref_slice %arg3[%add3A_133] : memref<320000xi32, #tpu.memory_space<hbm>> -> memref<128xi32, #tpu.memory_space<hbm>>
      %dma_wait3A_268 = arith.constant 0 : i32
      %dma_wait3A_269 = tpu.memref_slice %arg11[%dma_wait3A_263, %dma_wait3A_268] : memref<13x128xi32, #tpu.memory_space<vmem>> -> memref<1x128xi32, #tpu.memory_space<vmem>>
      %dma_wait3A_270 = tpu.memref_squeeze %dma_wait3A_269 : memref<1x128xi32, #tpu.memory_space<vmem>> -> memref<128xi32, #tpu.memory_space<vmem>>
      %dma_wait3A_271 = tpu.memref_slice %arg3[%add3A_133] : memref<320000xi32, #tpu.memory_space<hbm>> -> memref<128xi32, #tpu.memory_space<hbm>>
      tpu.wait_dma2 semaphore(%arg17 : memref<!tpu.dma_semaphore, #tpu.memory_space<semaphore_mem>>) src(%dma_wait3A_271 : memref<128xi32, #tpu.memory_space<hbm>>) dst(%dma_wait3A_270 : memref<128xi32, #tpu.memory_space<vmem>>)
      %dma_wait3A_272 = arith.constant 8 : i32
      %dma_wait3A_273 = arith.constant 0 : i32
      %dma_wait3A_274 = tpu.memref_slice %arg11[%dma_wait3A_272, %dma_wait3A_273] : memref<13x128xi32, #tpu.memory_space<vmem>> -> memref<1x128xi32, #tpu.memory_space<vmem>>
      %dma_wait3A_275 = tpu.memref_squeeze %dma_wait3A_274 : memref<1x128xi32, #tpu.memory_space<vmem>> -> memref<128xi32, #tpu.memory_space<vmem>>
      %dma_wait3A_276 = tpu.memref_slice %arg3[%add3A_144] : memref<320000xi32, #tpu.memory_space<hbm>> -> memref<128xi32, #tpu.memory_space<hbm>>
      %dma_wait3A_277 = arith.constant 0 : i32
      %dma_wait3A_278 = tpu.memref_slice %arg11[%dma_wait3A_272, %dma_wait3A_277] : memref<13x128xi32, #tpu.memory_space<vmem>> -> memref<1x128xi32, #tpu.memory_space<vmem>>
      %dma_wait3A_279 = tpu.memref_squeeze %dma_wait3A_278 : memref<1x128xi32, #tpu.memory_space<vmem>> -> memref<128xi32, #tpu.memory_space<vmem>>
      %dma_wait3A_280 = tpu.memref_slice %arg3[%add3A_144] : memref<320000xi32, #tpu.memory_space<hbm>> -> memref<128xi32, #tpu.memory_space<hbm>>
      tpu.wait_dma2 semaphore(%arg17 : memref<!tpu.dma_semaphore, #tpu.memory_space<semaphore_mem>>) src(%dma_wait3A_280 : memref<128xi32, #tpu.memory_space<hbm>>) dst(%dma_wait3A_279 : memref<128xi32, #tpu.memory_space<vmem>>)
      %dma_wait3A_281 = arith.constant 9 : i32
      %dma_wait3A_282 = arith.constant 0 : i32
      %dma_wait3A_283 = tpu.memref_slice %arg11[%dma_wait3A_281, %dma_wait3A_282] : memref<13x128xi32, #tpu.memory_space<vmem>> -> memref<1x128xi32, #tpu.memory_space<vmem>>
      %dma_wait3A_284 = tpu.memref_squeeze %dma_wait3A_283 : memref<1x128xi32, #tpu.memory_space<vmem>> -> memref<128xi32, #tpu.memory_space<vmem>>
      %dma_wait3A_285 = tpu.memref_slice %arg3[%add3A_155] : memref<320000xi32, #tpu.memory_space<hbm>> -> memref<128xi32, #tpu.memory_space<hbm>>
      %dma_wait3A_286 = arith.constant 0 : i32
      %dma_wait3A_287 = tpu.memref_slice %arg11[%dma_wait3A_281, %dma_wait3A_286] : memref<13x128xi32, #tpu.memory_space<vmem>> -> memref<1x128xi32, #tpu.memory_space<vmem>>
      %dma_wait3A_288 = tpu.memref_squeeze %dma_wait3A_287 : memref<1x128xi32, #tpu.memory_space<vmem>> -> memref<128xi32, #tpu.memory_space<vmem>>
      %dma_wait3A_289 = tpu.memref_slice %arg3[%add3A_155] : memref<320000xi32, #tpu.memory_space<hbm>> -> memref<128xi32, #tpu.memory_space<hbm>>
      tpu.wait_dma2 semaphore(%arg17 : memref<!tpu.dma_semaphore, #tpu.memory_space<semaphore_mem>>) src(%dma_wait3A_289 : memref<128xi32, #tpu.memory_space<hbm>>) dst(%dma_wait3A_288 : memref<128xi32, #tpu.memory_space<vmem>>)
      %dma_wait3A_290 = arith.constant 10 : i32
      %dma_wait3A_291 = arith.constant 0 : i32
      %dma_wait3A_292 = tpu.memref_slice %arg11[%dma_wait3A_290, %dma_wait3A_291] : memref<13x128xi32, #tpu.memory_space<vmem>> -> memref<1x128xi32, #tpu.memory_space<vmem>>
      %dma_wait3A_293 = tpu.memref_squeeze %dma_wait3A_292 : memref<1x128xi32, #tpu.memory_space<vmem>> -> memref<128xi32, #tpu.memory_space<vmem>>
      %dma_wait3A_294 = tpu.memref_slice %arg3[%add3A_166] : memref<320000xi32, #tpu.memory_space<hbm>> -> memref<128xi32, #tpu.memory_space<hbm>>
      %dma_wait3A_295 = arith.constant 0 : i32
      %dma_wait3A_296 = tpu.memref_slice %arg11[%dma_wait3A_290, %dma_wait3A_295] : memref<13x128xi32, #tpu.memory_space<vmem>> -> memref<1x128xi32, #tpu.memory_space<vmem>>
      %dma_wait3A_297 = tpu.memref_squeeze %dma_wait3A_296 : memref<1x128xi32, #tpu.memory_space<vmem>> -> memref<128xi32, #tpu.memory_space<vmem>>
      %dma_wait3A_298 = tpu.memref_slice %arg3[%add3A_166] : memref<320000xi32, #tpu.memory_space<hbm>> -> memref<128xi32, #tpu.memory_space<hbm>>
      tpu.wait_dma2 semaphore(%arg17 : memref<!tpu.dma_semaphore, #tpu.memory_space<semaphore_mem>>) src(%dma_wait3A_298 : memref<128xi32, #tpu.memory_space<hbm>>) dst(%dma_wait3A_297 : memref<128xi32, #tpu.memory_space<vmem>>)
      %dma_wait3A_299 = arith.constant 11 : i32
      %dma_wait3A_300 = arith.constant 0 : i32
      %dma_wait3A_301 = tpu.memref_slice %arg11[%dma_wait3A_299, %dma_wait3A_300] : memref<13x128xi32, #tpu.memory_space<vmem>> -> memref<1x128xi32, #tpu.memory_space<vmem>>
      %dma_wait3A_302 = tpu.memref_squeeze %dma_wait3A_301 : memref<1x128xi32, #tpu.memory_space<vmem>> -> memref<128xi32, #tpu.memory_space<vmem>>
      %dma_wait3A_303 = tpu.memref_slice %arg3[%add3A_177] : memref<320000xi32, #tpu.memory_space<hbm>> -> memref<128xi32, #tpu.memory_space<hbm>>
      %dma_wait3A_304 = arith.constant 0 : i32
      %dma_wait3A_305 = tpu.memref_slice %arg11[%dma_wait3A_299, %dma_wait3A_304] : memref<13x128xi32, #tpu.memory_space<vmem>> -> memref<1x128xi32, #tpu.memory_space<vmem>>
      %dma_wait3A_306 = tpu.memref_squeeze %dma_wait3A_305 : memref<1x128xi32, #tpu.memory_space<vmem>> -> memref<128xi32, #tpu.memory_space<vmem>>
      %dma_wait3A_307 = tpu.memref_slice %arg3[%add3A_177] : memref<320000xi32, #tpu.memory_space<hbm>> -> memref<128xi32, #tpu.memory_space<hbm>>
      tpu.wait_dma2 semaphore(%arg17 : memref<!tpu.dma_semaphore, #tpu.memory_space<semaphore_mem>>) src(%dma_wait3A_307 : memref<128xi32, #tpu.memory_space<hbm>>) dst(%dma_wait3A_306 : memref<128xi32, #tpu.memory_space<vmem>>)
      %dma_wait3A_308 = arith.constant 12 : i32
      %dma_wait3A_309 = arith.constant 0 : i32
      %dma_wait3A_310 = tpu.memref_slice %arg11[%dma_wait3A_308, %dma_wait3A_309] : memref<13x128xi32, #tpu.memory_space<vmem>> -> memref<1x128xi32, #tpu.memory_space<vmem>>
      %dma_wait3A_311 = tpu.memref_squeeze %dma_wait3A_310 : memref<1x128xi32, #tpu.memory_space<vmem>> -> memref<128xi32, #tpu.memory_space<vmem>>
      %dma_wait3A_312 = tpu.memref_slice %arg3[%add3A_188] : memref<320000xi32, #tpu.memory_space<hbm>> -> memref<128xi32, #tpu.memory_space<hbm>>
      %dma_wait3A_313 = arith.constant 0 : i32
      %dma_wait3A_314 = tpu.memref_slice %arg11[%dma_wait3A_308, %dma_wait3A_313] : memref<13x128xi32, #tpu.memory_space<vmem>> -> memref<1x128xi32, #tpu.memory_space<vmem>>
      %dma_wait3A_315 = tpu.memref_squeeze %dma_wait3A_314 : memref<1x128xi32, #tpu.memory_space<vmem>> -> memref<128xi32, #tpu.memory_space<vmem>>
      %dma_wait3A_316 = tpu.memref_slice %arg3[%add3A_188] : memref<320000xi32, #tpu.memory_space<hbm>> -> memref<128xi32, #tpu.memory_space<hbm>>
      tpu.wait_dma2 semaphore(%arg17 : memref<!tpu.dma_semaphore, #tpu.memory_space<semaphore_mem>>) src(%dma_wait3A_316 : memref<128xi32, #tpu.memory_space<hbm>>) dst(%dma_wait3A_315 : memref<128xi32, #tpu.memory_space<vmem>>)
      %dma_start3A_317 = arith.constant 0 : i32
      %dma_start3A_318 = tpu.memref_slice %arg10[%dma_start3A_317] : memref<1664xi32, #tpu.memory_space<vmem>> -> memref<128xi32, #tpu.memory_space<vmem>>
      %dma_start3A_319 = arith.constant 0 : i32
      %dma_start3A_320 = arith.constant 0 : i32
      %dma_start3A_321 = tpu.memref_slice %arg4[%dma_start3A_319, %dma_start3A_320] : memref<10000x128xf32, #tpu.memory_space<hbm>> -> memref<10000x128xf32, #tpu.memory_space<hbm>>
      tpu.enqueue_indirect_dma source(%dma_start3A_321 : memref<10000x128xf32, #tpu.memory_space<hbm>>) target(%arg14 : memref<128x128xf32, #tpu.memory_space<vmem>>) offsets(%dma_start3A_318 : memref<128xi32, #tpu.memory_space<vmem>>) semaphore(%arg18 : memref<!tpu.dma_semaphore, #tpu.memory_space<semaphore_mem>>)
      %dma_start3A_322 = arith.constant 128 : i32
      %dma_start3A_323 = tpu.memref_slice %arg10[%dma_start3A_322] : memref<1664xi32, #tpu.memory_space<vmem>> -> memref<128xi32, #tpu.memory_space<vmem>>
      %dma_start3A_324 = arith.constant 0 : i32
      %dma_start3A_325 = arith.constant 0 : i32
      %dma_start3A_326 = tpu.memref_slice %arg4[%dma_start3A_324, %dma_start3A_325] : memref<10000x128xf32, #tpu.memory_space<hbm>> -> memref<10000x128xf32, #tpu.memory_space<hbm>>
      tpu.enqueue_indirect_dma source(%dma_start3A_326 : memref<10000x128xf32, #tpu.memory_space<hbm>>) target(%arg15 : memref<128x128xf32, #tpu.memory_space<vmem>>) offsets(%dma_start3A_323 : memref<128xi32, #tpu.memory_space<vmem>>) semaphore(%arg19 : memref<!tpu.dma_semaphore, #tpu.memory_space<semaphore_mem>>)
      %dma_wait3A_327 = arith.constant 0 : i32
      %dma_wait3A_328 = tpu.memref_slice %arg10[%dma_wait3A_327] : memref<1664xi32, #tpu.memory_space<vmem>> -> memref<128xi32, #tpu.memory_space<vmem>>
      %dma_wait3A_329 = arith.constant 0 : i32
      %dma_wait3A_330 = arith.constant 0 : i32
      %dma_wait3A_331 = tpu.memref_slice %arg4[%dma_wait3A_329, %dma_wait3A_330] : memref<10000x128xf32, #tpu.memory_space<hbm>> -> memref<10000x128xf32, #tpu.memory_space<hbm>>
      tpu.wait_indirect_dma semaphore(%arg18 : memref<!tpu.dma_semaphore, #tpu.memory_space<semaphore_mem>>) src(%dma_wait3A_331 : memref<10000x128xf32, #tpu.memory_space<hbm>>) dst(%arg14 : memref<128x128xf32, #tpu.memory_space<vmem>>)
      %run_scoped3A = arith.constant 0 : i32
      "tpu.region"() ({
        %run_scoped3A_875 = tpu.sem_alloc : memref<!tpu.dma_semaphore, #tpu.memory_space<semaphore_mem>>
        %dma_start3A_876 = arith.constant 0 : i32
        %dma_start3A_877 = tpu.memref_slice %arg11[%run_scoped3A, %dma_start3A_876] : memref<13x128xi32, #tpu.memory_space<vmem>> -> memref<1x128xi32, #tpu.memory_space<vmem>>
        %dma_start3A_878 = tpu.memref_squeeze %dma_start3A_877 : memref<1x128xi32, #tpu.memory_space<vmem>> -> memref<128xi32, #tpu.memory_space<vmem>>
        %dma_start3A_879 = arith.constant 0 : i32
        %dma_start3A_880 = arith.constant 0 : i32
        %dma_start3A_881 = tpu.memref_slice %arg9[%dma_start3A_879, %dma_start3A_880] : memref<10000x128xf32, #tpu.memory_space<vmem_shared>> -> memref<10000x128xf32, #tpu.memory_space<vmem_shared>>
        tpu.enqueue_indirect_dma source(%arg14 : memref<128x128xf32, #tpu.memory_space<vmem>>) target(%dma_start3A_881 : memref<10000x128xf32, #tpu.memory_space<vmem_shared>>) offsets(%dma_start3A_878 : memref<128xi32, #tpu.memory_space<vmem>>) semaphore(%run_scoped3A_875 : memref<!tpu.dma_semaphore, #tpu.memory_space<semaphore_mem>>) {add = true}
        %dma_wait3A_882 = arith.constant 0 : i32
        %dma_wait3A_883 = tpu.memref_slice %arg11[%run_scoped3A, %dma_wait3A_882] : memref<13x128xi32, #tpu.memory_space<vmem>> -> memref<1x128xi32, #tpu.memory_space<vmem>>
        %dma_wait3A_884 = tpu.memref_squeeze %dma_wait3A_883 : memref<1x128xi32, #tpu.memory_space<vmem>> -> memref<128xi32, #tpu.memory_space<vmem>>
        %dma_wait3A_885 = arith.constant 0 : i32
        %dma_wait3A_886 = arith.constant 0 : i32
        %dma_wait3A_887 = tpu.memref_slice %arg9[%dma_wait3A_885, %dma_wait3A_886] : memref<10000x128xf32, #tpu.memory_space<vmem_shared>> -> memref<10000x128xf32, #tpu.memory_space<vmem_shared>>
        tpu.wait_indirect_dma semaphore(%run_scoped3A_875 : memref<!tpu.dma_semaphore, #tpu.memory_space<semaphore_mem>>) src(%arg14 : memref<128x128xf32, #tpu.memory_space<vmem>>) dst(%dma_wait3A_887 : memref<10000x128xf32, #tpu.memory_space<vmem_shared>>)
        tpu.yield
      }) : () -> ()
      %get3A_332 = arith.constant 0 : i32
      %get3A_333 = arith.index_cast %get3A_332 : i32 to index
      %get3A_334 = arith.constant 0 : index
      %get3A_335 = tpu.vector_load %arg11[%get3A_333, %get3A_334] {strides = array<i32>} : memref<13x128xi32, #tpu.memory_space<vmem>>, vector<16xi32>,
      tpu.vector_store_idx %arg16[%get3A_335], %broadcast_in_dim3A_12 {add = true} : memref<10240xf32, #tpu.memory_space<vmem>>[vector<16xi32>], vector<16xf32>,
      %get3A_336 = arith.constant 0 : i32
      %get3A_337 = arith.index_cast %get3A_336 : i32 to index
      %get3A_338 = arith.constant 16 : index
      %get3A_339 = tpu.vector_load %arg11[%get3A_337, %get3A_338] {strides = array<i32>} : memref<13x128xi32, #tpu.memory_space<vmem>>, vector<16xi32>,
      tpu.vector_store_idx %arg16[%get3A_339], %broadcast_in_dim3A_12 {add = true} : memref<10240xf32, #tpu.memory_space<vmem>>[vector<16xi32>], vector<16xf32>,
      %get3A_340 = arith.constant 0 : i32
      %get3A_341 = arith.index_cast %get3A_340 : i32 to index
      %get3A_342 = arith.constant 32 : index
      %get3A_343 = tpu.vector_load %arg11[%get3A_341, %get3A_342] {strides = array<i32>} : memref<13x128xi32, #tpu.memory_space<vmem>>, vector<16xi32>,
      tpu.vector_store_idx %arg16[%get3A_343], %broadcast_in_dim3A_12 {add = true} : memref<10240xf32, #tpu.memory_space<vmem>>[vector<16xi32>], vector<16xf32>,
      %get3A_344 = arith.constant 0 : i32
      %get3A_345 = arith.index_cast %get3A_344 : i32 to index
      %get3A_346 = arith.constant 48 : index
      %get3A_347 = tpu.vector_load %arg11[%get3A_345, %get3A_346] {strides = array<i32>} : memref<13x128xi32, #tpu.memory_space<vmem>>, vector<16xi32>,
      tpu.vector_store_idx %arg16[%get3A_347], %broadcast_in_dim3A_12 {add = true} : memref<10240xf32, #tpu.memory_space<vmem>>[vector<16xi32>], vector<16xf32>,
      %get3A_348 = arith.constant 0 : i32
      %get3A_349 = arith.index_cast %get3A_348 : i32 to index
      %get3A_350 = arith.constant 64 : index
      %get3A_351 = tpu.vector_load %arg11[%get3A_349, %get3A_350] {strides = array<i32>} : memref<13x128xi32, #tpu.memory_space<vmem>>, vector<16xi32>,
      tpu.vector_store_idx %arg16[%get3A_351], %broadcast_in_dim3A_12 {add = true} : memref<10240xf32, #tpu.memory_space<vmem>>[vector<16xi32>], vector<16xf32>,
      %get3A_352 = arith.constant 0 : i32
      %get3A_353 = arith.index_cast %get3A_352 : i32 to index
      %get3A_354 = arith.constant 80 : index
      %get3A_355 = tpu.vector_load %arg11[%get3A_353, %get3A_354] {strides = array<i32>} : memref<13x128xi32, #tpu.memory_space<vmem>>, vector<16xi32>,
      tpu.vector_store_idx %arg16[%get3A_355], %broadcast_in_dim3A_12 {add = true} : memref<10240xf32, #tpu.memory_space<vmem>>[vector<16xi32>], vector<16xf32>,
      %get3A_356 = arith.constant 0 : i32
      %get3A_357 = arith.index_cast %get3A_356 : i32 to index
      %get3A_358 = arith.constant 96 : index
      %get3A_359 = tpu.vector_load %arg11[%get3A_357, %get3A_358] {strides = array<i32>} : memref<13x128xi32, #tpu.memory_space<vmem>>, vector<16xi32>,
      tpu.vector_store_idx %arg16[%get3A_359], %broadcast_in_dim3A_12 {add = true} : memref<10240xf32, #tpu.memory_space<vmem>>[vector<16xi32>], vector<16xf32>,
      %get3A_360 = arith.constant 0 : i32
      %get3A_361 = arith.index_cast %get3A_360 : i32 to index
      %get3A_362 = arith.constant 112 : index
      %get3A_363 = tpu.vector_load %arg11[%get3A_361, %get3A_362] {strides = array<i32>} : memref<13x128xi32, #tpu.memory_space<vmem>>, vector<16xi32>,
      tpu.vector_store_idx %arg16[%get3A_363], %broadcast_in_dim3A_12 {add = true} : memref<10240xf32, #tpu.memory_space<vmem>>[vector<16xi32>], vector<16xf32>,
      %dma_start3A_364 = arith.constant 256 : i32
      %dma_start3A_365 = tpu.memref_slice %arg10[%dma_start3A_364] : memref<1664xi32, #tpu.memory_space<vmem>> -> memref<128xi32, #tpu.memory_space<vmem>>
      %dma_start3A_366 = arith.constant 0 : i32
      %dma_start3A_367 = arith.constant 0 : i32
      %dma_start3A_368 = tpu.memref_slice %arg4[%dma_start3A_366, %dma_start3A_367] : memref<10000x128xf32, #tpu.memory_space<hbm>> -> memref<10000x128xf32, #tpu.memory_space<hbm>>
      tpu.enqueue_indirect_dma source(%dma_start3A_368 : memref<10000x128xf32, #tpu.memory_space<hbm>>) target(%arg14 : memref<128x128xf32, #tpu.memory_space<vmem>>) offsets(%dma_start3A_365 : memref<128xi32, #tpu.memory_space<vmem>>) semaphore(%arg18 : memref<!tpu.dma_semaphore, #tpu.memory_space<semaphore_mem>>)
      %dma_wait3A_369 = arith.constant 128 : i32
      %dma_wait3A_370 = tpu.memref_slice %arg10[%dma_wait3A_369] : memref<1664xi32, #tpu.memory_space<vmem>> -> memref<128xi32, #tpu.memory_space<vmem>>
      %dma_wait3A_371 = arith.constant 0 : i32
      %dma_wait3A_372 = arith.constant 0 : i32
      %dma_wait3A_373 = tpu.memref_slice %arg4[%dma_wait3A_371, %dma_wait3A_372] : memref<10000x128xf32, #tpu.memory_space<hbm>> -> memref<10000x128xf32, #tpu.memory_space<hbm>>
      tpu.wait_indirect_dma semaphore(%arg19 : memref<!tpu.dma_semaphore, #tpu.memory_space<semaphore_mem>>) src(%dma_wait3A_373 : memref<10000x128xf32, #tpu.memory_space<hbm>>) dst(%arg15 : memref<128x128xf32, #tpu.memory_space<vmem>>)
      %run_scoped3A_374 = arith.constant 1 : i32
      "tpu.region"() ({
        %run_scoped3A_875 = tpu.sem_alloc : memref<!tpu.dma_semaphore, #tpu.memory_space<semaphore_mem>>
        %dma_start3A_876 = arith.constant 0 : i32
        %dma_start3A_877 = tpu.memref_slice %arg11[%run_scoped3A_374, %dma_start3A_876] : memref<13x128xi32, #tpu.memory_space<vmem>> -> memref<1x128xi32, #tpu.memory_space<vmem>>
        %dma_start3A_878 = tpu.memref_squeeze %dma_start3A_877 : memref<1x128xi32, #tpu.memory_space<vmem>> -> memref<128xi32, #tpu.memory_space<vmem>>
        %dma_start3A_879 = arith.constant 0 : i32
        %dma_start3A_880 = arith.constant 0 : i32
        %dma_start3A_881 = tpu.memref_slice %arg9[%dma_start3A_879, %dma_start3A_880] : memref<10000x128xf32, #tpu.memory_space<vmem_shared>> -> memref<10000x128xf32, #tpu.memory_space<vmem_shared>>
        tpu.enqueue_indirect_dma source(%arg15 : memref<128x128xf32, #tpu.memory_space<vmem>>) target(%dma_start3A_881 : memref<10000x128xf32, #tpu.memory_space<vmem_shared>>) offsets(%dma_start3A_878 : memref<128xi32, #tpu.memory_space<vmem>>) semaphore(%run_scoped3A_875 : memref<!tpu.dma_semaphore, #tpu.memory_space<semaphore_mem>>) {add = true}
        %dma_wait3A_882 = arith.constant 0 : i32
        %dma_wait3A_883 = tpu.memref_slice %arg11[%run_scoped3A_374, %dma_wait3A_882] : memref<13x128xi32, #tpu.memory_space<vmem>> -> memref<1x128xi32, #tpu.memory_space<vmem>>
        %dma_wait3A_884 = tpu.memref_squeeze %dma_wait3A_883 : memref<1x128xi32, #tpu.memory_space<vmem>> -> memref<128xi32, #tpu.memory_space<vmem>>
        %dma_wait3A_885 = arith.constant 0 : i32
        %dma_wait3A_886 = arith.constant 0 : i32
        %dma_wait3A_887 = tpu.memref_slice %arg9[%dma_wait3A_885, %dma_wait3A_886] : memref<10000x128xf32, #tpu.memory_space<vmem_shared>> -> memref<10000x128xf32, #tpu.memory_space<vmem_shared>>
        tpu.wait_indirect_dma semaphore(%run_scoped3A_875 : memref<!tpu.dma_semaphore, #tpu.memory_space<semaphore_mem>>) src(%arg15 : memref<128x128xf32, #tpu.memory_space<vmem>>) dst(%dma_wait3A_887 : memref<10000x128xf32, #tpu.memory_space<vmem_shared>>)
        tpu.yield
      }) : () -> ()
      %get3A_375 = arith.constant 1 : i32
      %get3A_376 = arith.index_cast %get3A_375 : i32 to index
      %get3A_377 = arith.constant 0 : index
      %get3A_378 = tpu.vector_load %arg11[%get3A_376, %get3A_377] {strides = array<i32>} : memref<13x128xi32, #tpu.memory_space<vmem>>, vector<16xi32>,
      tpu.vector_store_idx %arg16[%get3A_378], %broadcast_in_dim3A_12 {add = true} : memref<10240xf32, #tpu.memory_space<vmem>>[vector<16xi32>], vector<16xf32>,
      %get3A_379 = arith.constant 1 : i32
      %get3A_380 = arith.index_cast %get3A_379 : i32 to index
      %get3A_381 = arith.constant 16 : index
      %get3A_382 = tpu.vector_load %arg11[%get3A_380, %get3A_381] {strides = array<i32>} : memref<13x128xi32, #tpu.memory_space<vmem>>, vector<16xi32>,
      tpu.vector_store_idx %arg16[%get3A_382], %broadcast_in_dim3A_12 {add = true} : memref<10240xf32, #tpu.memory_space<vmem>>[vector<16xi32>], vector<16xf32>,
      %get3A_383 = arith.constant 1 : i32
      %get3A_384 = arith.index_cast %get3A_383 : i32 to index
      %get3A_385 = arith.constant 32 : index
      %get3A_386 = tpu.vector_load %arg11[%get3A_384, %get3A_385] {strides = array<i32>} : memref<13x128xi32, #tpu.memory_space<vmem>>, vector<16xi32>,
      tpu.vector_store_idx %arg16[%get3A_386], %broadcast_in_dim3A_12 {add = true} : memref<10240xf32, #tpu.memory_space<vmem>>[vector<16xi32>], vector<16xf32>,
      %get3A_387 = arith.constant 1 : i32
      %get3A_388 = arith.index_cast %get3A_387 : i32 to index
      %get3A_389 = arith.constant 48 : index
      %get3A_390 = tpu.vector_load %arg11[%get3A_388, %get3A_389] {strides = array<i32>} : memref<13x128xi32, #tpu.memory_space<vmem>>, vector<16xi32>,
      tpu.vector_store_idx %arg16[%get3A_390], %broadcast_in_dim3A_12 {add = true} : memref<10240xf32, #tpu.memory_space<vmem>>[vector<16xi32>], vector<16xf32>,
      %get3A_391 = arith.constant 1 : i32
      %get3A_392 = arith.index_cast %get3A_391 : i32 to index
      %get3A_393 = arith.constant 64 : index
      %get3A_394 = tpu.vector_load %arg11[%get3A_392, %get3A_393] {strides = array<i32>} : memref<13x128xi32, #tpu.memory_space<vmem>>, vector<16xi32>,
      tpu.vector_store_idx %arg16[%get3A_394], %broadcast_in_dim3A_12 {add = true} : memref<10240xf32, #tpu.memory_space<vmem>>[vector<16xi32>], vector<16xf32>,
      %get3A_395 = arith.constant 1 : i32
      %get3A_396 = arith.index_cast %get3A_395 : i32 to index
      %get3A_397 = arith.constant 80 : index
      %get3A_398 = tpu.vector_load %arg11[%get3A_396, %get3A_397] {strides = array<i32>} : memref<13x128xi32, #tpu.memory_space<vmem>>, vector<16xi32>,
      tpu.vector_store_idx %arg16[%get3A_398], %broadcast_in_dim3A_12 {add = true} : memref<10240xf32, #tpu.memory_space<vmem>>[vector<16xi32>], vector<16xf32>,
      %get3A_399 = arith.constant 1 : i32
      %get3A_400 = arith.index_cast %get3A_399 : i32 to index
      %get3A_401 = arith.constant 96 : index
      %get3A_402 = tpu.vector_load %arg11[%get3A_400, %get3A_401] {strides = array<i32>} : memref<13x128xi32, #tpu.memory_space<vmem>>, vector<16xi32>,
      tpu.vector_store_idx %arg16[%get3A_402], %broadcast_in_dim3A_12 {add = true} : memref<10240xf32, #tpu.memory_space<vmem>>[vector<16xi32>], vector<16xf32>,
      %get3A_403 = arith.constant 1 : i32
      %get3A_404 = arith.index_cast %get3A_403 : i32 to index
      %get3A_405 = arith.constant 112 : index
      %get3A_406 = tpu.vector_load %arg11[%get3A_404, %get3A_405] {strides = array<i32>} : memref<13x128xi32, #tpu.memory_space<vmem>>, vector<16xi32>,
      tpu.vector_store_idx %arg16[%get3A_406], %broadcast_in_dim3A_12 {add = true} : memref<10240xf32, #tpu.memory_space<vmem>>[vector<16xi32>], vector<16xf32>,
      %dma_start3A_407 = arith.constant 384 : i32
      %dma_start3A_408 = tpu.memref_slice %arg10[%dma_start3A_407] : memref<1664xi32, #tpu.memory_space<vmem>> -> memref<128xi32, #tpu.memory_space<vmem>>
      %dma_start3A_409 = arith.constant 0 : i32
      %dma_start3A_410 = arith.constant 0 : i32
      %dma_start3A_411 = tpu.memref_slice %arg4[%dma_start3A_409, %dma_start3A_410] : memref<10000x128xf32, #tpu.memory_space<hbm>> -> memref<10000x128xf32, #tpu.memory_space<hbm>>
      tpu.enqueue_indirect_dma source(%dma_start3A_411 : memref<10000x128xf32, #tpu.memory_space<hbm>>) target(%arg15 : memref<128x128xf32, #tpu.memory_space<vmem>>) offsets(%dma_start3A_408 : memref<128xi32, #tpu.memory_space<vmem>>) semaphore(%arg19 : memref<!tpu.dma_semaphore, #tpu.memory_space<semaphore_mem>>)
      %dma_wait3A_412 = arith.constant 256 : i32
      %dma_wait3A_413 = tpu.memref_slice %arg10[%dma_wait3A_412] : memref<1664xi32, #tpu.memory_space<vmem>> -> memref<128xi32, #tpu.memory_space<vmem>>
      %dma_wait3A_414 = arith.constant 0 : i32
      %dma_wait3A_415 = arith.constant 0 : i32
      %dma_wait3A_416 = tpu.memref_slice %arg4[%dma_wait3A_414, %dma_wait3A_415] : memref<10000x128xf32, #tpu.memory_space<hbm>> -> memref<10000x128xf32, #tpu.memory_space<hbm>>
      tpu.wait_indirect_dma semaphore(%arg18 : memref<!tpu.dma_semaphore, #tpu.memory_space<semaphore_mem>>) src(%dma_wait3A_416 : memref<10000x128xf32, #tpu.memory_space<hbm>>) dst(%arg14 : memref<128x128xf32, #tpu.memory_space<vmem>>)
      %run_scoped3A_417 = arith.constant 2 : i32
      "tpu.region"() ({
        %run_scoped3A_875 = tpu.sem_alloc : memref<!tpu.dma_semaphore, #tpu.memory_space<semaphore_mem>>
        %dma_start3A_876 = arith.constant 0 : i32
        %dma_start3A_877 = tpu.memref_slice %arg11[%run_scoped3A_417, %dma_start3A_876] : memref<13x128xi32, #tpu.memory_space<vmem>> -> memref<1x128xi32, #tpu.memory_space<vmem>>
        %dma_start3A_878 = tpu.memref_squeeze %dma_start3A_877 : memref<1x128xi32, #tpu.memory_space<vmem>> -> memref<128xi32, #tpu.memory_space<vmem>>
        %dma_start3A_879 = arith.constant 0 : i32
        %dma_start3A_880 = arith.constant 0 : i32
        %dma_start3A_881 = tpu.memref_slice %arg9[%dma_start3A_879, %dma_start3A_880] : memref<10000x128xf32, #tpu.memory_space<vmem_shared>> -> memref<10000x128xf32, #tpu.memory_space<vmem_shared>>
        tpu.enqueue_indirect_dma source(%arg14 : memref<128x128xf32, #tpu.memory_space<vmem>>) target(%dma_start3A_881 : memref<10000x128xf32, #tpu.memory_space<vmem_shared>>) offsets(%dma_start3A_878 : memref<128xi32, #tpu.memory_space<vmem>>) semaphore(%run_scoped3A_875 : memref<!tpu.dma_semaphore, #tpu.memory_space<semaphore_mem>>) {add = true}
        %dma_wait3A_882 = arith.constant 0 : i32
        %dma_wait3A_883 = tpu.memref_slice %arg11[%run_scoped3A_417, %dma_wait3A_882] : memref<13x128xi32, #tpu.memory_space<vmem>> -> memref<1x128xi32, #tpu.memory_space<vmem>>
        %dma_wait3A_884 = tpu.memref_squeeze %dma_wait3A_883 : memref<1x128xi32, #tpu.memory_space<vmem>> -> memref<128xi32, #tpu.memory_space<vmem>>
        %dma_wait3A_885 = arith.constant 0 : i32
        %dma_wait3A_886 = arith.constant 0 : i32
        %dma_wait3A_887 = tpu.memref_slice %arg9[%dma_wait3A_885, %dma_wait3A_886] : memref<10000x128xf32, #tpu.memory_space<vmem_shared>> -> memref<10000x128xf32, #tpu.memory_space<vmem_shared>>
        tpu.wait_indirect_dma semaphore(%run_scoped3A_875 : memref<!tpu.dma_semaphore, #tpu.memory_space<semaphore_mem>>) src(%arg14 : memref<128x128xf32, #tpu.memory_space<vmem>>) dst(%dma_wait3A_887 : memref<10000x128xf32, #tpu.memory_space<vmem_shared>>)
        tpu.yield
      }) : () -> ()
      %get3A_418 = arith.constant 2 : i32
      %get3A_419 = arith.index_cast %get3A_418 : i32 to index
      %get3A_420 = arith.constant 0 : index
      %get3A_421 = tpu.vector_load %arg11[%get3A_419, %get3A_420] {strides = array<i32>} : memref<13x128xi32, #tpu.memory_space<vmem>>, vector<16xi32>,
      tpu.vector_store_idx %arg16[%get3A_421], %broadcast_in_dim3A_12 {add = true} : memref<10240xf32, #tpu.memory_space<vmem>>[vector<16xi32>], vector<16xf32>,
      %get3A_422 = arith.constant 2 : i32
      %get3A_423 = arith.index_cast %get3A_422 : i32 to index
      %get3A_424 = arith.constant 16 : index
      %get3A_425 = tpu.vector_load %arg11[%get3A_423, %get3A_424] {strides = array<i32>} : memref<13x128xi32, #tpu.memory_space<vmem>>, vector<16xi32>,
      tpu.vector_store_idx %arg16[%get3A_425], %broadcast_in_dim3A_12 {add = true} : memref<10240xf32, #tpu.memory_space<vmem>>[vector<16xi32>], vector<16xf32>,
      %get3A_426 = arith.constant 2 : i32
      %get3A_427 = arith.index_cast %get3A_426 : i32 to index
      %get3A_428 = arith.constant 32 : index
      %get3A_429 = tpu.vector_load %arg11[%get3A_427, %get3A_428] {strides = array<i32>} : memref<13x128xi32, #tpu.memory_space<vmem>>, vector<16xi32>,
      tpu.vector_store_idx %arg16[%get3A_429], %broadcast_in_dim3A_12 {add = true} : memref<10240xf32, #tpu.memory_space<vmem>>[vector<16xi32>], vector<16xf32>,
      %get3A_430 = arith.constant 2 : i32
      %get3A_431 = arith.index_cast %get3A_430 : i32 to index
      %get3A_432 = arith.constant 48 : index
      %get3A_433 = tpu.vector_load %arg11[%get3A_431, %get3A_432] {strides = array<i32>} : memref<13x128xi32, #tpu.memory_space<vmem>>, vector<16xi32>,
      tpu.vector_store_idx %arg16[%get3A_433], %broadcast_in_dim3A_12 {add = true} : memref<10240xf32, #tpu.memory_space<vmem>>[vector<16xi32>], vector<16xf32>,
      %get3A_434 = arith.constant 2 : i32
      %get3A_435 = arith.index_cast %get3A_434 : i32 to index
      %get3A_436 = arith.constant 64 : index
      %get3A_437 = tpu.vector_load %arg11[%get3A_435, %get3A_436] {strides = array<i32>} : memref<13x128xi32, #tpu.memory_space<vmem>>, vector<16xi32>,
      tpu.vector_store_idx %arg16[%get3A_437], %broadcast_in_dim3A_12 {add = true} : memref<10240xf32, #tpu.memory_space<vmem>>[vector<16xi32>], vector<16xf32>,
      %get3A_438 = arith.constant 2 : i32
      %get3A_439 = arith.index_cast %get3A_438 : i32 to index
      %get3A_440 = arith.constant 80 : index
      %get3A_441 = tpu.vector_load %arg11[%get3A_439, %get3A_440] {strides = array<i32>} : memref<13x128xi32, #tpu.memory_space<vmem>>, vector<16xi32>,
      tpu.vector_store_idx %arg16[%get3A_441], %broadcast_in_dim3A_12 {add = true} : memref<10240xf32, #tpu.memory_space<vmem>>[vector<16xi32>], vector<16xf32>,
      %get3A_442 = arith.constant 2 : i32
      %get3A_443 = arith.index_cast %get3A_442 : i32 to index
      %get3A_444 = arith.constant 96 : index
      %get3A_445 = tpu.vector_load %arg11[%get3A_443, %get3A_444] {strides = array<i32>} : memref<13x128xi32, #tpu.memory_space<vmem>>, vector<16xi32>,
      tpu.vector_store_idx %arg16[%get3A_445], %broadcast_in_dim3A_12 {add = true} : memref<10240xf32, #tpu.memory_space<vmem>>[vector<16xi32>], vector<16xf32>,
      %get3A_446 = arith.constant 2 : i32
      %get3A_447 = arith.index_cast %get3A_446 : i32 to index
      %get3A_448 = arith.constant 112 : index
      %get3A_449 = tpu.vector_load %arg11[%get3A_447, %get3A_448] {strides = array<i32>} : memref<13x128xi32, #tpu.memory_space<vmem>>, vector<16xi32>,
      tpu.vector_store_idx %arg16[%get3A_449], %broadcast_in_dim3A_12 {add = true} : memref<10240xf32, #tpu.memory_space<vmem>>[vector<16xi32>], vector<16xf32>,
      %dma_start3A_450 = arith.constant 512 : i32
      %dma_start3A_451 = tpu.memref_slice %arg10[%dma_start3A_450] : memref<1664xi32, #tpu.memory_space<vmem>> -> memref<128xi32, #tpu.memory_space<vmem>>
      %dma_start3A_452 = arith.constant 0 : i32
      %dma_start3A_453 = arith.constant 0 : i32
      %dma_start3A_454 = tpu.memref_slice %arg4[%dma_start3A_452, %dma_start3A_453] : memref<10000x128xf32, #tpu.memory_space<hbm>> -> memref<10000x128xf32, #tpu.memory_space<hbm>>
      tpu.enqueue_indirect_dma source(%dma_start3A_454 : memref<10000x128xf32, #tpu.memory_space<hbm>>) target(%arg14 : memref<128x128xf32, #tpu.memory_space<vmem>>) offsets(%dma_start3A_451 : memref<128xi32, #tpu.memory_space<vmem>>) semaphore(%arg18 : memref<!tpu.dma_semaphore, #tpu.memory_space<semaphore_mem>>)
      %dma_wait3A_455 = arith.constant 384 : i32
      %dma_wait3A_456 = tpu.memref_slice %arg10[%dma_wait3A_455] : memref<1664xi32, #tpu.memory_space<vmem>> -> memref<128xi32, #tpu.memory_space<vmem>>
      %dma_wait3A_457 = arith.constant 0 : i32
      %dma_wait3A_458 = arith.constant 0 : i32
      %dma_wait3A_459 = tpu.memref_slice %arg4[%dma_wait3A_457, %dma_wait3A_458] : memref<10000x128xf32, #tpu.memory_space<hbm>> -> memref<10000x128xf32, #tpu.memory_space<hbm>>
      tpu.wait_indirect_dma semaphore(%arg19 : memref<!tpu.dma_semaphore, #tpu.memory_space<semaphore_mem>>) src(%dma_wait3A_459 : memref<10000x128xf32, #tpu.memory_space<hbm>>) dst(%arg15 : memref<128x128xf32, #tpu.memory_space<vmem>>)
      %run_scoped3A_460 = arith.constant 3 : i32
      "tpu.region"() ({
        %run_scoped3A_875 = tpu.sem_alloc : memref<!tpu.dma_semaphore, #tpu.memory_space<semaphore_mem>>
        %dma_start3A_876 = arith.constant 0 : i32
        %dma_start3A_877 = tpu.memref_slice %arg11[%run_scoped3A_460, %dma_start3A_876] : memref<13x128xi32, #tpu.memory_space<vmem>> -> memref<1x128xi32, #tpu.memory_space<vmem>>
        %dma_start3A_878 = tpu.memref_squeeze %dma_start3A_877 : memref<1x128xi32, #tpu.memory_space<vmem>> -> memref<128xi32, #tpu.memory_space<vmem>>
        %dma_start3A_879 = arith.constant 0 : i32
        %dma_start3A_880 = arith.constant 0 : i32
        %dma_start3A_881 = tpu.memref_slice %arg9[%dma_start3A_879, %dma_start3A_880] : memref<10000x128xf32, #tpu.memory_space<vmem_shared>> -> memref<10000x128xf32, #tpu.memory_space<vmem_shared>>
        tpu.enqueue_indirect_dma source(%arg15 : memref<128x128xf32, #tpu.memory_space<vmem>>) target(%dma_start3A_881 : memref<10000x128xf32, #tpu.memory_space<vmem_shared>>) offsets(%dma_start3A_878 : memref<128xi32, #tpu.memory_space<vmem>>) semaphore(%run_scoped3A_875 : memref<!tpu.dma_semaphore, #tpu.memory_space<semaphore_mem>>) {add = true}
        %dma_wait3A_882 = arith.constant 0 : i32
        %dma_wait3A_883 = tpu.memref_slice %arg11[%run_scoped3A_460, %dma_wait3A_882] : memref<13x128xi32, #tpu.memory_space<vmem>> -> memref<1x128xi32, #tpu.memory_space<vmem>>
        %dma_wait3A_884 = tpu.memref_squeeze %dma_wait3A_883 : memref<1x128xi32, #tpu.memory_space<vmem>> -> memref<128xi32, #tpu.memory_space<vmem>>
        %dma_wait3A_885 = arith.constant 0 : i32
        %dma_wait3A_886 = arith.constant 0 : i32
        %dma_wait3A_887 = tpu.memref_slice %arg9[%dma_wait3A_885, %dma_wait3A_886] : memref<10000x128xf32, #tpu.memory_space<vmem_shared>> -> memref<10000x128xf32, #tpu.memory_space<vmem_shared>>
        tpu.wait_indirect_dma semaphore(%run_scoped3A_875 : memref<!tpu.dma_semaphore, #tpu.memory_space<semaphore_mem>>) src(%arg15 : memref<128x128xf32, #tpu.memory_space<vmem>>) dst(%dma_wait3A_887 : memref<10000x128xf32, #tpu.memory_space<vmem_shared>>)
        tpu.yield
      }) : () -> ()
      %get3A_461 = arith.constant 3 : i32
      %get3A_462 = arith.index_cast %get3A_461 : i32 to index
      %get3A_463 = arith.constant 0 : index
      %get3A_464 = tpu.vector_load %arg11[%get3A_462, %get3A_463] {strides = array<i32>} : memref<13x128xi32, #tpu.memory_space<vmem>>, vector<16xi32>,
      tpu.vector_store_idx %arg16[%get3A_464], %broadcast_in_dim3A_12 {add = true} : memref<10240xf32, #tpu.memory_space<vmem>>[vector<16xi32>], vector<16xf32>,
      %get3A_465 = arith.constant 3 : i32
      %get3A_466 = arith.index_cast %get3A_465 : i32 to index
      %get3A_467 = arith.constant 16 : index
      %get3A_468 = tpu.vector_load %arg11[%get3A_466, %get3A_467] {strides = array<i32>} : memref<13x128xi32, #tpu.memory_space<vmem>>, vector<16xi32>,
      tpu.vector_store_idx %arg16[%get3A_468], %broadcast_in_dim3A_12 {add = true} : memref<10240xf32, #tpu.memory_space<vmem>>[vector<16xi32>], vector<16xf32>,
      %get3A_469 = arith.constant 3 : i32
      %get3A_470 = arith.index_cast %get3A_469 : i32 to index
      %get3A_471 = arith.constant 32 : index
      %get3A_472 = tpu.vector_load %arg11[%get3A_470, %get3A_471] {strides = array<i32>} : memref<13x128xi32, #tpu.memory_space<vmem>>, vector<16xi32>,
      tpu.vector_store_idx %arg16[%get3A_472], %broadcast_in_dim3A_12 {add = true} : memref<10240xf32, #tpu.memory_space<vmem>>[vector<16xi32>], vector<16xf32>,
      %get3A_473 = arith.constant 3 : i32
      %get3A_474 = arith.index_cast %get3A_473 : i32 to index
      %get3A_475 = arith.constant 48 : index
      %get3A_476 = tpu.vector_load %arg11[%get3A_474, %get3A_475] {strides = array<i32>} : memref<13x128xi32, #tpu.memory_space<vmem>>, vector<16xi32>,
      tpu.vector_store_idx %arg16[%get3A_476], %broadcast_in_dim3A_12 {add = true} : memref<10240xf32, #tpu.memory_space<vmem>>[vector<16xi32>], vector<16xf32>,
      %get3A_477 = arith.constant 3 : i32
      %get3A_478 = arith.index_cast %get3A_477 : i32 to index
      %get3A_479 = arith.constant 64 : index
      %get3A_480 = tpu.vector_load %arg11[%get3A_478, %get3A_479] {strides = array<i32>} : memref<13x128xi32, #tpu.memory_space<vmem>>, vector<16xi32>,
      tpu.vector_store_idx %arg16[%get3A_480], %broadcast_in_dim3A_12 {add = true} : memref<10240xf32, #tpu.memory_space<vmem>>[vector<16xi32>], vector<16xf32>,
      %get3A_481 = arith.constant 3 : i32
      %get3A_482 = arith.index_cast %get3A_481 : i32 to index
      %get3A_483 = arith.constant 80 : index
      %get3A_484 = tpu.vector_load %arg11[%get3A_482, %get3A_483] {strides = array<i32>} : memref<13x128xi32, #tpu.memory_space<vmem>>, vector<16xi32>,
      tpu.vector_store_idx %arg16[%get3A_484], %broadcast_in_dim3A_12 {add = true} : memref<10240xf32, #tpu.memory_space<vmem>>[vector<16xi32>], vector<16xf32>,
      %get3A_485 = arith.constant 3 : i32
      %get3A_486 = arith.index_cast %get3A_485 : i32 to index
      %get3A_487 = arith.constant 96 : index
      %get3A_488 = tpu.vector_load %arg11[%get3A_486, %get3A_487] {strides = array<i32>} : memref<13x128xi32, #tpu.memory_space<vmem>>, vector<16xi32>,
      tpu.vector_store_idx %arg16[%get3A_488], %broadcast_in_dim3A_12 {add = true} : memref<10240xf32, #tpu.memory_space<vmem>>[vector<16xi32>], vector<16xf32>,
      %get3A_489 = arith.constant 3 : i32
      %get3A_490 = arith.index_cast %get3A_489 : i32 to index
      %get3A_491 = arith.constant 112 : index
      %get3A_492 = tpu.vector_load %arg11[%get3A_490, %get3A_491] {strides = array<i32>} : memref<13x128xi32, #tpu.memory_space<vmem>>, vector<16xi32>,
      tpu.vector_store_idx %arg16[%get3A_492], %broadcast_in_dim3A_12 {add = true} : memref<10240xf32, #tpu.memory_space<vmem>>[vector<16xi32>], vector<16xf32>,
      %dma_start3A_493 = arith.constant 640 : i32
      %dma_start3A_494 = tpu.memref_slice %arg10[%dma_start3A_493] : memref<1664xi32, #tpu.memory_space<vmem>> -> memref<128xi32, #tpu.memory_space<vmem>>
      %dma_start3A_495 = arith.constant 0 : i32
      %dma_start3A_496 = arith.constant 0 : i32
      %dma_start3A_497 = tpu.memref_slice %arg4[%dma_start3A_495, %dma_start3A_496] : memref<10000x128xf32, #tpu.memory_space<hbm>> -> memref<10000x128xf32, #tpu.memory_space<hbm>>
      tpu.enqueue_indirect_dma source(%dma_start3A_497 : memref<10000x128xf32, #tpu.memory_space<hbm>>) target(%arg15 : memref<128x128xf32, #tpu.memory_space<vmem>>) offsets(%dma_start3A_494 : memref<128xi32, #tpu.memory_space<vmem>>) semaphore(%arg19 : memref<!tpu.dma_semaphore, #tpu.memory_space<semaphore_mem>>)
      %dma_wait3A_498 = arith.constant 512 : i32
      %dma_wait3A_499 = tpu.memref_slice %arg10[%dma_wait3A_498] : memref<1664xi32, #tpu.memory_space<vmem>> -> memref<128xi32, #tpu.memory_space<vmem>>
      %dma_wait3A_500 = arith.constant 0 : i32
      %dma_wait3A_501 = arith.constant 0 : i32
      %dma_wait3A_502 = tpu.memref_slice %arg4[%dma_wait3A_500, %dma_wait3A_501] : memref<10000x128xf32, #tpu.memory_space<hbm>> -> memref<10000x128xf32, #tpu.memory_space<hbm>>
      tpu.wait_indirect_dma semaphore(%arg18 : memref<!tpu.dma_semaphore, #tpu.memory_space<semaphore_mem>>) src(%dma_wait3A_502 : memref<10000x128xf32, #tpu.memory_space<hbm>>) dst(%arg14 : memref<128x128xf32, #tpu.memory_space<vmem>>)
      %run_scoped3A_503 = arith.constant 4 : i32
      "tpu.region"() ({
        %run_scoped3A_875 = tpu.sem_alloc : memref<!tpu.dma_semaphore, #tpu.memory_space<semaphore_mem>>
        %dma_start3A_876 = arith.constant 0 : i32
        %dma_start3A_877 = tpu.memref_slice %arg11[%run_scoped3A_503, %dma_start3A_876] : memref<13x128xi32, #tpu.memory_space<vmem>> -> memref<1x128xi32, #tpu.memory_space<vmem>>
        %dma_start3A_878 = tpu.memref_squeeze %dma_start3A_877 : memref<1x128xi32, #tpu.memory_space<vmem>> -> memref<128xi32, #tpu.memory_space<vmem>>
        %dma_start3A_879 = arith.constant 0 : i32
        %dma_start3A_880 = arith.constant 0 : i32
        %dma_start3A_881 = tpu.memref_slice %arg9[%dma_start3A_879, %dma_start3A_880] : memref<10000x128xf32, #tpu.memory_space<vmem_shared>> -> memref<10000x128xf32, #tpu.memory_space<vmem_shared>>
        tpu.enqueue_indirect_dma source(%arg14 : memref<128x128xf32, #tpu.memory_space<vmem>>) target(%dma_start3A_881 : memref<10000x128xf32, #tpu.memory_space<vmem_shared>>) offsets(%dma_start3A_878 : memref<128xi32, #tpu.memory_space<vmem>>) semaphore(%run_scoped3A_875 : memref<!tpu.dma_semaphore, #tpu.memory_space<semaphore_mem>>) {add = true}
        %dma_wait3A_882 = arith.constant 0 : i32
        %dma_wait3A_883 = tpu.memref_slice %arg11[%run_scoped3A_503, %dma_wait3A_882] : memref<13x128xi32, #tpu.memory_space<vmem>> -> memref<1x128xi32, #tpu.memory_space<vmem>>
        %dma_wait3A_884 = tpu.memref_squeeze %dma_wait3A_883 : memref<1x128xi32, #tpu.memory_space<vmem>> -> memref<128xi32, #tpu.memory_space<vmem>>
        %dma_wait3A_885 = arith.constant 0 : i32
        %dma_wait3A_886 = arith.constant 0 : i32
        %dma_wait3A_887 = tpu.memref_slice %arg9[%dma_wait3A_885, %dma_wait3A_886] : memref<10000x128xf32, #tpu.memory_space<vmem_shared>> -> memref<10000x128xf32, #tpu.memory_space<vmem_shared>>
        tpu.wait_indirect_dma semaphore(%run_scoped3A_875 : memref<!tpu.dma_semaphore, #tpu.memory_space<semaphore_mem>>) src(%arg14 : memref<128x128xf32, #tpu.memory_space<vmem>>) dst(%dma_wait3A_887 : memref<10000x128xf32, #tpu.memory_space<vmem_shared>>)
        tpu.yield
      }) : () -> ()
      %get3A_504 = arith.constant 4 : i32
      %get3A_505 = arith.index_cast %get3A_504 : i32 to index
      %get3A_506 = arith.constant 0 : index
      %get3A_507 = tpu.vector_load %arg11[%get3A_505, %get3A_506] {strides = array<i32>} : memref<13x128xi32, #tpu.memory_space<vmem>>, vector<16xi32>,
      tpu.vector_store_idx %arg16[%get3A_507], %broadcast_in_dim3A_12 {add = true} : memref<10240xf32, #tpu.memory_space<vmem>>[vector<16xi32>], vector<16xf32>,
      %get3A_508 = arith.constant 4 : i32
      %get3A_509 = arith.index_cast %get3A_508 : i32 to index
      %get3A_510 = arith.constant 16 : index
      %get3A_511 = tpu.vector_load %arg11[%get3A_509, %get3A_510] {strides = array<i32>} : memref<13x128xi32, #tpu.memory_space<vmem>>, vector<16xi32>,
      tpu.vector_store_idx %arg16[%get3A_511], %broadcast_in_dim3A_12 {add = true} : memref<10240xf32, #tpu.memory_space<vmem>>[vector<16xi32>], vector<16xf32>,
      %get3A_512 = arith.constant 4 : i32
      %get3A_513 = arith.index_cast %get3A_512 : i32 to index
      %get3A_514 = arith.constant 32 : index
      %get3A_515 = tpu.vector_load %arg11[%get3A_513, %get3A_514] {strides = array<i32>} : memref<13x128xi32, #tpu.memory_space<vmem>>, vector<16xi32>,
      tpu.vector_store_idx %arg16[%get3A_515], %broadcast_in_dim3A_12 {add = true} : memref<10240xf32, #tpu.memory_space<vmem>>[vector<16xi32>], vector<16xf32>,
      %get3A_516 = arith.constant 4 : i32
      %get3A_517 = arith.index_cast %get3A_516 : i32 to index
      %get3A_518 = arith.constant 48 : index
      %get3A_519 = tpu.vector_load %arg11[%get3A_517, %get3A_518] {strides = array<i32>} : memref<13x128xi32, #tpu.memory_space<vmem>>, vector<16xi32>,
      tpu.vector_store_idx %arg16[%get3A_519], %broadcast_in_dim3A_12 {add = true} : memref<10240xf32, #tpu.memory_space<vmem>>[vector<16xi32>], vector<16xf32>,
      %get3A_520 = arith.constant 4 : i32
      %get3A_521 = arith.index_cast %get3A_520 : i32 to index
      %get3A_522 = arith.constant 64 : index
      %get3A_523 = tpu.vector_load %arg11[%get3A_521, %get3A_522] {strides = array<i32>} : memref<13x128xi32, #tpu.memory_space<vmem>>, vector<16xi32>,
      tpu.vector_store_idx %arg16[%get3A_523], %broadcast_in_dim3A_12 {add = true} : memref<10240xf32, #tpu.memory_space<vmem>>[vector<16xi32>], vector<16xf32>,
      %get3A_524 = arith.constant 4 : i32
      %get3A_525 = arith.index_cast %get3A_524 : i32 to index
      %get3A_526 = arith.constant 80 : index
      %get3A_527 = tpu.vector_load %arg11[%get3A_525, %get3A_526] {strides = array<i32>} : memref<13x128xi32, #tpu.memory_space<vmem>>, vector<16xi32>,
      tpu.vector_store_idx %arg16[%get3A_527], %broadcast_in_dim3A_12 {add = true} : memref<10240xf32, #tpu.memory_space<vmem>>[vector<16xi32>], vector<16xf32>,
      %get3A_528 = arith.constant 4 : i32
      %get3A_529 = arith.index_cast %get3A_528 : i32 to index
      %get3A_530 = arith.constant 96 : index
      %get3A_531 = tpu.vector_load %arg11[%get3A_529, %get3A_530] {strides = array<i32>} : memref<13x128xi32, #tpu.memory_space<vmem>>, vector<16xi32>,
      tpu.vector_store_idx %arg16[%get3A_531], %broadcast_in_dim3A_12 {add = true} : memref<10240xf32, #tpu.memory_space<vmem>>[vector<16xi32>], vector<16xf32>,
      %get3A_532 = arith.constant 4 : i32
      %get3A_533 = arith.index_cast %get3A_532 : i32 to index
      %get3A_534 = arith.constant 112 : index
      %get3A_535 = tpu.vector_load %arg11[%get3A_533, %get3A_534] {strides = array<i32>} : memref<13x128xi32, #tpu.memory_space<vmem>>, vector<16xi32>,
      tpu.vector_store_idx %arg16[%get3A_535], %broadcast_in_dim3A_12 {add = true} : memref<10240xf32, #tpu.memory_space<vmem>>[vector<16xi32>], vector<16xf32>,
      %dma_start3A_536 = arith.constant 768 : i32
      %dma_start3A_537 = tpu.memref_slice %arg10[%dma_start3A_536] : memref<1664xi32, #tpu.memory_space<vmem>> -> memref<128xi32, #tpu.memory_space<vmem>>
      %dma_start3A_538 = arith.constant 0 : i32
      %dma_start3A_539 = arith.constant 0 : i32
      %dma_start3A_540 = tpu.memref_slice %arg4[%dma_start3A_538, %dma_start3A_539] : memref<10000x128xf32, #tpu.memory_space<hbm>> -> memref<10000x128xf32, #tpu.memory_space<hbm>>
      tpu.enqueue_indirect_dma source(%dma_start3A_540 : memref<10000x128xf32, #tpu.memory_space<hbm>>) target(%arg14 : memref<128x128xf32, #tpu.memory_space<vmem>>) offsets(%dma_start3A_537 : memref<128xi32, #tpu.memory_space<vmem>>) semaphore(%arg18 : memref<!tpu.dma_semaphore, #tpu.memory_space<semaphore_mem>>)
      %dma_wait3A_541 = arith.constant 640 : i32
      %dma_wait3A_542 = tpu.memref_slice %arg10[%dma_wait3A_541] : memref<1664xi32, #tpu.memory_space<vmem>> -> memref<128xi32, #tpu.memory_space<vmem>>
      %dma_wait3A_543 = arith.constant 0 : i32
      %dma_wait3A_544 = arith.constant 0 : i32
      %dma_wait3A_545 = tpu.memref_slice %arg4[%dma_wait3A_543, %dma_wait3A_544] : memref<10000x128xf32, #tpu.memory_space<hbm>> -> memref<10000x128xf32, #tpu.memory_space<hbm>>
      tpu.wait_indirect_dma semaphore(%arg19 : memref<!tpu.dma_semaphore, #tpu.memory_space<semaphore_mem>>) src(%dma_wait3A_545 : memref<10000x128xf32, #tpu.memory_space<hbm>>) dst(%arg15 : memref<128x128xf32, #tpu.memory_space<vmem>>)
      %run_scoped3A_546 = arith.constant 5 : i32
      "tpu.region"() ({
        %run_scoped3A_875 = tpu.sem_alloc : memref<!tpu.dma_semaphore, #tpu.memory_space<semaphore_mem>>
        %dma_start3A_876 = arith.constant 0 : i32
        %dma_start3A_877 = tpu.memref_slice %arg11[%run_scoped3A_546, %dma_start3A_876] : memref<13x128xi32, #tpu.memory_space<vmem>> -> memref<1x128xi32, #tpu.memory_space<vmem>>
        %dma_start3A_878 = tpu.memref_squeeze %dma_start3A_877 : memref<1x128xi32, #tpu.memory_space<vmem>> -> memref<128xi32, #tpu.memory_space<vmem>>
        %dma_start3A_879 = arith.constant 0 : i32
        %dma_start3A_880 = arith.constant 0 : i32
        %dma_start3A_881 = tpu.memref_slice %arg9[%dma_start3A_879, %dma_start3A_880] : memref<10000x128xf32, #tpu.memory_space<vmem_shared>> -> memref<10000x128xf32, #tpu.memory_space<vmem_shared>>
        tpu.enqueue_indirect_dma source(%arg15 : memref<128x128xf32, #tpu.memory_space<vmem>>) target(%dma_start3A_881 : memref<10000x128xf32, #tpu.memory_space<vmem_shared>>) offsets(%dma_start3A_878 : memref<128xi32, #tpu.memory_space<vmem>>) semaphore(%run_scoped3A_875 : memref<!tpu.dma_semaphore, #tpu.memory_space<semaphore_mem>>) {add = true}
        %dma_wait3A_882 = arith.constant 0 : i32
        %dma_wait3A_883 = tpu.memref_slice %arg11[%run_scoped3A_546, %dma_wait3A_882] : memref<13x128xi32, #tpu.memory_space<vmem>> -> memref<1x128xi32, #tpu.memory_space<vmem>>
        %dma_wait3A_884 = tpu.memref_squeeze %dma_wait3A_883 : memref<1x128xi32, #tpu.memory_space<vmem>> -> memref<128xi32, #tpu.memory_space<vmem>>
        %dma_wait3A_885 = arith.constant 0 : i32
        %dma_wait3A_886 = arith.constant 0 : i32
        %dma_wait3A_887 = tpu.memref_slice %arg9[%dma_wait3A_885, %dma_wait3A_886] : memref<10000x128xf32, #tpu.memory_space<vmem_shared>> -> memref<10000x128xf32, #tpu.memory_space<vmem_shared>>
        tpu.wait_indirect_dma semaphore(%run_scoped3A_875 : memref<!tpu.dma_semaphore, #tpu.memory_space<semaphore_mem>>) src(%arg15 : memref<128x128xf32, #tpu.memory_space<vmem>>) dst(%dma_wait3A_887 : memref<10000x128xf32, #tpu.memory_space<vmem_shared>>)
        tpu.yield
      }) : () -> ()
      %get3A_547 = arith.constant 5 : i32
      %get3A_548 = arith.index_cast %get3A_547 : i32 to index
      %get3A_549 = arith.constant 0 : index
      %get3A_550 = tpu.vector_load %arg11[%get3A_548, %get3A_549] {strides = array<i32>} : memref<13x128xi32, #tpu.memory_space<vmem>>, vector<16xi32>,
      tpu.vector_store_idx %arg16[%get3A_550], %broadcast_in_dim3A_12 {add = true} : memref<10240xf32, #tpu.memory_space<vmem>>[vector<16xi32>], vector<16xf32>,
      %get3A_551 = arith.constant 5 : i32
      %get3A_552 = arith.index_cast %get3A_551 : i32 to index
      %get3A_553 = arith.constant 16 : index
      %get3A_554 = tpu.vector_load %arg11[%get3A_552, %get3A_553] {strides = array<i32>} : memref<13x128xi32, #tpu.memory_space<vmem>>, vector<16xi32>,
      tpu.vector_store_idx %arg16[%get3A_554], %broadcast_in_dim3A_12 {add = true} : memref<10240xf32, #tpu.memory_space<vmem>>[vector<16xi32>], vector<16xf32>,
      %get3A_555 = arith.constant 5 : i32
      %get3A_556 = arith.index_cast %get3A_555 : i32 to index
      %get3A_557 = arith.constant 32 : index
      %get3A_558 = tpu.vector_load %arg11[%get3A_556, %get3A_557] {strides = array<i32>} : memref<13x128xi32, #tpu.memory_space<vmem>>, vector<16xi32>,
      tpu.vector_store_idx %arg16[%get3A_558], %broadcast_in_dim3A_12 {add = true} : memref<10240xf32, #tpu.memory_space<vmem>>[vector<16xi32>], vector<16xf32>,
      %get3A_559 = arith.constant 5 : i32
      %get3A_560 = arith.index_cast %get3A_559 : i32 to index
      %get3A_561 = arith.constant 48 : index
      %get3A_562 = tpu.vector_load %arg11[%get3A_560, %get3A_561] {strides = array<i32>} : memref<13x128xi32, #tpu.memory_space<vmem>>, vector<16xi32>,
      tpu.vector_store_idx %arg16[%get3A_562], %broadcast_in_dim3A_12 {add = true} : memref<10240xf32, #tpu.memory_space<vmem>>[vector<16xi32>], vector<16xf32>,
      %get3A_563 = arith.constant 5 : i32
      %get3A_564 = arith.index_cast %get3A_563 : i32 to index
      %get3A_565 = arith.constant 64 : index
      %get3A_566 = tpu.vector_load %arg11[%get3A_564, %get3A_565] {strides = array<i32>} : memref<13x128xi32, #tpu.memory_space<vmem>>, vector<16xi32>,
      tpu.vector_store_idx %arg16[%get3A_566], %broadcast_in_dim3A_12 {add = true} : memref<10240xf32, #tpu.memory_space<vmem>>[vector<16xi32>], vector<16xf32>,
      %get3A_567 = arith.constant 5 : i32
      %get3A_568 = arith.index_cast %get3A_567 : i32 to index
      %get3A_569 = arith.constant 80 : index
      %get3A_570 = tpu.vector_load %arg11[%get3A_568, %get3A_569] {strides = array<i32>} : memref<13x128xi32, #tpu.memory_space<vmem>>, vector<16xi32>,
      tpu.vector_store_idx %arg16[%get3A_570], %broadcast_in_dim3A_12 {add = true} : memref<10240xf32, #tpu.memory_space<vmem>>[vector<16xi32>], vector<16xf32>,
      %get3A_571 = arith.constant 5 : i32
      %get3A_572 = arith.index_cast %get3A_571 : i32 to index
      %get3A_573 = arith.constant 96 : index
      %get3A_574 = tpu.vector_load %arg11[%get3A_572, %get3A_573] {strides = array<i32>} : memref<13x128xi32, #tpu.memory_space<vmem>>, vector<16xi32>,
      tpu.vector_store_idx %arg16[%get3A_574], %broadcast_in_dim3A_12 {add = true} : memref<10240xf32, #tpu.memory_space<vmem>>[vector<16xi32>], vector<16xf32>,
      %get3A_575 = arith.constant 5 : i32
      %get3A_576 = arith.index_cast %get3A_575 : i32 to index
      %get3A_577 = arith.constant 112 : index
      %get3A_578 = tpu.vector_load %arg11[%get3A_576, %get3A_577] {strides = array<i32>} : memref<13x128xi32, #tpu.memory_space<vmem>>, vector<16xi32>,
      tpu.vector_store_idx %arg16[%get3A_578], %broadcast_in_dim3A_12 {add = true} : memref<10240xf32, #tpu.memory_space<vmem>>[vector<16xi32>], vector<16xf32>,
      %dma_start3A_579 = arith.constant 896 : i32
      %dma_start3A_580 = tpu.memref_slice %arg10[%dma_start3A_579] : memref<1664xi32, #tpu.memory_space<vmem>> -> memref<128xi32, #tpu.memory_space<vmem>>
      %dma_start3A_581 = arith.constant 0 : i32
      %dma_start3A_582 = arith.constant 0 : i32
      %dma_start3A_583 = tpu.memref_slice %arg4[%dma_start3A_581, %dma_start3A_582] : memref<10000x128xf32, #tpu.memory_space<hbm>> -> memref<10000x128xf32, #tpu.memory_space<hbm>>
      tpu.enqueue_indirect_dma source(%dma_start3A_583 : memref<10000x128xf32, #tpu.memory_space<hbm>>) target(%arg15 : memref<128x128xf32, #tpu.memory_space<vmem>>) offsets(%dma_start3A_580 : memref<128xi32, #tpu.memory_space<vmem>>) semaphore(%arg19 : memref<!tpu.dma_semaphore, #tpu.memory_space<semaphore_mem>>)
      %dma_wait3A_584 = arith.constant 768 : i32
      %dma_wait3A_585 = tpu.memref_slice %arg10[%dma_wait3A_584] : memref<1664xi32, #tpu.memory_space<vmem>> -> memref<128xi32, #tpu.memory_space<vmem>>
      %dma_wait3A_586 = arith.constant 0 : i32
      %dma_wait3A_587 = arith.constant 0 : i32
      %dma_wait3A_588 = tpu.memref_slice %arg4[%dma_wait3A_586, %dma_wait3A_587] : memref<10000x128xf32, #tpu.memory_space<hbm>> -> memref<10000x128xf32, #tpu.memory_space<hbm>>
      tpu.wait_indirect_dma semaphore(%arg18 : memref<!tpu.dma_semaphore, #tpu.memory_space<semaphore_mem>>) src(%dma_wait3A_588 : memref<10000x128xf32, #tpu.memory_space<hbm>>) dst(%arg14 : memref<128x128xf32, #tpu.memory_space<vmem>>)
      %run_scoped3A_589 = arith.constant 6 : i32
      "tpu.region"() ({
        %run_scoped3A_875 = tpu.sem_alloc : memref<!tpu.dma_semaphore, #tpu.memory_space<semaphore_mem>>
        %dma_start3A_876 = arith.constant 0 : i32
        %dma_start3A_877 = tpu.memref_slice %arg11[%run_scoped3A_589, %dma_start3A_876] : memref<13x128xi32, #tpu.memory_space<vmem>> -> memref<1x128xi32, #tpu.memory_space<vmem>>
        %dma_start3A_878 = tpu.memref_squeeze %dma_start3A_877 : memref<1x128xi32, #tpu.memory_space<vmem>> -> memref<128xi32, #tpu.memory_space<vmem>>
        %dma_start3A_879 = arith.constant 0 : i32
        %dma_start3A_880 = arith.constant 0 : i32
        %dma_start3A_881 = tpu.memref_slice %arg9[%dma_start3A_879, %dma_start3A_880] : memref<10000x128xf32, #tpu.memory_space<vmem_shared>> -> memref<10000x128xf32, #tpu.memory_space<vmem_shared>>
        tpu.enqueue_indirect_dma source(%arg14 : memref<128x128xf32, #tpu.memory_space<vmem>>) target(%dma_start3A_881 : memref<10000x128xf32, #tpu.memory_space<vmem_shared>>) offsets(%dma_start3A_878 : memref<128xi32, #tpu.memory_space<vmem>>) semaphore(%run_scoped3A_875 : memref<!tpu.dma_semaphore, #tpu.memory_space<semaphore_mem>>) {add = true}
        %dma_wait3A_882 = arith.constant 0 : i32
        %dma_wait3A_883 = tpu.memref_slice %arg11[%run_scoped3A_589, %dma_wait3A_882] : memref<13x128xi32, #tpu.memory_space<vmem>> -> memref<1x128xi32, #tpu.memory_space<vmem>>
        %dma_wait3A_884 = tpu.memref_squeeze %dma_wait3A_883 : memref<1x128xi32, #tpu.memory_space<vmem>> -> memref<128xi32, #tpu.memory_space<vmem>>
        %dma_wait3A_885 = arith.constant 0 : i32
        %dma_wait3A_886 = arith.constant 0 : i32
        %dma_wait3A_887 = tpu.memref_slice %arg9[%dma_wait3A_885, %dma_wait3A_886] : memref<10000x128xf32, #tpu.memory_space<vmem_shared>> -> memref<10000x128xf32, #tpu.memory_space<vmem_shared>>
        tpu.wait_indirect_dma semaphore(%run_scoped3A_875 : memref<!tpu.dma_semaphore, #tpu.memory_space<semaphore_mem>>) src(%arg14 : memref<128x128xf32, #tpu.memory_space<vmem>>) dst(%dma_wait3A_887 : memref<10000x128xf32, #tpu.memory_space<vmem_shared>>)
        tpu.yield
      }) : () -> ()
      %get3A_590 = arith.constant 6 : i32
      %get3A_591 = arith.index_cast %get3A_590 : i32 to index
      %get3A_592 = arith.constant 0 : index
      %get3A_593 = tpu.vector_load %arg11[%get3A_591, %get3A_592] {strides = array<i32>} : memref<13x128xi32, #tpu.memory_space<vmem>>, vector<16xi32>,
      tpu.vector_store_idx %arg16[%get3A_593], %broadcast_in_dim3A_12 {add = true} : memref<10240xf32, #tpu.memory_space<vmem>>[vector<16xi32>], vector<16xf32>,
      %get3A_594 = arith.constant 6 : i32
      %get3A_595 = arith.index_cast %get3A_594 : i32 to index
      %get3A_596 = arith.constant 16 : index
      %get3A_597 = tpu.vector_load %arg11[%get3A_595, %get3A_596] {strides = array<i32>} : memref<13x128xi32, #tpu.memory_space<vmem>>, vector<16xi32>,
      tpu.vector_store_idx %arg16[%get3A_597], %broadcast_in_dim3A_12 {add = true} : memref<10240xf32, #tpu.memory_space<vmem>>[vector<16xi32>], vector<16xf32>,
      %get3A_598 = arith.constant 6 : i32
      %get3A_599 = arith.index_cast %get3A_598 : i32 to index
      %get3A_600 = arith.constant 32 : index
      %get3A_601 = tpu.vector_load %arg11[%get3A_599, %get3A_600] {strides = array<i32>} : memref<13x128xi32, #tpu.memory_space<vmem>>, vector<16xi32>,
      tpu.vector_store_idx %arg16[%get3A_601], %broadcast_in_dim3A_12 {add = true} : memref<10240xf32, #tpu.memory_space<vmem>>[vector<16xi32>], vector<16xf32>,
      %get3A_602 = arith.constant 6 : i32
      %get3A_603 = arith.index_cast %get3A_602 : i32 to index
      %get3A_604 = arith.constant 48 : index
      %get3A_605 = tpu.vector_load %arg11[%get3A_603, %get3A_604] {strides = array<i32>} : memref<13x128xi32, #tpu.memory_space<vmem>>, vector<16xi32>,
      tpu.vector_store_idx %arg16[%get3A_605], %broadcast_in_dim3A_12 {add = true} : memref<10240xf32, #tpu.memory_space<vmem>>[vector<16xi32>], vector<16xf32>,
      %get3A_606 = arith.constant 6 : i32
      %get3A_607 = arith.index_cast %get3A_606 : i32 to index
      %get3A_608 = arith.constant 64 : index
      %get3A_609 = tpu.vector_load %arg11[%get3A_607, %get3A_608] {strides = array<i32>} : memref<13x128xi32, #tpu.memory_space<vmem>>, vector<16xi32>,
      tpu.vector_store_idx %arg16[%get3A_609], %broadcast_in_dim3A_12 {add = true} : memref<10240xf32, #tpu.memory_space<vmem>>[vector<16xi32>], vector<16xf32>,
      %get3A_610 = arith.constant 6 : i32
      %get3A_611 = arith.index_cast %get3A_610 : i32 to index
      %get3A_612 = arith.constant 80 : index
      %get3A_613 = tpu.vector_load %arg11[%get3A_611, %get3A_612] {strides = array<i32>} : memref<13x128xi32, #tpu.memory_space<vmem>>, vector<16xi32>,
      tpu.vector_store_idx %arg16[%get3A_613], %broadcast_in_dim3A_12 {add = true} : memref<10240xf32, #tpu.memory_space<vmem>>[vector<16xi32>], vector<16xf32>,
      %get3A_614 = arith.constant 6 : i32
      %get3A_615 = arith.index_cast %get3A_614 : i32 to index
      %get3A_616 = arith.constant 96 : index
      %get3A_617 = tpu.vector_load %arg11[%get3A_615, %get3A_616] {strides = array<i32>} : memref<13x128xi32, #tpu.memory_space<vmem>>, vector<16xi32>,
      tpu.vector_store_idx %arg16[%get3A_617], %broadcast_in_dim3A_12 {add = true} : memref<10240xf32, #tpu.memory_space<vmem>>[vector<16xi32>], vector<16xf32>,
      %get3A_618 = arith.constant 6 : i32
      %get3A_619 = arith.index_cast %get3A_618 : i32 to index
      %get3A_620 = arith.constant 112 : index
      %get3A_621 = tpu.vector_load %arg11[%get3A_619, %get3A_620] {strides = array<i32>} : memref<13x128xi32, #tpu.memory_space<vmem>>, vector<16xi32>,
      tpu.vector_store_idx %arg16[%get3A_621], %broadcast_in_dim3A_12 {add = true} : memref<10240xf32, #tpu.memory_space<vmem>>[vector<16xi32>], vector<16xf32>,
      %dma_start3A_622 = arith.constant 1024 : i32
      %dma_start3A_623 = tpu.memref_slice %arg10[%dma_start3A_622] : memref<1664xi32, #tpu.memory_space<vmem>> -> memref<128xi32, #tpu.memory_space<vmem>>
      %dma_start3A_624 = arith.constant 0 : i32
      %dma_start3A_625 = arith.constant 0 : i32
      %dma_start3A_626 = tpu.memref_slice %arg4[%dma_start3A_624, %dma_start3A_625] : memref<10000x128xf32, #tpu.memory_space<hbm>> -> memref<10000x128xf32, #tpu.memory_space<hbm>>
      tpu.enqueue_indirect_dma source(%dma_start3A_626 : memref<10000x128xf32, #tpu.memory_space<hbm>>) target(%arg14 : memref<128x128xf32, #tpu.memory_space<vmem>>) offsets(%dma_start3A_623 : memref<128xi32, #tpu.memory_space<vmem>>) semaphore(%arg18 : memref<!tpu.dma_semaphore, #tpu.memory_space<semaphore_mem>>)
      %dma_wait3A_627 = arith.constant 896 : i32
      %dma_wait3A_628 = tpu.memref_slice %arg10[%dma_wait3A_627] : memref<1664xi32, #tpu.memory_space<vmem>> -> memref<128xi32, #tpu.memory_space<vmem>>
      %dma_wait3A_629 = arith.constant 0 : i32
      %dma_wait3A_630 = arith.constant 0 : i32
      %dma_wait3A_631 = tpu.memref_slice %arg4[%dma_wait3A_629, %dma_wait3A_630] : memref<10000x128xf32, #tpu.memory_space<hbm>> -> memref<10000x128xf32, #tpu.memory_space<hbm>>
      tpu.wait_indirect_dma semaphore(%arg19 : memref<!tpu.dma_semaphore, #tpu.memory_space<semaphore_mem>>) src(%dma_wait3A_631 : memref<10000x128xf32, #tpu.memory_space<hbm>>) dst(%arg15 : memref<128x128xf32, #tpu.memory_space<vmem>>)
      %run_scoped3A_632 = arith.constant 7 : i32
      "tpu.region"() ({
        %run_scoped3A_875 = tpu.sem_alloc : memref<!tpu.dma_semaphore, #tpu.memory_space<semaphore_mem>>
        %dma_start3A_876 = arith.constant 0 : i32
        %dma_start3A_877 = tpu.memref_slice %arg11[%run_scoped3A_632, %dma_start3A_876] : memref<13x128xi32, #tpu.memory_space<vmem>> -> memref<1x128xi32, #tpu.memory_space<vmem>>
        %dma_start3A_878 = tpu.memref_squeeze %dma_start3A_877 : memref<1x128xi32, #tpu.memory_space<vmem>> -> memref<128xi32, #tpu.memory_space<vmem>>
        %dma_start3A_879 = arith.constant 0 : i32
        %dma_start3A_880 = arith.constant 0 : i32
        %dma_start3A_881 = tpu.memref_slice %arg9[%dma_start3A_879, %dma_start3A_880] : memref<10000x128xf32, #tpu.memory_space<vmem_shared>> -> memref<10000x128xf32, #tpu.memory_space<vmem_shared>>
        tpu.enqueue_indirect_dma source(%arg15 : memref<128x128xf32, #tpu.memory_space<vmem>>) target(%dma_start3A_881 : memref<10000x128xf32, #tpu.memory_space<vmem_shared>>) offsets(%dma_start3A_878 : memref<128xi32, #tpu.memory_space<vmem>>) semaphore(%run_scoped3A_875 : memref<!tpu.dma_semaphore, #tpu.memory_space<semaphore_mem>>) {add = true}
        %dma_wait3A_882 = arith.constant 0 : i32
        %dma_wait3A_883 = tpu.memref_slice %arg11[%run_scoped3A_632, %dma_wait3A_882] : memref<13x128xi32, #tpu.memory_space<vmem>> -> memref<1x128xi32, #tpu.memory_space<vmem>>
        %dma_wait3A_884 = tpu.memref_squeeze %dma_wait3A_883 : memref<1x128xi32, #tpu.memory_space<vmem>> -> memref<128xi32, #tpu.memory_space<vmem>>
        %dma_wait3A_885 = arith.constant 0 : i32
        %dma_wait3A_886 = arith.constant 0 : i32
        %dma_wait3A_887 = tpu.memref_slice %arg9[%dma_wait3A_885, %dma_wait3A_886] : memref<10000x128xf32, #tpu.memory_space<vmem_shared>> -> memref<10000x128xf32, #tpu.memory_space<vmem_shared>>
        tpu.wait_indirect_dma semaphore(%run_scoped3A_875 : memref<!tpu.dma_semaphore, #tpu.memory_space<semaphore_mem>>) src(%arg15 : memref<128x128xf32, #tpu.memory_space<vmem>>) dst(%dma_wait3A_887 : memref<10000x128xf32, #tpu.memory_space<vmem_shared>>)
        tpu.yield
      }) : () -> ()
      %get3A_633 = arith.constant 7 : i32
      %get3A_634 = arith.index_cast %get3A_633 : i32 to index
      %get3A_635 = arith.constant 0 : index
      %get3A_636 = tpu.vector_load %arg11[%get3A_634, %get3A_635] {strides = array<i32>} : memref<13x128xi32, #tpu.memory_space<vmem>>, vector<16xi32>,
      tpu.vector_store_idx %arg16[%get3A_636], %broadcast_in_dim3A_12 {add = true} : memref<10240xf32, #tpu.memory_space<vmem>>[vector<16xi32>], vector<16xf32>,
      %get3A_637 = arith.constant 7 : i32
      %get3A_638 = arith.index_cast %get3A_637 : i32 to index
      %get3A_639 = arith.constant 16 : index
      %get3A_640 = tpu.vector_load %arg11[%get3A_638, %get3A_639] {strides = array<i32>} : memref<13x128xi32, #tpu.memory_space<vmem>>, vector<16xi32>,
      tpu.vector_store_idx %arg16[%get3A_640], %broadcast_in_dim3A_12 {add = true} : memref<10240xf32, #tpu.memory_space<vmem>>[vector<16xi32>], vector<16xf32>,
      %get3A_641 = arith.constant 7 : i32
      %get3A_642 = arith.index_cast %get3A_641 : i32 to index
      %get3A_643 = arith.constant 32 : index
      %get3A_644 = tpu.vector_load %arg11[%get3A_642, %get3A_643] {strides = array<i32>} : memref<13x128xi32, #tpu.memory_space<vmem>>, vector<16xi32>,
      tpu.vector_store_idx %arg16[%get3A_644], %broadcast_in_dim3A_12 {add = true} : memref<10240xf32, #tpu.memory_space<vmem>>[vector<16xi32>], vector<16xf32>,
      %get3A_645 = arith.constant 7 : i32
      %get3A_646 = arith.index_cast %get3A_645 : i32 to index
      %get3A_647 = arith.constant 48 : index
      %get3A_648 = tpu.vector_load %arg11[%get3A_646, %get3A_647] {strides = array<i32>} : memref<13x128xi32, #tpu.memory_space<vmem>>, vector<16xi32>,
      tpu.vector_store_idx %arg16[%get3A_648], %broadcast_in_dim3A_12 {add = true} : memref<10240xf32, #tpu.memory_space<vmem>>[vector<16xi32>], vector<16xf32>,
      %get3A_649 = arith.constant 7 : i32
      %get3A_650 = arith.index_cast %get3A_649 : i32 to index
      %get3A_651 = arith.constant 64 : index
      %get3A_652 = tpu.vector_load %arg11[%get3A_650, %get3A_651] {strides = array<i32>} : memref<13x128xi32, #tpu.memory_space<vmem>>, vector<16xi32>,
      tpu.vector_store_idx %arg16[%get3A_652], %broadcast_in_dim3A_12 {add = true} : memref<10240xf32, #tpu.memory_space<vmem>>[vector<16xi32>], vector<16xf32>,
      %get3A_653 = arith.constant 7 : i32
      %get3A_654 = arith.index_cast %get3A_653 : i32 to index
      %get3A_655 = arith.constant 80 : index
      %get3A_656 = tpu.vector_load %arg11[%get3A_654, %get3A_655] {strides = array<i32>} : memref<13x128xi32, #tpu.memory_space<vmem>>, vector<16xi32>,
      tpu.vector_store_idx %arg16[%get3A_656], %broadcast_in_dim3A_12 {add = true} : memref<10240xf32, #tpu.memory_space<vmem>>[vector<16xi32>], vector<16xf32>,
      %get3A_657 = arith.constant 7 : i32
      %get3A_658 = arith.index_cast %get3A_657 : i32 to index
      %get3A_659 = arith.constant 96 : index
      %get3A_660 = tpu.vector_load %arg11[%get3A_658, %get3A_659] {strides = array<i32>} : memref<13x128xi32, #tpu.memory_space<vmem>>, vector<16xi32>,
      tpu.vector_store_idx %arg16[%get3A_660], %broadcast_in_dim3A_12 {add = true} : memref<10240xf32, #tpu.memory_space<vmem>>[vector<16xi32>], vector<16xf32>,
      %get3A_661 = arith.constant 7 : i32
      %get3A_662 = arith.index_cast %get3A_661 : i32 to index
      %get3A_663 = arith.constant 112 : index
      %get3A_664 = tpu.vector_load %arg11[%get3A_662, %get3A_663] {strides = array<i32>} : memref<13x128xi32, #tpu.memory_space<vmem>>, vector<16xi32>,
      tpu.vector_store_idx %arg16[%get3A_664], %broadcast_in_dim3A_12 {add = true} : memref<10240xf32, #tpu.memory_space<vmem>>[vector<16xi32>], vector<16xf32>,
      %dma_start3A_665 = arith.constant 1152 : i32
      %dma_start3A_666 = tpu.memref_slice %arg10[%dma_start3A_665] : memref<1664xi32, #tpu.memory_space<vmem>> -> memref<128xi32, #tpu.memory_space<vmem>>
      %dma_start3A_667 = arith.constant 0 : i32
      %dma_start3A_668 = arith.constant 0 : i32
      %dma_start3A_669 = tpu.memref_slice %arg4[%dma_start3A_667, %dma_start3A_668] : memref<10000x128xf32, #tpu.memory_space<hbm>> -> memref<10000x128xf32, #tpu.memory_space<hbm>>
      tpu.enqueue_indirect_dma source(%dma_start3A_669 : memref<10000x128xf32, #tpu.memory_space<hbm>>) target(%arg15 : memref<128x128xf32, #tpu.memory_space<vmem>>) offsets(%dma_start3A_666 : memref<128xi32, #tpu.memory_space<vmem>>) semaphore(%arg19 : memref<!tpu.dma_semaphore, #tpu.memory_space<semaphore_mem>>)
      %dma_wait3A_670 = arith.constant 1024 : i32
      %dma_wait3A_671 = tpu.memref_slice %arg10[%dma_wait3A_670] : memref<1664xi32, #tpu.memory_space<vmem>> -> memref<128xi32, #tpu.memory_space<vmem>>
      %dma_wait3A_672 = arith.constant 0 : i32
      %dma_wait3A_673 = arith.constant 0 : i32
      %dma_wait3A_674 = tpu.memref_slice %arg4[%dma_wait3A_672, %dma_wait3A_673] : memref<10000x128xf32, #tpu.memory_space<hbm>> -> memref<10000x128xf32, #tpu.memory_space<hbm>>
      tpu.wait_indirect_dma semaphore(%arg18 : memref<!tpu.dma_semaphore, #tpu.memory_space<semaphore_mem>>) src(%dma_wait3A_674 : memref<10000x128xf32, #tpu.memory_space<hbm>>) dst(%arg14 : memref<128x128xf32, #tpu.memory_space<vmem>>)
      %run_scoped3A_675 = arith.constant 8 : i32
      "tpu.region"() ({
        %run_scoped3A_875 = tpu.sem_alloc : memref<!tpu.dma_semaphore, #tpu.memory_space<semaphore_mem>>
        %dma_start3A_876 = arith.constant 0 : i32
        %dma_start3A_877 = tpu.memref_slice %arg11[%run_scoped3A_675, %dma_start3A_876] : memref<13x128xi32, #tpu.memory_space<vmem>> -> memref<1x128xi32, #tpu.memory_space<vmem>>
        %dma_start3A_878 = tpu.memref_squeeze %dma_start3A_877 : memref<1x128xi32, #tpu.memory_space<vmem>> -> memref<128xi32, #tpu.memory_space<vmem>>
        %dma_start3A_879 = arith.constant 0 : i32
        %dma_start3A_880 = arith.constant 0 : i32
        %dma_start3A_881 = tpu.memref_slice %arg9[%dma_start3A_879, %dma_start3A_880] : memref<10000x128xf32, #tpu.memory_space<vmem_shared>> -> memref<10000x128xf32, #tpu.memory_space<vmem_shared>>
        tpu.enqueue_indirect_dma source(%arg14 : memref<128x128xf32, #tpu.memory_space<vmem>>) target(%dma_start3A_881 : memref<10000x128xf32, #tpu.memory_space<vmem_shared>>) offsets(%dma_start3A_878 : memref<128xi32, #tpu.memory_space<vmem>>) semaphore(%run_scoped3A_875 : memref<!tpu.dma_semaphore, #tpu.memory_space<semaphore_mem>>) {add = true}
        %dma_wait3A_882 = arith.constant 0 : i32
        %dma_wait3A_883 = tpu.memref_slice %arg11[%run_scoped3A_675, %dma_wait3A_882] : memref<13x128xi32, #tpu.memory_space<vmem>> -> memref<1x128xi32, #tpu.memory_space<vmem>>
        %dma_wait3A_884 = tpu.memref_squeeze %dma_wait3A_883 : memref<1x128xi32, #tpu.memory_space<vmem>> -> memref<128xi32, #tpu.memory_space<vmem>>
        %dma_wait3A_885 = arith.constant 0 : i32
        %dma_wait3A_886 = arith.constant 0 : i32
        %dma_wait3A_887 = tpu.memref_slice %arg9[%dma_wait3A_885, %dma_wait3A_886] : memref<10000x128xf32, #tpu.memory_space<vmem_shared>> -> memref<10000x128xf32, #tpu.memory_space<vmem_shared>>
        tpu.wait_indirect_dma semaphore(%run_scoped3A_875 : memref<!tpu.dma_semaphore, #tpu.memory_space<semaphore_mem>>) src(%arg14 : memref<128x128xf32, #tpu.memory_space<vmem>>) dst(%dma_wait3A_887 : memref<10000x128xf32, #tpu.memory_space<vmem_shared>>)
        tpu.yield
      }) : () -> ()
      %get3A_676 = arith.constant 8 : i32
      %get3A_677 = arith.index_cast %get3A_676 : i32 to index
      %get3A_678 = arith.constant 0 : index
      %get3A_679 = tpu.vector_load %arg11[%get3A_677, %get3A_678] {strides = array<i32>} : memref<13x128xi32, #tpu.memory_space<vmem>>, vector<16xi32>,
      tpu.vector_store_idx %arg16[%get3A_679], %broadcast_in_dim3A_12 {add = true} : memref<10240xf32, #tpu.memory_space<vmem>>[vector<16xi32>], vector<16xf32>,
      %get3A_680 = arith.constant 8 : i32
      %get3A_681 = arith.index_cast %get3A_680 : i32 to index
      %get3A_682 = arith.constant 16 : index
      %get3A_683 = tpu.vector_load %arg11[%get3A_681, %get3A_682] {strides = array<i32>} : memref<13x128xi32, #tpu.memory_space<vmem>>, vector<16xi32>,
      tpu.vector_store_idx %arg16[%get3A_683], %broadcast_in_dim3A_12 {add = true} : memref<10240xf32, #tpu.memory_space<vmem>>[vector<16xi32>], vector<16xf32>,
      %get3A_684 = arith.constant 8 : i32
      %get3A_685 = arith.index_cast %get3A_684 : i32 to index
      %get3A_686 = arith.constant 32 : index
      %get3A_687 = tpu.vector_load %arg11[%get3A_685, %get3A_686] {strides = array<i32>} : memref<13x128xi32, #tpu.memory_space<vmem>>, vector<16xi32>,
      tpu.vector_store_idx %arg16[%get3A_687], %broadcast_in_dim3A_12 {add = true} : memref<10240xf32, #tpu.memory_space<vmem>>[vector<16xi32>], vector<16xf32>,
      %get3A_688 = arith.constant 8 : i32
      %get3A_689 = arith.index_cast %get3A_688 : i32 to index
      %get3A_690 = arith.constant 48 : index
      %get3A_691 = tpu.vector_load %arg11[%get3A_689, %get3A_690] {strides = array<i32>} : memref<13x128xi32, #tpu.memory_space<vmem>>, vector<16xi32>,
      tpu.vector_store_idx %arg16[%get3A_691], %broadcast_in_dim3A_12 {add = true} : memref<10240xf32, #tpu.memory_space<vmem>>[vector<16xi32>], vector<16xf32>,
      %get3A_692 = arith.constant 8 : i32
      %get3A_693 = arith.index_cast %get3A_692 : i32 to index
      %get3A_694 = arith.constant 64 : index
      %get3A_695 = tpu.vector_load %arg11[%get3A_693, %get3A_694] {strides = array<i32>} : memref<13x128xi32, #tpu.memory_space<vmem>>, vector<16xi32>,
      tpu.vector_store_idx %arg16[%get3A_695], %broadcast_in_dim3A_12 {add = true} : memref<10240xf32, #tpu.memory_space<vmem>>[vector<16xi32>], vector<16xf32>,
      %get3A_696 = arith.constant 8 : i32
      %get3A_697 = arith.index_cast %get3A_696 : i32 to index
      %get3A_698 = arith.constant 80 : index
      %get3A_699 = tpu.vector_load %arg11[%get3A_697, %get3A_698] {strides = array<i32>} : memref<13x128xi32, #tpu.memory_space<vmem>>, vector<16xi32>,
      tpu.vector_store_idx %arg16[%get3A_699], %broadcast_in_dim3A_12 {add = true} : memref<10240xf32, #tpu.memory_space<vmem>>[vector<16xi32>], vector<16xf32>,
      %get3A_700 = arith.constant 8 : i32
      %get3A_701 = arith.index_cast %get3A_700 : i32 to index
      %get3A_702 = arith.constant 96 : index
      %get3A_703 = tpu.vector_load %arg11[%get3A_701, %get3A_702] {strides = array<i32>} : memref<13x128xi32, #tpu.memory_space<vmem>>, vector<16xi32>,
      tpu.vector_store_idx %arg16[%get3A_703], %broadcast_in_dim3A_12 {add = true} : memref<10240xf32, #tpu.memory_space<vmem>>[vector<16xi32>], vector<16xf32>,
      %get3A_704 = arith.constant 8 : i32
      %get3A_705 = arith.index_cast %get3A_704 : i32 to index
      %get3A_706 = arith.constant 112 : index
      %get3A_707 = tpu.vector_load %arg11[%get3A_705, %get3A_706] {strides = array<i32>} : memref<13x128xi32, #tpu.memory_space<vmem>>, vector<16xi32>,
      tpu.vector_store_idx %arg16[%get3A_707], %broadcast_in_dim3A_12 {add = true} : memref<10240xf32, #tpu.memory_space<vmem>>[vector<16xi32>], vector<16xf32>,
      %dma_start3A_708 = arith.constant 1280 : i32
      %dma_start3A_709 = tpu.memref_slice %arg10[%dma_start3A_708] : memref<1664xi32, #tpu.memory_space<vmem>> -> memref<128xi32, #tpu.memory_space<vmem>>
      %dma_start3A_710 = arith.constant 0 : i32
      %dma_start3A_711 = arith.constant 0 : i32
      %dma_start3A_712 = tpu.memref_slice %arg4[%dma_start3A_710, %dma_start3A_711] : memref<10000x128xf32, #tpu.memory_space<hbm>> -> memref<10000x128xf32, #tpu.memory_space<hbm>>
      tpu.enqueue_indirect_dma source(%dma_start3A_712 : memref<10000x128xf32, #tpu.memory_space<hbm>>) target(%arg14 : memref<128x128xf32, #tpu.memory_space<vmem>>) offsets(%dma_start3A_709 : memref<128xi32, #tpu.memory_space<vmem>>) semaphore(%arg18 : memref<!tpu.dma_semaphore, #tpu.memory_space<semaphore_mem>>)
      %dma_wait3A_713 = arith.constant 1152 : i32
      %dma_wait3A_714 = tpu.memref_slice %arg10[%dma_wait3A_713] : memref<1664xi32, #tpu.memory_space<vmem>> -> memref<128xi32, #tpu.memory_space<vmem>>
      %dma_wait3A_715 = arith.constant 0 : i32
      %dma_wait3A_716 = arith.constant 0 : i32
      %dma_wait3A_717 = tpu.memref_slice %arg4[%dma_wait3A_715, %dma_wait3A_716] : memref<10000x128xf32, #tpu.memory_space<hbm>> -> memref<10000x128xf32, #tpu.memory_space<hbm>>
      tpu.wait_indirect_dma semaphore(%arg19 : memref<!tpu.dma_semaphore, #tpu.memory_space<semaphore_mem>>) src(%dma_wait3A_717 : memref<10000x128xf32, #tpu.memory_space<hbm>>) dst(%arg15 : memref<128x128xf32, #tpu.memory_space<vmem>>)
      %run_scoped3A_718 = arith.constant 9 : i32
      "tpu.region"() ({
        %run_scoped3A_875 = tpu.sem_alloc : memref<!tpu.dma_semaphore, #tpu.memory_space<semaphore_mem>>
        %dma_start3A_876 = arith.constant 0 : i32
        %dma_start3A_877 = tpu.memref_slice %arg11[%run_scoped3A_718, %dma_start3A_876] : memref<13x128xi32, #tpu.memory_space<vmem>> -> memref<1x128xi32, #tpu.memory_space<vmem>>
        %dma_start3A_878 = tpu.memref_squeeze %dma_start3A_877 : memref<1x128xi32, #tpu.memory_space<vmem>> -> memref<128xi32, #tpu.memory_space<vmem>>
        %dma_start3A_879 = arith.constant 0 : i32
        %dma_start3A_880 = arith.constant 0 : i32
        %dma_start3A_881 = tpu.memref_slice %arg9[%dma_start3A_879, %dma_start3A_880] : memref<10000x128xf32, #tpu.memory_space<vmem_shared>> -> memref<10000x128xf32, #tpu.memory_space<vmem_shared>>
        tpu.enqueue_indirect_dma source(%arg15 : memref<128x128xf32, #tpu.memory_space<vmem>>) target(%dma_start3A_881 : memref<10000x128xf32, #tpu.memory_space<vmem_shared>>) offsets(%dma_start3A_878 : memref<128xi32, #tpu.memory_space<vmem>>) semaphore(%run_scoped3A_875 : memref<!tpu.dma_semaphore, #tpu.memory_space<semaphore_mem>>) {add = true}
        %dma_wait3A_882 = arith.constant 0 : i32
        %dma_wait3A_883 = tpu.memref_slice %arg11[%run_scoped3A_718, %dma_wait3A_882] : memref<13x128xi32, #tpu.memory_space<vmem>> -> memref<1x128xi32, #tpu.memory_space<vmem>>
        %dma_wait3A_884 = tpu.memref_squeeze %dma_wait3A_883 : memref<1x128xi32, #tpu.memory_space<vmem>> -> memref<128xi32, #tpu.memory_space<vmem>>
        %dma_wait3A_885 = arith.constant 0 : i32
        %dma_wait3A_886 = arith.constant 0 : i32
        %dma_wait3A_887 = tpu.memref_slice %arg9[%dma_wait3A_885, %dma_wait3A_886] : memref<10000x128xf32, #tpu.memory_space<vmem_shared>> -> memref<10000x128xf32, #tpu.memory_space<vmem_shared>>
        tpu.wait_indirect_dma semaphore(%run_scoped3A_875 : memref<!tpu.dma_semaphore, #tpu.memory_space<semaphore_mem>>) src(%arg15 : memref<128x128xf32, #tpu.memory_space<vmem>>) dst(%dma_wait3A_887 : memref<10000x128xf32, #tpu.memory_space<vmem_shared>>)
        tpu.yield
      }) : () -> ()
      %get3A_719 = arith.constant 9 : i32
      %get3A_720 = arith.index_cast %get3A_719 : i32 to index
      %get3A_721 = arith.constant 0 : index
      %get3A_722 = tpu.vector_load %arg11[%get3A_720, %get3A_721] {strides = array<i32>} : memref<13x128xi32, #tpu.memory_space<vmem>>, vector<16xi32>,
      tpu.vector_store_idx %arg16[%get3A_722], %broadcast_in_dim3A_12 {add = true} : memref<10240xf32, #tpu.memory_space<vmem>>[vector<16xi32>], vector<16xf32>,
      %get3A_723 = arith.constant 9 : i32
      %get3A_724 = arith.index_cast %get3A_723 : i32 to index
      %get3A_725 = arith.constant 16 : index
      %get3A_726 = tpu.vector_load %arg11[%get3A_724, %get3A_725] {strides = array<i32>} : memref<13x128xi32, #tpu.memory_space<vmem>>, vector<16xi32>,
      tpu.vector_store_idx %arg16[%get3A_726], %broadcast_in_dim3A_12 {add = true} : memref<10240xf32, #tpu.memory_space<vmem>>[vector<16xi32>], vector<16xf32>,
      %get3A_727 = arith.constant 9 : i32
      %get3A_728 = arith.index_cast %get3A_727 : i32 to index
      %get3A_729 = arith.constant 32 : index
      %get3A_730 = tpu.vector_load %arg11[%get3A_728, %get3A_729] {strides = array<i32>} : memref<13x128xi32, #tpu.memory_space<vmem>>, vector<16xi32>,
      tpu.vector_store_idx %arg16[%get3A_730], %broadcast_in_dim3A_12 {add = true} : memref<10240xf32, #tpu.memory_space<vmem>>[vector<16xi32>], vector<16xf32>,
      %get3A_731 = arith.constant 9 : i32
      %get3A_732 = arith.index_cast %get3A_731 : i32 to index
      %get3A_733 = arith.constant 48 : index
      %get3A_734 = tpu.vector_load %arg11[%get3A_732, %get3A_733] {strides = array<i32>} : memref<13x128xi32, #tpu.memory_space<vmem>>, vector<16xi32>,
      tpu.vector_store_idx %arg16[%get3A_734], %broadcast_in_dim3A_12 {add = true} : memref<10240xf32, #tpu.memory_space<vmem>>[vector<16xi32>], vector<16xf32>,
      %get3A_735 = arith.constant 9 : i32
      %get3A_736 = arith.index_cast %get3A_735 : i32 to index
      %get3A_737 = arith.constant 64 : index
      %get3A_738 = tpu.vector_load %arg11[%get3A_736, %get3A_737] {strides = array<i32>} : memref<13x128xi32, #tpu.memory_space<vmem>>, vector<16xi32>,
      tpu.vector_store_idx %arg16[%get3A_738], %broadcast_in_dim3A_12 {add = true} : memref<10240xf32, #tpu.memory_space<vmem>>[vector<16xi32>], vector<16xf32>,
      %get3A_739 = arith.constant 9 : i32
      %get3A_740 = arith.index_cast %get3A_739 : i32 to index
      %get3A_741 = arith.constant 80 : index
      %get3A_742 = tpu.vector_load %arg11[%get3A_740, %get3A_741] {strides = array<i32>} : memref<13x128xi32, #tpu.memory_space<vmem>>, vector<16xi32>,
      tpu.vector_store_idx %arg16[%get3A_742], %broadcast_in_dim3A_12 {add = true} : memref<10240xf32, #tpu.memory_space<vmem>>[vector<16xi32>], vector<16xf32>,
      %get3A_743 = arith.constant 9 : i32
      %get3A_744 = arith.index_cast %get3A_743 : i32 to index
      %get3A_745 = arith.constant 96 : index
      %get3A_746 = tpu.vector_load %arg11[%get3A_744, %get3A_745] {strides = array<i32>} : memref<13x128xi32, #tpu.memory_space<vmem>>, vector<16xi32>,
      tpu.vector_store_idx %arg16[%get3A_746], %broadcast_in_dim3A_12 {add = true} : memref<10240xf32, #tpu.memory_space<vmem>>[vector<16xi32>], vector<16xf32>,
      %get3A_747 = arith.constant 9 : i32
      %get3A_748 = arith.index_cast %get3A_747 : i32 to index
      %get3A_749 = arith.constant 112 : index
      %get3A_750 = tpu.vector_load %arg11[%get3A_748, %get3A_749] {strides = array<i32>} : memref<13x128xi32, #tpu.memory_space<vmem>>, vector<16xi32>,
      tpu.vector_store_idx %arg16[%get3A_750], %broadcast_in_dim3A_12 {add = true} : memref<10240xf32, #tpu.memory_space<vmem>>[vector<16xi32>], vector<16xf32>,
      %dma_start3A_751 = arith.constant 1408 : i32
      %dma_start3A_752 = tpu.memref_slice %arg10[%dma_start3A_751] : memref<1664xi32, #tpu.memory_space<vmem>> -> memref<128xi32, #tpu.memory_space<vmem>>
      %dma_start3A_753 = arith.constant 0 : i32
      %dma_start3A_754 = arith.constant 0 : i32
      %dma_start3A_755 = tpu.memref_slice %arg4[%dma_start3A_753, %dma_start3A_754] : memref<10000x128xf32, #tpu.memory_space<hbm>> -> memref<10000x128xf32, #tpu.memory_space<hbm>>
      tpu.enqueue_indirect_dma source(%dma_start3A_755 : memref<10000x128xf32, #tpu.memory_space<hbm>>) target(%arg15 : memref<128x128xf32, #tpu.memory_space<vmem>>) offsets(%dma_start3A_752 : memref<128xi32, #tpu.memory_space<vmem>>) semaphore(%arg19 : memref<!tpu.dma_semaphore, #tpu.memory_space<semaphore_mem>>)
      %dma_wait3A_756 = arith.constant 1280 : i32
      %dma_wait3A_757 = tpu.memref_slice %arg10[%dma_wait3A_756] : memref<1664xi32, #tpu.memory_space<vmem>> -> memref<128xi32, #tpu.memory_space<vmem>>
      %dma_wait3A_758 = arith.constant 0 : i32
      %dma_wait3A_759 = arith.constant 0 : i32
      %dma_wait3A_760 = tpu.memref_slice %arg4[%dma_wait3A_758, %dma_wait3A_759] : memref<10000x128xf32, #tpu.memory_space<hbm>> -> memref<10000x128xf32, #tpu.memory_space<hbm>>
      tpu.wait_indirect_dma semaphore(%arg18 : memref<!tpu.dma_semaphore, #tpu.memory_space<semaphore_mem>>) src(%dma_wait3A_760 : memref<10000x128xf32, #tpu.memory_space<hbm>>) dst(%arg14 : memref<128x128xf32, #tpu.memory_space<vmem>>)
      %run_scoped3A_761 = arith.constant 10 : i32
      "tpu.region"() ({
        %run_scoped3A_875 = tpu.sem_alloc : memref<!tpu.dma_semaphore, #tpu.memory_space<semaphore_mem>>
        %dma_start3A_876 = arith.constant 0 : i32
        %dma_start3A_877 = tpu.memref_slice %arg11[%run_scoped3A_761, %dma_start3A_876] : memref<13x128xi32, #tpu.memory_space<vmem>> -> memref<1x128xi32, #tpu.memory_space<vmem>>
        %dma_start3A_878 = tpu.memref_squeeze %dma_start3A_877 : memref<1x128xi32, #tpu.memory_space<vmem>> -> memref<128xi32, #tpu.memory_space<vmem>>
        %dma_start3A_879 = arith.constant 0 : i32
        %dma_start3A_880 = arith.constant 0 : i32
        %dma_start3A_881 = tpu.memref_slice %arg9[%dma_start3A_879, %dma_start3A_880] : memref<10000x128xf32, #tpu.memory_space<vmem_shared>> -> memref<10000x128xf32, #tpu.memory_space<vmem_shared>>
        tpu.enqueue_indirect_dma source(%arg14 : memref<128x128xf32, #tpu.memory_space<vmem>>) target(%dma_start3A_881 : memref<10000x128xf32, #tpu.memory_space<vmem_shared>>) offsets(%dma_start3A_878 : memref<128xi32, #tpu.memory_space<vmem>>) semaphore(%run_scoped3A_875 : memref<!tpu.dma_semaphore, #tpu.memory_space<semaphore_mem>>) {add = true}
        %dma_wait3A_882 = arith.constant 0 : i32
        %dma_wait3A_883 = tpu.memref_slice %arg11[%run_scoped3A_761, %dma_wait3A_882] : memref<13x128xi32, #tpu.memory_space<vmem>> -> memref<1x128xi32, #tpu.memory_space<vmem>>
        %dma_wait3A_884 = tpu.memref_squeeze %dma_wait3A_883 : memref<1x128xi32, #tpu.memory_space<vmem>> -> memref<128xi32, #tpu.memory_space<vmem>>
        %dma_wait3A_885 = arith.constant 0 : i32
        %dma_wait3A_886 = arith.constant 0 : i32
        %dma_wait3A_887 = tpu.memref_slice %arg9[%dma_wait3A_885, %dma_wait3A_886] : memref<10000x128xf32, #tpu.memory_space<vmem_shared>> -> memref<10000x128xf32, #tpu.memory_space<vmem_shared>>
        tpu.wait_indirect_dma semaphore(%run_scoped3A_875 : memref<!tpu.dma_semaphore, #tpu.memory_space<semaphore_mem>>) src(%arg14 : memref<128x128xf32, #tpu.memory_space<vmem>>) dst(%dma_wait3A_887 : memref<10000x128xf32, #tpu.memory_space<vmem_shared>>)
        tpu.yield
      }) : () -> ()
      %get3A_762 = arith.constant 10 : i32
      %get3A_763 = arith.index_cast %get3A_762 : i32 to index
      %get3A_764 = arith.constant 0 : index
      %get3A_765 = tpu.vector_load %arg11[%get3A_763, %get3A_764] {strides = array<i32>} : memref<13x128xi32, #tpu.memory_space<vmem>>, vector<16xi32>,
      tpu.vector_store_idx %arg16[%get3A_765], %broadcast_in_dim3A_12 {add = true} : memref<10240xf32, #tpu.memory_space<vmem>>[vector<16xi32>], vector<16xf32>,
      %get3A_766 = arith.constant 10 : i32
      %get3A_767 = arith.index_cast %get3A_766 : i32 to index
      %get3A_768 = arith.constant 16 : index
      %get3A_769 = tpu.vector_load %arg11[%get3A_767, %get3A_768] {strides = array<i32>} : memref<13x128xi32, #tpu.memory_space<vmem>>, vector<16xi32>,
      tpu.vector_store_idx %arg16[%get3A_769], %broadcast_in_dim3A_12 {add = true} : memref<10240xf32, #tpu.memory_space<vmem>>[vector<16xi32>], vector<16xf32>,
      %get3A_770 = arith.constant 10 : i32
      %get3A_771 = arith.index_cast %get3A_770 : i32 to index
      %get3A_772 = arith.constant 32 : index
      %get3A_773 = tpu.vector_load %arg11[%get3A_771, %get3A_772] {strides = array<i32>} : memref<13x128xi32, #tpu.memory_space<vmem>>, vector<16xi32>,
      tpu.vector_store_idx %arg16[%get3A_773], %broadcast_in_dim3A_12 {add = true} : memref<10240xf32, #tpu.memory_space<vmem>>[vector<16xi32>], vector<16xf32>,
      %get3A_774 = arith.constant 10 : i32
      %get3A_775 = arith.index_cast %get3A_774 : i32 to index
      %get3A_776 = arith.constant 48 : index
      %get3A_777 = tpu.vector_load %arg11[%get3A_775, %get3A_776] {strides = array<i32>} : memref<13x128xi32, #tpu.memory_space<vmem>>, vector<16xi32>,
      tpu.vector_store_idx %arg16[%get3A_777], %broadcast_in_dim3A_12 {add = true} : memref<10240xf32, #tpu.memory_space<vmem>>[vector<16xi32>], vector<16xf32>,
      %get3A_778 = arith.constant 10 : i32
      %get3A_779 = arith.index_cast %get3A_778 : i32 to index
      %get3A_780 = arith.constant 64 : index
      %get3A_781 = tpu.vector_load %arg11[%get3A_779, %get3A_780] {strides = array<i32>} : memref<13x128xi32, #tpu.memory_space<vmem>>, vector<16xi32>,
      tpu.vector_store_idx %arg16[%get3A_781], %broadcast_in_dim3A_12 {add = true} : memref<10240xf32, #tpu.memory_space<vmem>>[vector<16xi32>], vector<16xf32>,
      %get3A_782 = arith.constant 10 : i32
      %get3A_783 = arith.index_cast %get3A_782 : i32 to index
      %get3A_784 = arith.constant 80 : index
      %get3A_785 = tpu.vector_load %arg11[%get3A_783, %get3A_784] {strides = array<i32>} : memref<13x128xi32, #tpu.memory_space<vmem>>, vector<16xi32>,
      tpu.vector_store_idx %arg16[%get3A_785], %broadcast_in_dim3A_12 {add = true} : memref<10240xf32, #tpu.memory_space<vmem>>[vector<16xi32>], vector<16xf32>,
      %get3A_786 = arith.constant 10 : i32
      %get3A_787 = arith.index_cast %get3A_786 : i32 to index
      %get3A_788 = arith.constant 96 : index
      %get3A_789 = tpu.vector_load %arg11[%get3A_787, %get3A_788] {strides = array<i32>} : memref<13x128xi32, #tpu.memory_space<vmem>>, vector<16xi32>,
      tpu.vector_store_idx %arg16[%get3A_789], %broadcast_in_dim3A_12 {add = true} : memref<10240xf32, #tpu.memory_space<vmem>>[vector<16xi32>], vector<16xf32>,
      %get3A_790 = arith.constant 10 : i32
      %get3A_791 = arith.index_cast %get3A_790 : i32 to index
      %get3A_792 = arith.constant 112 : index
      %get3A_793 = tpu.vector_load %arg11[%get3A_791, %get3A_792] {strides = array<i32>} : memref<13x128xi32, #tpu.memory_space<vmem>>, vector<16xi32>,
      tpu.vector_store_idx %arg16[%get3A_793], %broadcast_in_dim3A_12 {add = true} : memref<10240xf32, #tpu.memory_space<vmem>>[vector<16xi32>], vector<16xf32>,
      %dma_start3A_794 = arith.constant 1536 : i32
      %dma_start3A_795 = tpu.memref_slice %arg10[%dma_start3A_794] : memref<1664xi32, #tpu.memory_space<vmem>> -> memref<128xi32, #tpu.memory_space<vmem>>
      %dma_start3A_796 = arith.constant 0 : i32
      %dma_start3A_797 = arith.constant 0 : i32
      %dma_start3A_798 = tpu.memref_slice %arg4[%dma_start3A_796, %dma_start3A_797] : memref<10000x128xf32, #tpu.memory_space<hbm>> -> memref<10000x128xf32, #tpu.memory_space<hbm>>
      tpu.enqueue_indirect_dma source(%dma_start3A_798 : memref<10000x128xf32, #tpu.memory_space<hbm>>) target(%arg14 : memref<128x128xf32, #tpu.memory_space<vmem>>) offsets(%dma_start3A_795 : memref<128xi32, #tpu.memory_space<vmem>>) semaphore(%arg18 : memref<!tpu.dma_semaphore, #tpu.memory_space<semaphore_mem>>)
      %dma_wait3A_799 = arith.constant 1408 : i32
      %dma_wait3A_800 = tpu.memref_slice %arg10[%dma_wait3A_799] : memref<1664xi32, #tpu.memory_space<vmem>> -> memref<128xi32, #tpu.memory_space<vmem>>
      %dma_wait3A_801 = arith.constant 0 : i32
      %dma_wait3A_802 = arith.constant 0 : i32
      %dma_wait3A_803 = tpu.memref_slice %arg4[%dma_wait3A_801, %dma_wait3A_802] : memref<10000x128xf32, #tpu.memory_space<hbm>> -> memref<10000x128xf32, #tpu.memory_space<hbm>>
      tpu.wait_indirect_dma semaphore(%arg19 : memref<!tpu.dma_semaphore, #tpu.memory_space<semaphore_mem>>) src(%dma_wait3A_803 : memref<10000x128xf32, #tpu.memory_space<hbm>>) dst(%arg15 : memref<128x128xf32, #tpu.memory_space<vmem>>)
      %run_scoped3A_804 = arith.constant 11 : i32
      "tpu.region"() ({
        %run_scoped3A_875 = tpu.sem_alloc : memref<!tpu.dma_semaphore, #tpu.memory_space<semaphore_mem>>
        %dma_start3A_876 = arith.constant 0 : i32
        %dma_start3A_877 = tpu.memref_slice %arg11[%run_scoped3A_804, %dma_start3A_876] : memref<13x128xi32, #tpu.memory_space<vmem>> -> memref<1x128xi32, #tpu.memory_space<vmem>>
        %dma_start3A_878 = tpu.memref_squeeze %dma_start3A_877 : memref<1x128xi32, #tpu.memory_space<vmem>> -> memref<128xi32, #tpu.memory_space<vmem>>
        %dma_start3A_879 = arith.constant 0 : i32
        %dma_start3A_880 = arith.constant 0 : i32
        %dma_start3A_881 = tpu.memref_slice %arg9[%dma_start3A_879, %dma_start3A_880] : memref<10000x128xf32, #tpu.memory_space<vmem_shared>> -> memref<10000x128xf32, #tpu.memory_space<vmem_shared>>
        tpu.enqueue_indirect_dma source(%arg15 : memref<128x128xf32, #tpu.memory_space<vmem>>) target(%dma_start3A_881 : memref<10000x128xf32, #tpu.memory_space<vmem_shared>>) offsets(%dma_start3A_878 : memref<128xi32, #tpu.memory_space<vmem>>) semaphore(%run_scoped3A_875 : memref<!tpu.dma_semaphore, #tpu.memory_space<semaphore_mem>>) {add = true}
        %dma_wait3A_882 = arith.constant 0 : i32
        %dma_wait3A_883 = tpu.memref_slice %arg11[%run_scoped3A_804, %dma_wait3A_882] : memref<13x128xi32, #tpu.memory_space<vmem>> -> memref<1x128xi32, #tpu.memory_space<vmem>>
        %dma_wait3A_884 = tpu.memref_squeeze %dma_wait3A_883 : memref<1x128xi32, #tpu.memory_space<vmem>> -> memref<128xi32, #tpu.memory_space<vmem>>
        %dma_wait3A_885 = arith.constant 0 : i32
        %dma_wait3A_886 = arith.constant 0 : i32
        %dma_wait3A_887 = tpu.memref_slice %arg9[%dma_wait3A_885, %dma_wait3A_886] : memref<10000x128xf32, #tpu.memory_space<vmem_shared>> -> memref<10000x128xf32, #tpu.memory_space<vmem_shared>>
        tpu.wait_indirect_dma semaphore(%run_scoped3A_875 : memref<!tpu.dma_semaphore, #tpu.memory_space<semaphore_mem>>) src(%arg15 : memref<128x128xf32, #tpu.memory_space<vmem>>) dst(%dma_wait3A_887 : memref<10000x128xf32, #tpu.memory_space<vmem_shared>>)
        tpu.yield
      }) : () -> ()
      %get3A_805 = arith.constant 11 : i32
      %get3A_806 = arith.index_cast %get3A_805 : i32 to index
      %get3A_807 = arith.constant 0 : index
      %get3A_808 = tpu.vector_load %arg11[%get3A_806, %get3A_807] {strides = array<i32>} : memref<13x128xi32, #tpu.memory_space<vmem>>, vector<16xi32>,
      tpu.vector_store_idx %arg16[%get3A_808], %broadcast_in_dim3A_12 {add = true} : memref<10240xf32, #tpu.memory_space<vmem>>[vector<16xi32>], vector<16xf32>,
      %get3A_809 = arith.constant 11 : i32
      %get3A_810 = arith.index_cast %get3A_809 : i32 to index
      %get3A_811 = arith.constant 16 : index
      %get3A_812 = tpu.vector_load %arg11[%get3A_810, %get3A_811] {strides = array<i32>} : memref<13x128xi32, #tpu.memory_space<vmem>>, vector<16xi32>,
      tpu.vector_store_idx %arg16[%get3A_812], %broadcast_in_dim3A_12 {add = true} : memref<10240xf32, #tpu.memory_space<vmem>>[vector<16xi32>], vector<16xf32>,
      %get3A_813 = arith.constant 11 : i32
      %get3A_814 = arith.index_cast %get3A_813 : i32 to index
      %get3A_815 = arith.constant 32 : index
      %get3A_816 = tpu.vector_load %arg11[%get3A_814, %get3A_815] {strides = array<i32>} : memref<13x128xi32, #tpu.memory_space<vmem>>, vector<16xi32>,
      tpu.vector_store_idx %arg16[%get3A_816], %broadcast_in_dim3A_12 {add = true} : memref<10240xf32, #tpu.memory_space<vmem>>[vector<16xi32>], vector<16xf32>,
      %get3A_817 = arith.constant 11 : i32
      %get3A_818 = arith.index_cast %get3A_817 : i32 to index
      %get3A_819 = arith.constant 48 : index
      %get3A_820 = tpu.vector_load %arg11[%get3A_818, %get3A_819] {strides = array<i32>} : memref<13x128xi32, #tpu.memory_space<vmem>>, vector<16xi32>,
      tpu.vector_store_idx %arg16[%get3A_820], %broadcast_in_dim3A_12 {add = true} : memref<10240xf32, #tpu.memory_space<vmem>>[vector<16xi32>], vector<16xf32>,
      %get3A_821 = arith.constant 11 : i32
      %get3A_822 = arith.index_cast %get3A_821 : i32 to index
      %get3A_823 = arith.constant 64 : index
      %get3A_824 = tpu.vector_load %arg11[%get3A_822, %get3A_823] {strides = array<i32>} : memref<13x128xi32, #tpu.memory_space<vmem>>, vector<16xi32>,
      tpu.vector_store_idx %arg16[%get3A_824], %broadcast_in_dim3A_12 {add = true} : memref<10240xf32, #tpu.memory_space<vmem>>[vector<16xi32>], vector<16xf32>,
      %get3A_825 = arith.constant 11 : i32
      %get3A_826 = arith.index_cast %get3A_825 : i32 to index
      %get3A_827 = arith.constant 80 : index
      %get3A_828 = tpu.vector_load %arg11[%get3A_826, %get3A_827] {strides = array<i32>} : memref<13x128xi32, #tpu.memory_space<vmem>>, vector<16xi32>,
      tpu.vector_store_idx %arg16[%get3A_828], %broadcast_in_dim3A_12 {add = true} : memref<10240xf32, #tpu.memory_space<vmem>>[vector<16xi32>], vector<16xf32>,
      %get3A_829 = arith.constant 11 : i32
      %get3A_830 = arith.index_cast %get3A_829 : i32 to index
      %get3A_831 = arith.constant 96 : index
      %get3A_832 = tpu.vector_load %arg11[%get3A_830, %get3A_831] {strides = array<i32>} : memref<13x128xi32, #tpu.memory_space<vmem>>, vector<16xi32>,
      tpu.vector_store_idx %arg16[%get3A_832], %broadcast_in_dim3A_12 {add = true} : memref<10240xf32, #tpu.memory_space<vmem>>[vector<16xi32>], vector<16xf32>,
      %get3A_833 = arith.constant 11 : i32
      %get3A_834 = arith.index_cast %get3A_833 : i32 to index
      %get3A_835 = arith.constant 112 : index
      %get3A_836 = tpu.vector_load %arg11[%get3A_834, %get3A_835] {strides = array<i32>} : memref<13x128xi32, #tpu.memory_space<vmem>>, vector<16xi32>,
      tpu.vector_store_idx %arg16[%get3A_836], %broadcast_in_dim3A_12 {add = true} : memref<10240xf32, #tpu.memory_space<vmem>>[vector<16xi32>], vector<16xf32>,
      %dma_wait3A_837 = arith.constant 1536 : i32
      %dma_wait3A_838 = tpu.memref_slice %arg10[%dma_wait3A_837] : memref<1664xi32, #tpu.memory_space<vmem>> -> memref<128xi32, #tpu.memory_space<vmem>>
      %dma_wait3A_839 = arith.constant 0 : i32
      %dma_wait3A_840 = arith.constant 0 : i32
      %dma_wait3A_841 = tpu.memref_slice %arg4[%dma_wait3A_839, %dma_wait3A_840] : memref<10000x128xf32, #tpu.memory_space<hbm>> -> memref<10000x128xf32, #tpu.memory_space<hbm>>
      tpu.wait_indirect_dma semaphore(%arg18 : memref<!tpu.dma_semaphore, #tpu.memory_space<semaphore_mem>>) src(%dma_wait3A_841 : memref<10000x128xf32, #tpu.memory_space<hbm>>) dst(%arg14 : memref<128x128xf32, #tpu.memory_space<vmem>>)
      %run_scoped3A_842 = arith.constant 12 : i32
      "tpu.region"() ({
        %run_scoped3A_875 = tpu.sem_alloc : memref<!tpu.dma_semaphore, #tpu.memory_space<semaphore_mem>>
        %dma_start3A_876 = arith.constant 0 : i32
        %dma_start3A_877 = tpu.memref_slice %arg11[%run_scoped3A_842, %dma_start3A_876] : memref<13x128xi32, #tpu.memory_space<vmem>> -> memref<1x128xi32, #tpu.memory_space<vmem>>
        %dma_start3A_878 = tpu.memref_squeeze %dma_start3A_877 : memref<1x128xi32, #tpu.memory_space<vmem>> -> memref<128xi32, #tpu.memory_space<vmem>>
        %dma_start3A_879 = arith.constant 0 : i32
        %dma_start3A_880 = arith.constant 0 : i32
        %dma_start3A_881 = tpu.memref_slice %arg9[%dma_start3A_879, %dma_start3A_880] : memref<10000x128xf32, #tpu.memory_space<vmem_shared>> -> memref<10000x128xf32, #tpu.memory_space<vmem_shared>>
        tpu.enqueue_indirect_dma source(%arg14 : memref<128x128xf32, #tpu.memory_space<vmem>>) target(%dma_start3A_881 : memref<10000x128xf32, #tpu.memory_space<vmem_shared>>) offsets(%dma_start3A_878 : memref<128xi32, #tpu.memory_space<vmem>>) semaphore(%run_scoped3A_875 : memref<!tpu.dma_semaphore, #tpu.memory_space<semaphore_mem>>) {add = true}
        %dma_wait3A_882 = arith.constant 0 : i32
        %dma_wait3A_883 = tpu.memref_slice %arg11[%run_scoped3A_842, %dma_wait3A_882] : memref<13x128xi32, #tpu.memory_space<vmem>> -> memref<1x128xi32, #tpu.memory_space<vmem>>
        %dma_wait3A_884 = tpu.memref_squeeze %dma_wait3A_883 : memref<1x128xi32, #tpu.memory_space<vmem>> -> memref<128xi32, #tpu.memory_space<vmem>>
        %dma_wait3A_885 = arith.constant 0 : i32
        %dma_wait3A_886 = arith.constant 0 : i32
        %dma_wait3A_887 = tpu.memref_slice %arg9[%dma_wait3A_885, %dma_wait3A_886] : memref<10000x128xf32, #tpu.memory_space<vmem_shared>> -> memref<10000x128xf32, #tpu.memory_space<vmem_shared>>
        tpu.wait_indirect_dma semaphore(%run_scoped3A_875 : memref<!tpu.dma_semaphore, #tpu.memory_space<semaphore_mem>>) src(%arg14 : memref<128x128xf32, #tpu.memory_space<vmem>>) dst(%dma_wait3A_887 : memref<10000x128xf32, #tpu.memory_space<vmem_shared>>)
        tpu.yield
      }) : () -> ()
      %get3A_843 = arith.constant 12 : i32
      %get3A_844 = arith.index_cast %get3A_843 : i32 to index
      %get3A_845 = arith.constant 0 : index
      %get3A_846 = tpu.vector_load %arg11[%get3A_844, %get3A_845] {strides = array<i32>} : memref<13x128xi32, #tpu.memory_space<vmem>>, vector<16xi32>,
      tpu.vector_store_idx %arg16[%get3A_846], %broadcast_in_dim3A_12 {add = true} : memref<10240xf32, #tpu.memory_space<vmem>>[vector<16xi32>], vector<16xf32>,
      %get3A_847 = arith.constant 12 : i32
      %get3A_848 = arith.index_cast %get3A_847 : i32 to index
      %get3A_849 = arith.constant 16 : index
      %get3A_850 = tpu.vector_load %arg11[%get3A_848, %get3A_849] {strides = array<i32>} : memref<13x128xi32, #tpu.memory_space<vmem>>, vector<16xi32>,
      tpu.vector_store_idx %arg16[%get3A_850], %broadcast_in_dim3A_12 {add = true} : memref<10240xf32, #tpu.memory_space<vmem>>[vector<16xi32>], vector<16xf32>,
      %get3A_851 = arith.constant 12 : i32
      %get3A_852 = arith.index_cast %get3A_851 : i32 to index
      %get3A_853 = arith.constant 32 : index
      %get3A_854 = tpu.vector_load %arg11[%get3A_852, %get3A_853] {strides = array<i32>} : memref<13x128xi32, #tpu.memory_space<vmem>>, vector<16xi32>,
      tpu.vector_store_idx %arg16[%get3A_854], %broadcast_in_dim3A_12 {add = true} : memref<10240xf32, #tpu.memory_space<vmem>>[vector<16xi32>], vector<16xf32>,
      %get3A_855 = arith.constant 12 : i32
      %get3A_856 = arith.index_cast %get3A_855 : i32 to index
      %get3A_857 = arith.constant 48 : index
      %get3A_858 = tpu.vector_load %arg11[%get3A_856, %get3A_857] {strides = array<i32>} : memref<13x128xi32, #tpu.memory_space<vmem>>, vector<16xi32>,
      tpu.vector_store_idx %arg16[%get3A_858], %broadcast_in_dim3A_12 {add = true} : memref<10240xf32, #tpu.memory_space<vmem>>[vector<16xi32>], vector<16xf32>,
      %get3A_859 = arith.constant 12 : i32
      %get3A_860 = arith.index_cast %get3A_859 : i32 to index
      %get3A_861 = arith.constant 64 : index
      %get3A_862 = tpu.vector_load %arg11[%get3A_860, %get3A_861] {strides = array<i32>} : memref<13x128xi32, #tpu.memory_space<vmem>>, vector<16xi32>,
      tpu.vector_store_idx %arg16[%get3A_862], %broadcast_in_dim3A_12 {add = true} : memref<10240xf32, #tpu.memory_space<vmem>>[vector<16xi32>], vector<16xf32>,
      %get3A_863 = arith.constant 12 : i32
      %get3A_864 = arith.index_cast %get3A_863 : i32 to index
      %get3A_865 = arith.constant 80 : index
      %get3A_866 = tpu.vector_load %arg11[%get3A_864, %get3A_865] {strides = array<i32>} : memref<13x128xi32, #tpu.memory_space<vmem>>, vector<16xi32>,
      tpu.vector_store_idx %arg16[%get3A_866], %broadcast_in_dim3A_12 {add = true} : memref<10240xf32, #tpu.memory_space<vmem>>[vector<16xi32>], vector<16xf32>,
      %get3A_867 = arith.constant 12 : i32
      %get3A_868 = arith.index_cast %get3A_867 : i32 to index
      %get3A_869 = arith.constant 96 : index
      %get3A_870 = tpu.vector_load %arg11[%get3A_868, %get3A_869] {strides = array<i32>} : memref<13x128xi32, #tpu.memory_space<vmem>>, vector<16xi32>,
      tpu.vector_store_idx %arg16[%get3A_870], %broadcast_in_dim3A_12 {add = true} : memref<10240xf32, #tpu.memory_space<vmem>>[vector<16xi32>], vector<16xf32>,
      %get3A_871 = arith.constant 12 : i32
      %get3A_872 = arith.index_cast %get3A_871 : i32 to index
      %get3A_873 = arith.constant 112 : index
      %get3A_874 = tpu.vector_load %arg11[%get3A_872, %get3A_873] {strides = array<i32>} : memref<13x128xi32, #tpu.memory_space<vmem>>, vector<16xi32>,
      tpu.vector_store_idx %arg16[%get3A_874], %broadcast_in_dim3A_12 {add = true} : memref<10240xf32, #tpu.memory_space<vmem>>[vector<16xi32>], vector<16xf32>,
    }
    %scan3A_18 = arith.constant 6 : i32
    %add3A_19 = arith.constant 9984 : i32
    %add3A_20 = arith.addi %mul3A_11, %add3A_19 : i32
    "tpu.region"() ({
      %run_scoped3A = tpu.sem_alloc : memref<!tpu.dma_semaphore, #tpu.memory_space<semaphore_mem>>
      %dma_start3A_49 = tpu.memref_slice %arg2[%add3A_20] : memref<320000xi32, #tpu.memory_space<hbm>> -> memref<16xi32, #tpu.memory_space<hbm>>
      %dma_start3A_50 = tpu.memref_slice %arg2[%add3A_20] : memref<320000xi32, #tpu.memory_space<hbm>> -> memref<16xi32, #tpu.memory_space<hbm>>
      tpu.enqueue_dma source(%dma_start3A_50 : memref<16xi32, #tpu.memory_space<hbm>>) target(%arg12 : memref<16xi32, #tpu.memory_space<vmem>>) target_semaphore(%run_scoped3A : memref<!tpu.dma_semaphore, #tpu.memory_space<semaphore_mem>>)
      %dma_wait3A_51 = tpu.memref_slice %arg2[%add3A_20] : memref<320000xi32, #tpu.memory_space<hbm>> -> memref<16xi32, #tpu.memory_space<hbm>>
      %dma_wait3A_52 = tpu.memref_slice %arg2[%add3A_20] : memref<320000xi32, #tpu.memory_space<hbm>> -> memref<16xi32, #tpu.memory_space<hbm>>
      tpu.wait_dma2 semaphore(%run_scoped3A : memref<!tpu.dma_semaphore, #tpu.memory_space<semaphore_mem>>) src(%dma_wait3A_52 : memref<16xi32, #tpu.memory_space<hbm>>) dst(%arg12 : memref<16xi32, #tpu.memory_space<vmem>>)
      tpu.yield
    }) : () -> ()
    "tpu.region"() ({
      %run_scoped3A = tpu.sem_alloc : memref<!tpu.dma_semaphore, #tpu.memory_space<semaphore_mem>>
      %dma_start3A_49 = tpu.memref_slice %arg3[%add3A_20] : memref<320000xi32, #tpu.memory_space<hbm>> -> memref<16xi32, #tpu.memory_space<hbm>>
      %dma_start3A_50 = tpu.memref_slice %arg3[%add3A_20] : memref<320000xi32, #tpu.memory_space<hbm>> -> memref<16xi32, #tpu.memory_space<hbm>>
      tpu.enqueue_dma source(%dma_start3A_50 : memref<16xi32, #tpu.memory_space<hbm>>) target(%arg13 : memref<16xi32, #tpu.memory_space<vmem>>) target_semaphore(%run_scoped3A : memref<!tpu.dma_semaphore, #tpu.memory_space<semaphore_mem>>)
      %dma_wait3A_51 = tpu.memref_slice %arg3[%add3A_20] : memref<320000xi32, #tpu.memory_space<hbm>> -> memref<16xi32, #tpu.memory_space<hbm>>
      %dma_wait3A_52 = tpu.memref_slice %arg3[%add3A_20] : memref<320000xi32, #tpu.memory_space<hbm>> -> memref<16xi32, #tpu.memory_space<hbm>>
      tpu.wait_dma2 semaphore(%run_scoped3A : memref<!tpu.dma_semaphore, #tpu.memory_space<semaphore_mem>>) src(%dma_wait3A_52 : memref<16xi32, #tpu.memory_space<hbm>>) dst(%arg13 : memref<16xi32, #tpu.memory_space<vmem>>)
      tpu.yield
    }) : () -> ()
    %dma_start3A = arith.constant 0 : i32
    %dma_start3A_21 = arith.constant 0 : i32
    %dma_start3A_22 = tpu.memref_slice %arg14[%dma_start3A, %dma_start3A_21] : memref<128x128xf32, #tpu.memory_space<vmem>> -> memref<16x128xf32, #tpu.memory_space<vmem>>
    %dma_start3A_23 = arith.constant 0 : i32
    %dma_start3A_24 = arith.constant 0 : i32
    %dma_start3A_25 = tpu.memref_slice %arg4[%dma_start3A_23, %dma_start3A_24] : memref<10000x128xf32, #tpu.memory_space<hbm>> -> memref<10000x128xf32, #tpu.memory_space<hbm>>
    tpu.enqueue_indirect_dma source(%dma_start3A_25 : memref<10000x128xf32, #tpu.memory_space<hbm>>) target(%dma_start3A_22 : memref<16x128xf32, #tpu.memory_space<vmem>>) offsets(%arg12 : memref<16xi32, #tpu.memory_space<vmem>>) semaphore(%arg18 : memref<!tpu.dma_semaphore, #tpu.memory_space<semaphore_mem>>)
    %dma_wait3A = arith.constant 0 : i32
    %dma_wait3A_26 = arith.constant 0 : i32
    %dma_wait3A_27 = tpu.memref_slice %arg14[%dma_wait3A, %dma_wait3A_26] : memref<128x128xf32, #tpu.memory_space<vmem>> -> memref<16x128xf32, #tpu.memory_space<vmem>>
    %dma_wait3A_28 = arith.constant 0 : i32
    %dma_wait3A_29 = arith.constant 0 : i32
    %dma_wait3A_30 = tpu.memref_slice %arg4[%dma_wait3A_28, %dma_wait3A_29] : memref<10000x128xf32, #tpu.memory_space<hbm>> -> memref<10000x128xf32, #tpu.memory_space<hbm>>
    tpu.wait_indirect_dma semaphore(%arg18 : memref<!tpu.dma_semaphore, #tpu.memory_space<semaphore_mem>>) src(%dma_wait3A_30 : memref<10000x128xf32, #tpu.memory_space<hbm>>) dst(%dma_wait3A_27 : memref<16x128xf32, #tpu.memory_space<vmem>>)
    "tpu.region"() ({
      %run_scoped3A = tpu.sem_alloc : memref<!tpu.dma_semaphore, #tpu.memory_space<semaphore_mem>>
      %dma_start3A_49 = arith.constant 0 : i32
      %dma_start3A_50 = arith.constant 0 : i32
      %dma_start3A_51 = tpu.memref_slice %arg14[%dma_start3A_49, %dma_start3A_50] : memref<128x128xf32, #tpu.memory_space<vmem>> -> memref<16x128xf32, #tpu.memory_space<vmem>>
      %dma_start3A_52 = arith.constant 0 : i32
      %dma_start3A_53 = arith.constant 0 : i32
      %dma_start3A_54 = tpu.memref_slice %arg9[%dma_start3A_52, %dma_start3A_53] : memref<10000x128xf32, #tpu.memory_space<vmem_shared>> -> memref<10000x128xf32, #tpu.memory_space<vmem_shared>>
      tpu.enqueue_indirect_dma source(%dma_start3A_51 : memref<16x128xf32, #tpu.memory_space<vmem>>) target(%dma_start3A_54 : memref<10000x128xf32, #tpu.memory_space<vmem_shared>>) offsets(%arg13 : memref<16xi32, #tpu.memory_space<vmem>>) semaphore(%run_scoped3A : memref<!tpu.dma_semaphore, #tpu.memory_space<semaphore_mem>>) {add = true}
      %dma_wait3A_55 = arith.constant 0 : i32
      %dma_wait3A_56 = arith.constant 0 : i32
      %dma_wait3A_57 = tpu.memref_slice %arg14[%dma_wait3A_55, %dma_wait3A_56] : memref<128x128xf32, #tpu.memory_space<vmem>> -> memref<16x128xf32, #tpu.memory_space<vmem>>
      %dma_wait3A_58 = arith.constant 0 : i32
      %dma_wait3A_59 = arith.constant 0 : i32
      %dma_wait3A_60 = tpu.memref_slice %arg9[%dma_wait3A_58, %dma_wait3A_59] : memref<10000x128xf32, #tpu.memory_space<vmem_shared>> -> memref<10000x128xf32, #tpu.memory_space<vmem_shared>>
      tpu.wait_indirect_dma semaphore(%run_scoped3A : memref<!tpu.dma_semaphore, #tpu.memory_space<semaphore_mem>>) src(%dma_wait3A_57 : memref<16x128xf32, #tpu.memory_space<vmem>>) dst(%dma_wait3A_60 : memref<10000x128xf32, #tpu.memory_space<vmem_shared>>)
      tpu.yield
    }) : () -> ()
    %get3A = arith.constant 0 : index
    %get3A_31 = tpu.vector_load %arg13[%get3A] {strides = array<i32>} : memref<16xi32, #tpu.memory_space<vmem>>, vector<16xi32>,
    tpu.vector_store_idx %arg16[%get3A_31], %broadcast_in_dim3A_12 {add = true} : memref<10240xf32, #tpu.memory_space<vmem>>[vector<16xi32>], vector<16xf32>,
    %mul3A_32 = arith.constant 10240 : i32
    %mul3A_33 = arith.muli %add3A, %mul3A_32 : i32
    "tpu.region"() ({
      %run_scoped3A = tpu.sem_alloc : memref<!tpu.dma_semaphore, #tpu.memory_space<semaphore_mem>>
      %dma_start3A_49 = tpu.memref_slice %arg8[%mul3A_33] : memref<327680xf32, #tpu.memory_space<hbm>> -> memref<10240xf32, #tpu.memory_space<hbm>>
      %dma_start3A_50 = tpu.memref_slice %arg8[%mul3A_33] : memref<327680xf32, #tpu.memory_space<hbm>> -> memref<10240xf32, #tpu.memory_space<hbm>>
      tpu.enqueue_dma source(%arg16 : memref<10240xf32, #tpu.memory_space<vmem>>) target(%dma_start3A_50 : memref<10240xf32, #tpu.memory_space<hbm>>) target_semaphore(%run_scoped3A : memref<!tpu.dma_semaphore, #tpu.memory_space<semaphore_mem>>)
      %dma_wait3A_51 = tpu.memref_slice %arg8[%mul3A_33] : memref<327680xf32, #tpu.memory_space<hbm>> -> memref<10240xf32, #tpu.memory_space<hbm>>
      %dma_wait3A_52 = tpu.memref_slice %arg8[%mul3A_33] : memref<327680xf32, #tpu.memory_space<hbm>> -> memref<10240xf32, #tpu.memory_space<hbm>>
      tpu.wait_dma2 semaphore(%run_scoped3A : memref<!tpu.dma_semaphore, #tpu.memory_space<semaphore_mem>>) src(%arg16 : memref<10240xf32, #tpu.memory_space<vmem>>) dst(%dma_wait3A_52 : memref<10240xf32, #tpu.memory_space<hbm>>)
      tpu.yield
    }) : () -> ()
    %barrier3A_34 = arith.constant 0 : index
    tpu.barrier barrier_id(%barrier3A_34)
    %scan3A_35 = arith.constant 0 : i32
    %scan3A_36 = arith.constant 0 : i32
    %scan3A_37 = arith.constant 6 : i32
    %scan3A_38 = arith.addi %scan3A_36, %scan3A_37 : i32
    %scan3A_39 = arith.constant 1 : i32
    scf.for %scan3A_49 = %scan3A_36 to %scan3A_38 step %scan3A_39  : i32 {
      %mul3A_50 = arith.constant 2 : i32
      %mul3A_51 = arith.muli %mul3A_50, %scan3A_49 : i32
      %add3A_52 = arith.constant 0 : i32
      %add3A_53 = arith.addi %mul3A_51, %add3A_52 : i32
      %mul3A_54 = arith.constant 48 : i32
      %mul3A_55 = arith.muli %add3A_53, %mul3A_54 : i32
      %add3A_56 = arith.addi %multiple_of3A, %mul3A_55 : i32
      %multiple_of3A_57 = tpu.assume_multiple %add3A_56, 8 : i32
      "tpu.region"() ({
        %run_scoped3A = tpu.sem_alloc : memref<!tpu.dma_semaphore, #tpu.memory_space<semaphore_mem>>
        %dma_start3A_114 = arith.constant 0 : i32
        %dma_start3A_115 = arith.constant 0 : i32
        %dma_start3A_116 = tpu.memref_slice %arg14[%dma_start3A_114, %dma_start3A_115] : memref<128x128xf32, #tpu.memory_space<vmem>> -> memref<48x128xf32, #tpu.memory_space<vmem>>
        %dma_start3A_117 = arith.constant 0 : i32
        %dma_start3A_118 = tpu.memref_slice %arg9[%multiple_of3A_57, %dma_start3A_117] : memref<10000x128xf32, #tpu.memory_space<vmem_shared>> -> memref<48x128xf32, #tpu.memory_space<vmem_shared>>
        %dma_start3A_119 = arith.constant 0 : i32
        %dma_start3A_120 = arith.constant 0 : i32
        %dma_start3A_121 = tpu.memref_slice %arg14[%dma_start3A_119, %dma_start3A_120] : memref<128x128xf32, #tpu.memory_space<vmem>> -> memref<48x128xf32, #tpu.memory_space<vmem>>
        %dma_start3A_122 = arith.constant 0 : i32
        %dma_start3A_123 = tpu.memref_slice %arg9[%multiple_of3A_57, %dma_start3A_122] : memref<10000x128xf32, #tpu.memory_space<vmem_shared>> -> memref<48x128xf32, #tpu.memory_space<vmem_shared>>
        tpu.enqueue_dma source(%dma_start3A_123 : memref<48x128xf32, #tpu.memory_space<vmem_shared>>) target(%dma_start3A_121 : memref<48x128xf32, #tpu.memory_space<vmem>>) target_semaphore(%run_scoped3A : memref<!tpu.dma_semaphore, #tpu.memory_space<semaphore_mem>>)
        %dma_wait3A_124 = arith.constant 0 : i32
        %dma_wait3A_125 = arith.constant 0 : i32
        %dma_wait3A_126 = tpu.memref_slice %arg14[%dma_wait3A_124, %dma_wait3A_125] : memref<128x128xf32, #tpu.memory_space<vmem>> -> memref<48x128xf32, #tpu.memory_space<vmem>>
        %dma_wait3A_127 = arith.constant 0 : i32
        %dma_wait3A_128 = tpu.memref_slice %arg9[%multiple_of3A_57, %dma_wait3A_127] : memref<10000x128xf32, #tpu.memory_space<vmem_shared>> -> memref<48x128xf32, #tpu.memory_space<vmem_shared>>
        %dma_wait3A_129 = arith.constant 0 : i32
        %dma_wait3A_130 = arith.constant 0 : i32
        %dma_wait3A_131 = tpu.memref_slice %arg14[%dma_wait3A_129, %dma_wait3A_130] : memref<128x128xf32, #tpu.memory_space<vmem>> -> memref<48x128xf32, #tpu.memory_space<vmem>>
        %dma_wait3A_132 = arith.constant 0 : i32
        %dma_wait3A_133 = tpu.memref_slice %arg9[%multiple_of3A_57, %dma_wait3A_132] : memref<10000x128xf32, #tpu.memory_space<vmem_shared>> -> memref<48x128xf32, #tpu.memory_space<vmem_shared>>
        tpu.wait_dma2 semaphore(%run_scoped3A : memref<!tpu.dma_semaphore, #tpu.memory_space<semaphore_mem>>) src(%dma_wait3A_133 : memref<48x128xf32, #tpu.memory_space<vmem_shared>>) dst(%dma_wait3A_131 : memref<48x128xf32, #tpu.memory_space<vmem>>)
        tpu.yield
      }) : () -> ()
      %dma_start3A_58 = arith.constant 0 : i32
      %dma_start3A_59 = arith.constant 0 : i32
      %dma_start3A_60 = tpu.memref_slice %arg14[%dma_start3A_58, %dma_start3A_59] : memref<128x128xf32, #tpu.memory_space<vmem>> -> memref<48x128xf32, #tpu.memory_space<vmem>>
      %dma_start3A_61 = arith.constant 0 : i32
      %dma_start3A_62 = tpu.memref_slice %arg7[%arg0, %multiple_of3A_57, %dma_start3A_61] : memref<2x10000x128xf32, #tpu.memory_space<hbm>> -> memref<1x48x128xf32, #tpu.memory_space<hbm>>
      %dma_start3A_63 = tpu.memref_squeeze %dma_start3A_62 : memref<1x48x128xf32, #tpu.memory_space<hbm>> -> memref<48x128xf32, #tpu.memory_space<hbm>>
      %dma_start3A_64 = arith.constant 0 : i32
      %dma_start3A_65 = tpu.memref_slice %arg7[%arg0, %multiple_of3A_57, %dma_start3A_64] : memref<2x10000x128xf32, #tpu.memory_space<hbm>> -> memref<1x48x128xf32, #tpu.memory_space<hbm>>
      %dma_start3A_66 = tpu.memref_squeeze %dma_start3A_65 : memref<1x48x128xf32, #tpu.memory_space<hbm>> -> memref<48x128xf32, #tpu.memory_space<hbm>>
      %dma_start3A_67 = arith.constant 0 : i32
      %dma_start3A_68 = arith.constant 0 : i32
      %dma_start3A_69 = tpu.memref_slice %arg14[%dma_start3A_67, %dma_start3A_68] : memref<128x128xf32, #tpu.memory_space<vmem>> -> memref<48x128xf32, #tpu.memory_space<vmem>>
      tpu.enqueue_dma source(%dma_start3A_69 : memref<48x128xf32, #tpu.memory_space<vmem>>) target(%dma_start3A_66 : memref<48x128xf32, #tpu.memory_space<hbm>>) target_semaphore(%arg20 : memref<!tpu.dma_semaphore, #tpu.memory_space<semaphore_mem>>)
      %mul3A_70 = arith.constant 2 : i32
      %mul3A_71 = arith.muli %mul3A_70, %scan3A_49 : i32
      %add3A_72 = arith.constant 1 : i32
      %add3A_73 = arith.addi %mul3A_71, %add3A_72 : i32
      %mul3A_74 = arith.constant 48 : i32
      %mul3A_75 = arith.muli %add3A_73, %mul3A_74 : i32
      %add3A_76 = arith.addi %multiple_of3A, %mul3A_75 : i32
      %multiple_of3A_77 = tpu.assume_multiple %add3A_76, 8 : i32
      "tpu.region"() ({
        %run_scoped3A = tpu.sem_alloc : memref<!tpu.dma_semaphore, #tpu.memory_space<semaphore_mem>>
        %dma_start3A_114 = arith.constant 0 : i32
        %dma_start3A_115 = arith.constant 0 : i32
        %dma_start3A_116 = tpu.memref_slice %arg15[%dma_start3A_114, %dma_start3A_115] : memref<128x128xf32, #tpu.memory_space<vmem>> -> memref<48x128xf32, #tpu.memory_space<vmem>>
        %dma_start3A_117 = arith.constant 0 : i32
        %dma_start3A_118 = tpu.memref_slice %arg9[%multiple_of3A_77, %dma_start3A_117] : memref<10000x128xf32, #tpu.memory_space<vmem_shared>> -> memref<48x128xf32, #tpu.memory_space<vmem_shared>>
        %dma_start3A_119 = arith.constant 0 : i32
        %dma_start3A_120 = arith.constant 0 : i32
        %dma_start3A_121 = tpu.memref_slice %arg15[%dma_start3A_119, %dma_start3A_120] : memref<128x128xf32, #tpu.memory_space<vmem>> -> memref<48x128xf32, #tpu.memory_space<vmem>>
        %dma_start3A_122 = arith.constant 0 : i32
        %dma_start3A_123 = tpu.memref_slice %arg9[%multiple_of3A_77, %dma_start3A_122] : memref<10000x128xf32, #tpu.memory_space<vmem_shared>> -> memref<48x128xf32, #tpu.memory_space<vmem_shared>>
        tpu.enqueue_dma source(%dma_start3A_123 : memref<48x128xf32, #tpu.memory_space<vmem_shared>>) target(%dma_start3A_121 : memref<48x128xf32, #tpu.memory_space<vmem>>) target_semaphore(%run_scoped3A : memref<!tpu.dma_semaphore, #tpu.memory_space<semaphore_mem>>)
        %dma_wait3A_124 = arith.constant 0 : i32
        %dma_wait3A_125 = arith.constant 0 : i32
        %dma_wait3A_126 = tpu.memref_slice %arg15[%dma_wait3A_124, %dma_wait3A_125] : memref<128x128xf32, #tpu.memory_space<vmem>> -> memref<48x128xf32, #tpu.memory_space<vmem>>
        %dma_wait3A_127 = arith.constant 0 : i32
        %dma_wait3A_128 = tpu.memref_slice %arg9[%multiple_of3A_77, %dma_wait3A_127] : memref<10000x128xf32, #tpu.memory_space<vmem_shared>> -> memref<48x128xf32, #tpu.memory_space<vmem_shared>>
        %dma_wait3A_129 = arith.constant 0 : i32
        %dma_wait3A_130 = arith.constant 0 : i32
        %dma_wait3A_131 = tpu.memref_slice %arg15[%dma_wait3A_129, %dma_wait3A_130] : memref<128x128xf32, #tpu.memory_space<vmem>> -> memref<48x128xf32, #tpu.memory_space<vmem>>
        %dma_wait3A_132 = arith.constant 0 : i32
        %dma_wait3A_133 = tpu.memref_slice %arg9[%multiple_of3A_77, %dma_wait3A_132] : memref<10000x128xf32, #tpu.memory_space<vmem_shared>> -> memref<48x128xf32, #tpu.memory_space<vmem_shared>>
        tpu.wait_dma2 semaphore(%run_scoped3A : memref<!tpu.dma_semaphore, #tpu.memory_space<semaphore_mem>>) src(%dma_wait3A_133 : memref<48x128xf32, #tpu.memory_space<vmem_shared>>) dst(%dma_wait3A_131 : memref<48x128xf32, #tpu.memory_space<vmem>>)
        tpu.yield
      }) : () -> ()
      %dma_start3A_78 = arith.constant 0 : i32
      %dma_start3A_79 = arith.constant 0 : i32
      %dma_start3A_80 = tpu.memref_slice %arg15[%dma_start3A_78, %dma_start3A_79] : memref<128x128xf32, #tpu.memory_space<vmem>> -> memref<48x128xf32, #tpu.memory_space<vmem>>
      %dma_start3A_81 = arith.constant 0 : i32
      %dma_start3A_82 = tpu.memref_slice %arg7[%arg0, %multiple_of3A_77, %dma_start3A_81] : memref<2x10000x128xf32, #tpu.memory_space<hbm>> -> memref<1x48x128xf32, #tpu.memory_space<hbm>>
      %dma_start3A_83 = tpu.memref_squeeze %dma_start3A_82 : memref<1x48x128xf32, #tpu.memory_space<hbm>> -> memref<48x128xf32, #tpu.memory_space<hbm>>
      %dma_start3A_84 = arith.constant 0 : i32
      %dma_start3A_85 = tpu.memref_slice %arg7[%arg0, %multiple_of3A_77, %dma_start3A_84] : memref<2x10000x128xf32, #tpu.memory_space<hbm>> -> memref<1x48x128xf32, #tpu.memory_space<hbm>>
      %dma_start3A_86 = tpu.memref_squeeze %dma_start3A_85 : memref<1x48x128xf32, #tpu.memory_space<hbm>> -> memref<48x128xf32, #tpu.memory_space<hbm>>
      %dma_start3A_87 = arith.constant 0 : i32
      %dma_start3A_88 = arith.constant 0 : i32
      %dma_start3A_89 = tpu.memref_slice %arg15[%dma_start3A_87, %dma_start3A_88] : memref<128x128xf32, #tpu.memory_space<vmem>> -> memref<48x128xf32, #tpu.memory_space<vmem>>
      tpu.enqueue_dma source(%dma_start3A_89 : memref<48x128xf32, #tpu.memory_space<vmem>>) target(%dma_start3A_86 : memref<48x128xf32, #tpu.memory_space<hbm>>) target_semaphore(%arg21 : memref<!tpu.dma_semaphore, #tpu.memory_space<semaphore_mem>>)
      %dma_wait3A_90 = arith.constant 0 : i32
      %dma_wait3A_91 = arith.constant 0 : i32
      %dma_wait3A_92 = tpu.memref_slice %arg14[%dma_wait3A_90, %dma_wait3A_91] : memref<128x128xf32, #tpu.memory_space<vmem>> -> memref<48x128xf32, #tpu.memory_space<vmem>>
      %dma_wait3A_93 = arith.constant 0 : i32
      %dma_wait3A_94 = tpu.memref_slice %arg7[%arg0, %multiple_of3A_57, %dma_wait3A_93] : memref<2x10000x128xf32, #tpu.memory_space<hbm>> -> memref<1x48x128xf32, #tpu.memory_space<hbm>>
      %dma_wait3A_95 = tpu.memref_squeeze %dma_wait3A_94 : memref<1x48x128xf32, #tpu.memory_space<hbm>> -> memref<48x128xf32, #tpu.memory_space<hbm>>
      %dma_wait3A_96 = arith.constant 0 : i32
      %dma_wait3A_97 = tpu.memref_slice %arg7[%arg0, %multiple_of3A_57, %dma_wait3A_96] : memref<2x10000x128xf32, #tpu.memory_space<hbm>> -> memref<1x48x128xf32, #tpu.memory_space<hbm>>
      %dma_wait3A_98 = tpu.memref_squeeze %dma_wait3A_97 : memref<1x48x128xf32, #tpu.memory_space<hbm>> -> memref<48x128xf32, #tpu.memory_space<hbm>>
      %dma_wait3A_99 = arith.constant 0 : i32
      %dma_wait3A_100 = arith.constant 0 : i32
      %dma_wait3A_101 = tpu.memref_slice %arg14[%dma_wait3A_99, %dma_wait3A_100] : memref<128x128xf32, #tpu.memory_space<vmem>> -> memref<48x128xf32, #tpu.memory_space<vmem>>
      tpu.wait_dma2 semaphore(%arg20 : memref<!tpu.dma_semaphore, #tpu.memory_space<semaphore_mem>>) src(%dma_wait3A_101 : memref<48x128xf32, #tpu.memory_space<vmem>>) dst(%dma_wait3A_98 : memref<48x128xf32, #tpu.memory_space<hbm>>)
      %dma_wait3A_102 = arith.constant 0 : i32
      %dma_wait3A_103 = arith.constant 0 : i32
      %dma_wait3A_104 = tpu.memref_slice %arg15[%dma_wait3A_102, %dma_wait3A_103] : memref<128x128xf32, #tpu.memory_space<vmem>> -> memref<48x128xf32, #tpu.memory_space<vmem>>
      %dma_wait3A_105 = arith.constant 0 : i32
      %dma_wait3A_106 = tpu.memref_slice %arg7[%arg0, %multiple_of3A_77, %dma_wait3A_105] : memref<2x10000x128xf32, #tpu.memory_space<hbm>> -> memref<1x48x128xf32, #tpu.memory_space<hbm>>
      %dma_wait3A_107 = tpu.memref_squeeze %dma_wait3A_106 : memref<1x48x128xf32, #tpu.memory_space<hbm>> -> memref<48x128xf32, #tpu.memory_space<hbm>>
      %dma_wait3A_108 = arith.constant 0 : i32
      %dma_wait3A_109 = tpu.memref_slice %arg7[%arg0, %multiple_of3A_77, %dma_wait3A_108] : memref<2x10000x128xf32, #tpu.memory_space<hbm>> -> memref<1x48x128xf32, #tpu.memory_space<hbm>>
      %dma_wait3A_110 = tpu.memref_squeeze %dma_wait3A_109 : memref<1x48x128xf32, #tpu.memory_space<hbm>> -> memref<48x128xf32, #tpu.memory_space<hbm>>
      %dma_wait3A_111 = arith.constant 0 : i32
      %dma_wait3A_112 = arith.constant 0 : i32
      %dma_wait3A_113 = tpu.memref_slice %arg15[%dma_wait3A_111, %dma_wait3A_112] : memref<128x128xf32, #tpu.memory_space<vmem>> -> memref<48x128xf32, #tpu.memory_space<vmem>>
      tpu.wait_dma2 semaphore(%arg21 : memref<!tpu.dma_semaphore, #tpu.memory_space<semaphore_mem>>) src(%dma_wait3A_113 : memref<48x128xf32, #tpu.memory_space<vmem>>) dst(%dma_wait3A_110 : memref<48x128xf32, #tpu.memory_space<hbm>>)
    }
    %scan3A_40 = arith.constant 6 : i32
    %add3A_41 = arith.constant 576 : i32
    %add3A_42 = arith.addi %multiple_of3A, %add3A_41 : i32
    %multiple_of3A_43 = tpu.assume_multiple %add3A_42, 8 : i32
    "tpu.region"() ({
      %run_scoped3A = tpu.sem_alloc : memref<!tpu.dma_semaphore, #tpu.memory_space<semaphore_mem>>
      %dma_start3A_49 = arith.constant 0 : i32
      %dma_start3A_50 = arith.constant 0 : i32
      %dma_start3A_51 = tpu.memref_slice %arg14[%dma_start3A_49, %dma_start3A_50] : memref<128x128xf32, #tpu.memory_space<vmem>> -> memref<48x128xf32, #tpu.memory_space<vmem>>
      %dma_start3A_52 = arith.constant 0 : i32
      %dma_start3A_53 = tpu.memref_slice %arg9[%multiple_of3A_43, %dma_start3A_52] : memref<10000x128xf32, #tpu.memory_space<vmem_shared>> -> memref<48x128xf32, #tpu.memory_space<vmem_shared>>
      %dma_start3A_54 = arith.constant 0 : i32
      %dma_start3A_55 = arith.constant 0 : i32
      %dma_start3A_56 = tpu.memref_slice %arg14[%dma_start3A_54, %dma_start3A_55] : memref<128x128xf32, #tpu.memory_space<vmem>> -> memref<48x128xf32, #tpu.memory_space<vmem>>
      %dma_start3A_57 = arith.constant 0 : i32
      %dma_start3A_58 = tpu.memref_slice %arg9[%multiple_of3A_43, %dma_start3A_57] : memref<10000x128xf32, #tpu.memory_space<vmem_shared>> -> memref<48x128xf32, #tpu.memory_space<vmem_shared>>
      tpu.enqueue_dma source(%dma_start3A_58 : memref<48x128xf32, #tpu.memory_space<vmem_shared>>) target(%dma_start3A_56 : memref<48x128xf32, #tpu.memory_space<vmem>>) target_semaphore(%run_scoped3A : memref<!tpu.dma_semaphore, #tpu.memory_space<semaphore_mem>>)
      %dma_wait3A_59 = arith.constant 0 : i32
      %dma_wait3A_60 = arith.constant 0 : i32
      %dma_wait3A_61 = tpu.memref_slice %arg14[%dma_wait3A_59, %dma_wait3A_60] : memref<128x128xf32, #tpu.memory_space<vmem>> -> memref<48x128xf32, #tpu.memory_space<vmem>>
      %dma_wait3A_62 = arith.constant 0 : i32
      %dma_wait3A_63 = tpu.memref_slice %arg9[%multiple_of3A_43, %dma_wait3A_62] : memref<10000x128xf32, #tpu.memory_space<vmem_shared>> -> memref<48x128xf32, #tpu.memory_space<vmem_shared>>
      %dma_wait3A_64 = arith.constant 0 : i32
      %dma_wait3A_65 = arith.constant 0 : i32
      %dma_wait3A_66 = tpu.memref_slice %arg14[%dma_wait3A_64, %dma_wait3A_65] : memref<128x128xf32, #tpu.memory_space<vmem>> -> memref<48x128xf32, #tpu.memory_space<vmem>>
      %dma_wait3A_67 = arith.constant 0 : i32
      %dma_wait3A_68 = tpu.memref_slice %arg9[%multiple_of3A_43, %dma_wait3A_67] : memref<10000x128xf32, #tpu.memory_space<vmem_shared>> -> memref<48x128xf32, #tpu.memory_space<vmem_shared>>
      tpu.wait_dma2 semaphore(%run_scoped3A : memref<!tpu.dma_semaphore, #tpu.memory_space<semaphore_mem>>) src(%dma_wait3A_68 : memref<48x128xf32, #tpu.memory_space<vmem_shared>>) dst(%dma_wait3A_66 : memref<48x128xf32, #tpu.memory_space<vmem>>)
      tpu.yield
    }) : () -> ()
    "tpu.region"() ({
      %run_scoped3A = tpu.sem_alloc : memref<!tpu.dma_semaphore, #tpu.memory_space<semaphore_mem>>
      %dma_start3A_49 = arith.constant 0 : i32
      %dma_start3A_50 = arith.constant 0 : i32
      %dma_start3A_51 = tpu.memref_slice %arg14[%dma_start3A_49, %dma_start3A_50] : memref<128x128xf32, #tpu.memory_space<vmem>> -> memref<48x128xf32, #tpu.memory_space<vmem>>
      %dma_start3A_52 = arith.constant 0 : i32
      %dma_start3A_53 = tpu.memref_slice %arg7[%arg0, %multiple_of3A_43, %dma_start3A_52] : memref<2x10000x128xf32, #tpu.memory_space<hbm>> -> memref<1x48x128xf32, #tpu.memory_space<hbm>>
      %dma_start3A_54 = tpu.memref_squeeze %dma_start3A_53 : memref<1x48x128xf32, #tpu.memory_space<hbm>> -> memref<48x128xf32, #tpu.memory_space<hbm>>
      %dma_start3A_55 = arith.constant 0 : i32
      %dma_start3A_56 = tpu.memref_slice %arg7[%arg0, %multiple_of3A_43, %dma_start3A_55] : memref<2x10000x128xf32, #tpu.memory_space<hbm>> -> memref<1x48x128xf32, #tpu.memory_space<hbm>>
      %dma_start3A_57 = tpu.memref_squeeze %dma_start3A_56 : memref<1x48x128xf32, #tpu.memory_space<hbm>> -> memref<48x128xf32, #tpu.memory_space<hbm>>
      %dma_start3A_58 = arith.constant 0 : i32
      %dma_start3A_59 = arith.constant 0 : i32
      %dma_start3A_60 = tpu.memref_slice %arg14[%dma_start3A_58, %dma_start3A_59] : memref<128x128xf32, #tpu.memory_space<vmem>> -> memref<48x128xf32, #tpu.memory_space<vmem>>
      tpu.enqueue_dma source(%dma_start3A_60 : memref<48x128xf32, #tpu.memory_space<vmem>>) target(%dma_start3A_57 : memref<48x128xf32, #tpu.memory_space<hbm>>) target_semaphore(%run_scoped3A : memref<!tpu.dma_semaphore, #tpu.memory_space<semaphore_mem>>)
      %dma_wait3A_61 = arith.constant 0 : i32
      %dma_wait3A_62 = arith.constant 0 : i32
      %dma_wait3A_63 = tpu.memref_slice %arg14[%dma_wait3A_61, %dma_wait3A_62] : memref<128x128xf32, #tpu.memory_space<vmem>> -> memref<48x128xf32, #tpu.memory_space<vmem>>
      %dma_wait3A_64 = arith.constant 0 : i32
      %dma_wait3A_65 = tpu.memref_slice %arg7[%arg0, %multiple_of3A_43, %dma_wait3A_64] : memref<2x10000x128xf32, #tpu.memory_space<hbm>> -> memref<1x48x128xf32, #tpu.memory_space<hbm>>
      %dma_wait3A_66 = tpu.memref_squeeze %dma_wait3A_65 : memref<1x48x128xf32, #tpu.memory_space<hbm>> -> memref<48x128xf32, #tpu.memory_space<hbm>>
      %dma_wait3A_67 = arith.constant 0 : i32
      %dma_wait3A_68 = tpu.memref_slice %arg7[%arg0, %multiple_of3A_43, %dma_wait3A_67] : memref<2x10000x128xf32, #tpu.memory_space<hbm>> -> memref<1x48x128xf32, #tpu.memory_space<hbm>>
      %dma_wait3A_69 = tpu.memref_squeeze %dma_wait3A_68 : memref<1x48x128xf32, #tpu.memory_space<hbm>> -> memref<48x128xf32, #tpu.memory_space<hbm>>
      %dma_wait3A_70 = arith.constant 0 : i32
      %dma_wait3A_71 = arith.constant 0 : i32
      %dma_wait3A_72 = tpu.memref_slice %arg14[%dma_wait3A_70, %dma_wait3A_71] : memref<128x128xf32, #tpu.memory_space<vmem>> -> memref<48x128xf32, #tpu.memory_space<vmem>>
      tpu.wait_dma2 semaphore(%run_scoped3A : memref<!tpu.dma_semaphore, #tpu.memory_space<semaphore_mem>>) src(%dma_wait3A_72 : memref<48x128xf32, #tpu.memory_space<vmem>>) dst(%dma_wait3A_69 : memref<48x128xf32, #tpu.memory_space<hbm>>)
      tpu.yield
    }) : () -> ()
    %eq3A_44 = arith.constant 15 : i32
    %eq3A_45 = arith.cmpi eq, %arg1, %eq3A_44 : i32
    %convert_element_type3A_46 = arith.extui %eq3A_45 : i1 to i32
    %cond3A_47 = arith.constant 0 : i32
    %cond3A_48 = arith.cmpi ne, %convert_element_type3A_46, %cond3A_47 : i32
    scf.if %cond3A_48 {
      "tpu.region"() ({
        %run_scoped3A = tpu.sem_alloc : memref<!tpu.dma_semaphore, #tpu.memory_space<semaphore_mem>>
        %dma_start3A_49 = arith.constant 0 : i32
        %dma_start3A_50 = arith.constant 0 : i32
        %dma_start3A_51 = tpu.memref_slice %arg15[%dma_start3A_49, %dma_start3A_50] : memref<128x128xf32, #tpu.memory_space<vmem>> -> memref<16x128xf32, #tpu.memory_space<vmem>>
        %dma_start3A_52 = arith.constant 9984 : i32
        %dma_start3A_53 = arith.constant 0 : i32
        %dma_start3A_54 = tpu.memref_slice %arg9[%dma_start3A_52, %dma_start3A_53] : memref<10000x128xf32, #tpu.memory_space<vmem_shared>> -> memref<16x128xf32, #tpu.memory_space<vmem_shared>>
        %dma_start3A_55 = arith.constant 0 : i32
        %dma_start3A_56 = arith.constant 0 : i32
        %dma_start3A_57 = tpu.memref_slice %arg15[%dma_start3A_55, %dma_start3A_56] : memref<128x128xf32, #tpu.memory_space<vmem>> -> memref<16x128xf32, #tpu.memory_space<vmem>>
        %dma_start3A_58 = arith.constant 9984 : i32
        %dma_start3A_59 = arith.constant 0 : i32
        %dma_start3A_60 = tpu.memref_slice %arg9[%dma_start3A_58, %dma_start3A_59] : memref<10000x128xf32, #tpu.memory_space<vmem_shared>> -> memref<16x128xf32, #tpu.memory_space<vmem_shared>>
        tpu.enqueue_dma source(%dma_start3A_60 : memref<16x128xf32, #tpu.memory_space<vmem_shared>>) target(%dma_start3A_57 : memref<16x128xf32, #tpu.memory_space<vmem>>) target_semaphore(%run_scoped3A : memref<!tpu.dma_semaphore, #tpu.memory_space<semaphore_mem>>)
        %dma_wait3A_61 = arith.constant 0 : i32
        %dma_wait3A_62 = arith.constant 0 : i32
        %dma_wait3A_63 = tpu.memref_slice %arg15[%dma_wait3A_61, %dma_wait3A_62] : memref<128x128xf32, #tpu.memory_space<vmem>> -> memref<16x128xf32, #tpu.memory_space<vmem>>
        %dma_wait3A_64 = arith.constant 9984 : i32
        %dma_wait3A_65 = arith.constant 0 : i32
        %dma_wait3A_66 = tpu.memref_slice %arg9[%dma_wait3A_64, %dma_wait3A_65] : memref<10000x128xf32, #tpu.memory_space<vmem_shared>> -> memref<16x128xf32, #tpu.memory_space<vmem_shared>>
        %dma_wait3A_67 = arith.constant 0 : i32
        %dma_wait3A_68 = arith.constant 0 : i32
        %dma_wait3A_69 = tpu.memref_slice %arg15[%dma_wait3A_67, %dma_wait3A_68] : memref<128x128xf32, #tpu.memory_space<vmem>> -> memref<16x128xf32, #tpu.memory_space<vmem>>
        %dma_wait3A_70 = arith.constant 9984 : i32
        %dma_wait3A_71 = arith.constant 0 : i32
        %dma_wait3A_72 = tpu.memref_slice %arg9[%dma_wait3A_70, %dma_wait3A_71] : memref<10000x128xf32, #tpu.memory_space<vmem_shared>> -> memref<16x128xf32, #tpu.memory_space<vmem_shared>>
        tpu.wait_dma2 semaphore(%run_scoped3A : memref<!tpu.dma_semaphore, #tpu.memory_space<semaphore_mem>>) src(%dma_wait3A_72 : memref<16x128xf32, #tpu.memory_space<vmem_shared>>) dst(%dma_wait3A_69 : memref<16x128xf32, #tpu.memory_space<vmem>>)
        tpu.yield
      }) : () -> ()
      "tpu.region"() ({
        %run_scoped3A = tpu.sem_alloc : memref<!tpu.dma_semaphore, #tpu.memory_space<semaphore_mem>>
        %dma_start3A_49 = arith.constant 0 : i32
        %dma_start3A_50 = arith.constant 0 : i32
        %dma_start3A_51 = tpu.memref_slice %arg15[%dma_start3A_49, %dma_start3A_50] : memref<128x128xf32, #tpu.memory_space<vmem>> -> memref<16x128xf32, #tpu.memory_space<vmem>>
        %dma_start3A_52 = arith.constant 9984 : i32
        %dma_start3A_53 = arith.constant 0 : i32
        %dma_start3A_54 = tpu.memref_slice %arg7[%arg0, %dma_start3A_52, %dma_start3A_53] : memref<2x10000x128xf32, #tpu.memory_space<hbm>> -> memref<1x16x128xf32, #tpu.memory_space<hbm>>
        %dma_start3A_55 = tpu.memref_squeeze %dma_start3A_54 : memref<1x16x128xf32, #tpu.memory_space<hbm>> -> memref<16x128xf32, #tpu.memory_space<hbm>>
        %dma_start3A_56 = arith.constant 9984 : i32
        %dma_start3A_57 = arith.constant 0 : i32
        %dma_start3A_58 = tpu.memref_slice %arg7[%arg0, %dma_start3A_56, %dma_start3A_57] : memref<2x10000x128xf32, #tpu.memory_space<hbm>> -> memref<1x16x128xf32, #tpu.memory_space<hbm>>
        %dma_start3A_59 = tpu.memref_squeeze %dma_start3A_58 : memref<1x16x128xf32, #tpu.memory_space<hbm>> -> memref<16x128xf32, #tpu.memory_space<hbm>>
        %dma_start3A_60 = arith.constant 0 : i32
        %dma_start3A_61 = arith.constant 0 : i32
        %dma_start3A_62 = tpu.memref_slice %arg15[%dma_start3A_60, %dma_start3A_61] : memref<128x128xf32, #tpu.memory_space<vmem>> -> memref<16x128xf32, #tpu.memory_space<vmem>>
        tpu.enqueue_dma source(%dma_start3A_62 : memref<16x128xf32, #tpu.memory_space<vmem>>) target(%dma_start3A_59 : memref<16x128xf32, #tpu.memory_space<hbm>>) target_semaphore(%run_scoped3A : memref<!tpu.dma_semaphore, #tpu.memory_space<semaphore_mem>>)
        %dma_wait3A_63 = arith.constant 0 : i32
        %dma_wait3A_64 = arith.constant 0 : i32
        %dma_wait3A_65 = tpu.memref_slice %arg15[%dma_wait3A_63, %dma_wait3A_64] : memref<128x128xf32, #tpu.memory_space<vmem>> -> memref<16x128xf32, #tpu.memory_space<vmem>>
        %dma_wait3A_66 = arith.constant 9984 : i32
        %dma_wait3A_67 = arith.constant 0 : i32
        %dma_wait3A_68 = tpu.memref_slice %arg7[%arg0, %dma_wait3A_66, %dma_wait3A_67] : memref<2x10000x128xf32, #tpu.memory_space<hbm>> -> memref<1x16x128xf32, #tpu.memory_space<hbm>>
        %dma_wait3A_69 = tpu.memref_squeeze %dma_wait3A_68 : memref<1x16x128xf32, #tpu.memory_space<hbm>> -> memref<16x128xf32, #tpu.memory_space<hbm>>
        %dma_wait3A_70 = arith.constant 9984 : i32
        %dma_wait3A_71 = arith.constant 0 : i32
        %dma_wait3A_72 = tpu.memref_slice %arg7[%arg0, %dma_wait3A_70, %dma_wait3A_71] : memref<2x10000x128xf32, #tpu.memory_space<hbm>> -> memref<1x16x128xf32, #tpu.memory_space<hbm>>
        %dma_wait3A_73 = tpu.memref_squeeze %dma_wait3A_72 : memref<1x16x128xf32, #tpu.memory_space<hbm>> -> memref<16x128xf32, #tpu.memory_space<hbm>>
        %dma_wait3A_74 = arith.constant 0 : i32
        %dma_wait3A_75 = arith.constant 0 : i32
        %dma_wait3A_76 = tpu.memref_slice %arg15[%dma_wait3A_74, %dma_wait3A_75] : memref<128x128xf32, #tpu.memory_space<vmem>> -> memref<16x128xf32, #tpu.memory_space<vmem>>
        tpu.wait_dma2 semaphore(%run_scoped3A : memref<!tpu.dma_semaphore, #tpu.memory_space<semaphore_mem>>) src(%dma_wait3A_76 : memref<16x128xf32, #tpu.memory_space<vmem>>) dst(%dma_wait3A_73 : memref<16x128xf32, #tpu.memory_space<hbm>>)
        tpu.yield
      }) : () -> ()
    } else {
    }
    return
  }
}

module attributes {stable_mosaic.version = 14 : i64} {
  func.func @_tc_degsum_body(%arg0: i32, %arg1: memref<32x2048xf32, #tpu.memory_space<vmem>>, %arg2: memref<1x2048xf32, #tpu.memory_space<vmem>>) attributes {dimension_semantics = [#tpu.dimension_semantics<arbitrary>], iteration_bounds = array<i64: 5>, scalar_prefetch = 0 : i64, scratch_operands = 0 : i64, tpu.core_type = #tpu.core_type<tc>, window_params = [{transform_indices = @transform_0, window_bounds = array<i64: 32, 2048>}, {transform_indices = @transform_1, window_bounds = array<i64: 1, 2048>}]} {
    %get3A = arith.constant 0 : index
    %get3A_0 = arith.constant 0 : index
    %get3A_1 = vector.load %arg1[%get3A, %get3A_0] : memref<32x2048xf32, #tpu.memory_space<vmem>>, vector<32x2048xf32>
    %reduce_sum3A = arith.constant dense<0.000000e+00> : vector<2048xf32>
    %reduce_sum3A_2 = vector.multi_reduction <add>, %get3A_1, %reduce_sum3A [0] : vector<32x2048xf32> to vector<2048xf32>
    %broadcast_in_dim3A = vector.shape_cast %reduce_sum3A_2 : vector<2048xf32> to vector<1x2048xf32>
    %swap3A = arith.constant 0 : index
    %swap3A_3 = arith.constant 0 : index
    %swap3A_4 = vector.load %arg2[%swap3A, %swap3A_3] : memref<1x2048xf32, #tpu.memory_space<vmem>>, vector<1x2048xf32>
    tpu.vector_store %arg2[%swap3A, %swap3A_3], %broadcast_in_dim3A {strides = array<i32>} : memref<1x2048xf32, #tpu.memory_space<vmem>>, vector<1x2048xf32>,
    return
  }
  func.func @transform_0(%arg0: i32) -> (i32, i32) {
    %c0_i32 = arith.constant 0 : i32
    %c0_i32_0 = arith.constant 0 : i32
    return %c0_i32, %arg0 : i32, i32
  }
  func.func @transform_1(%arg0: i32) -> (i32, i32) {
    %c0_i32 = arith.constant 0 : i32
    %c0_i32_0 = arith.constant 0 : i32
    return %c0_i32, %arg0 : i32, i32
  }
}

module attributes {stable_mosaic.version = 14 : i64} {
  func.func @_tc_body(%arg0: i32, %arg1: memref<2x1000x128xf32, #tpu.memory_space<vmem>>, %arg2: memref<1000x1xf32, #tpu.memory_space<vmem>>, %arg3: memref<128x128xf32, #tpu.memory_space<vmem>>, %arg4: memref<1x128xf32, #tpu.memory_space<vmem>>, %arg5: memref<1000x128xf32, #tpu.memory_space<vmem>>) attributes {dimension_semantics = [#tpu.dimension_semantics<arbitrary>], iteration_bounds = array<i64: 10>, scalar_prefetch = 0 : i64, scratch_operands = 0 : i64, tpu.core_type = #tpu.core_type<tc>, window_params = [{transform_indices = @transform_0, window_bounds = array<i64: 2, 1000, 128>}, {transform_indices = @transform_1, window_bounds = array<i64: 1000, 1>}, {pipeline_mode = #tpu.pipeline_mode<synchronous>, transform_indices = @transform_2, window_bounds = array<i64: 128, 128>}, {pipeline_mode = #tpu.pipeline_mode<synchronous>, transform_indices = @transform_3, window_bounds = array<i64: 1, 128>}, {transform_indices = @transform_4, window_bounds = array<i64: 1000, 128>}]} {
    %get3A = arith.constant 0 : index
    %get3A_0 = arith.constant 0 : index
    %get3A_1 = arith.constant 0 : index
    %get3A_2 = vector.load %arg1[%get3A, %get3A_0, %get3A_1] : memref<2x1000x128xf32, #tpu.memory_space<vmem>>, vector<1x1000x128xf32>
    %get3A_3 = vector.shape_cast %get3A_2 : vector<1x1000x128xf32> to vector<1000x128xf32>
    %get3A_4 = arith.constant 1 : index
    %get3A_5 = arith.constant 0 : index
    %get3A_6 = arith.constant 0 : index
    %get3A_7 = vector.load %arg1[%get3A_4, %get3A_5, %get3A_6] : memref<2x1000x128xf32, #tpu.memory_space<vmem>>, vector<1x1000x128xf32>
    %get3A_8 = vector.shape_cast %get3A_7 : vector<1x1000x128xf32> to vector<1000x128xf32>
    %add3A = arith.addf %get3A_3, %get3A_8 : vector<1000x128xf32>
    %get3A_9 = arith.constant 0 : index
    %get3A_10 = arith.constant 0 : index
    %get3A_11 = vector.load %arg2[%get3A_9, %get3A_10] : memref<1000x1xf32, #tpu.memory_space<vmem>>, vector<1000x1xf32>
    %max3A = arith.constant 1.000000e+00 : f32
    %max3A_12 = vector.broadcast %max3A : f32 to vector<1000x1xf32>
    %max3A_13 = arith.maximumf %get3A_11, %max3A_12 : vector<1000x1xf32>
    %div3A = vector.broadcast %max3A_13 : vector<1000x1xf32> to vector<1000x128xf32>
    %div3A_14 = arith.divf %add3A, %div3A : vector<1000x128xf32>
    %get3A_15 = arith.constant 0 : index
    %get3A_16 = arith.constant 0 : index
    %get3A_17 = vector.load %arg3[%get3A_15, %get3A_16] : memref<128x128xf32, #tpu.memory_space<vmem>>, vector<128x128xf32>
    %dot_general3A = arith.constant dense<0.000000e+00> : vector<1000x128xf32>
    %dot_general3A_18 = tpu.matmul %div3A_14, %get3A_17, %dot_general3A {dimension_numbers = #tpu.dot_dimension_numbers<[1], [0], [0], [1], [0, 0, 1, 1], [], []>, transpose_lhs_hint = false} : vector<1000x128xf32>, vector<128x128xf32>, vector<1000x128xf32> -> vector<1000x128xf32>
    %get3A_19 = arith.constant 0 : index
    %get3A_20 = arith.constant 0 : index
    %get3A_21 = vector.load %arg4[%get3A_19, %get3A_20] : memref<1x128xf32, #tpu.memory_space<vmem>>, vector<1x128xf32>
    %add3A_22 = vector.broadcast %get3A_21 : vector<1x128xf32> to vector<1000x128xf32>
    %add3A_23 = arith.addf %dot_general3A_18, %add3A_22 : vector<1000x128xf32>
    %max3A_24 = arith.constant 0.000000e+00 : f32
    %max3A_25 = vector.broadcast %max3A_24 : f32 to vector<1000x128xf32>
    %max3A_26 = arith.maximumf %add3A_23, %max3A_25 : vector<1000x128xf32>
    %swap3A = arith.constant 0 : index
    %swap3A_27 = arith.constant 0 : index
    %swap3A_28 = vector.load %arg5[%swap3A, %swap3A_27] : memref<1000x128xf32, #tpu.memory_space<vmem>>, vector<1000x128xf32>
    tpu.vector_store %arg5[%swap3A, %swap3A_27], %max3A_26 {strides = array<i32>} : memref<1000x128xf32, #tpu.memory_space<vmem>>, vector<1000x128xf32>,
    return
  }
  func.func @transform_0(%arg0: i32) -> (i32, i32, i32) {
    %c0_i32 = arith.constant 0 : i32
    %c0_i32_0 = arith.constant 0 : i32
    %c0_i32_1 = arith.constant 0 : i32
    return %c0_i32, %arg0, %c0_i32_0 : i32, i32, i32
  }
  func.func @transform_1(%arg0: i32) -> (i32, i32) {
    %c0_i32 = arith.constant 0 : i32
    %c0_i32_0 = arith.constant 0 : i32
    return %arg0, %c0_i32 : i32, i32
  }
  func.func @transform_2(%arg0: i32) -> (i32, i32) {
    %c0_i32 = arith.constant 0 : i32
    %c0_i32_0 = arith.constant 0 : i32
    %c0_i32_1 = arith.constant 0 : i32
    return %c0_i32, %c0_i32_0 : i32, i32
  }
  func.func @transform_3(%arg0: i32) -> (i32, i32) {
    %c0_i32 = arith.constant 0 : i32
    %c0_i32_0 = arith.constant 0 : i32
    %c0_i32_1 = arith.constant 0 : i32
    return %c0_i32, %c0_i32_0 : i32, i32
  }
  func.func @transform_4(%arg0: i32) -> (i32, i32) {
    %c0_i32 = arith.constant 0 : i32
    %c0_i32_0 = arith.constant 0 : i32
    return %arg0, %c0_i32 : i32, i32
  }
}

</mosaic_0001>

<sc_bundles>
// kernel: kernel.5.cloned.1.call-start
scs
__scs_entry_jumppad:
0x0: {  	(pc) =	sbr.rel $0x88, $3  }
0x1: {  	(tag) =	ssettag $0x0;
	lr =	simm.s32 $0x1  }
0x2: {  	[smem:$0x3F9D] =	sst lr;
	_ =	strace $0xD0000000  }
0x3: {  	_ = 	snop  }
0x4: {  	_ = 	snop  }
0x5: {  	_ = 	snop  }
0x6: {  	_ = 	snop  }
0x7: {  	_ = 	snop  }
__scs_overlays_trampoline_lowered:
0x8: {  	[smem:$0x3FAC] =	sst s0  }
0x9: {  	[smem:$0x3FAD] =	sst s1  }
0xa: {  	[smem:$0x3FAE] =	sst s2  }
0xb: {  	[smem:$0x3FAF] =	sst s3  }
0xc: {  	[smem:$0x3FB0] =	sst s4  }
0xd: {  	[smem:$0x3FB1] =	sst s5  }
0xe: {  	[smem:$0x3FB2] =	sst s6  }
0xf: {  	[smem:$0x3FB3] =	sst s7  }
0x10: {  	[smem:$0x3FB4] =	sst s8  }
0x11: {  	[smem:$0x3FB5] =	sst s9;
	s0 =	simm.s32 @!p0 $0x0  }
0x12: {  	s1 =	sld [smem:$0x3F9B];
	s0 =	simm.s32 @p0 $0x1  }
0x13: {  	[smem:$0x3FB6] =	sst s0;
	s0 =	simm.s32 @!p1 $0x0  }
0x14: {  	s2 =	sld [smem:$0x3F9A];
	s0 =	simm.s32 @p1 $0x1  }
0x15: {  	[smem:$0x3FB7] =	sst s0;
	s0 =	simm.s32 @!p2 $0x0  }
0x16: {  	s3 =	sld [smem:$0x3FDB];
	s0 =	simm.s32 @p2 $0x1  }
0x17: {  	s4 =	simm.s32 $0x1BF5;
	[smem:$0x3FB9] =	sst s0  }
0x18: {  	s0 =	sld [smem:$0x3F9C];
	_ =	swait.ge [sflag:s4], $0x0  }
0x19: {  	s7 =	sld [smem:$0x3F9D]  }
0x1a: {  	s8 =	sadd.s32 $0xFFFFE003, lr  }
0x1b: {  	s9 =	sadd.s32 $0xFFFFFEF7, lr;
	s5 =	simm.s32 $0xFFFFFFFF;
	p2 =	slt.u32 s8, $0xFFFFF086  }
0x1c: {  	p1 =	slt.u32 s9, $0xF7A;
	s5 =	simm.s32 @!p2 $0x0  }
0x1d: {  	s5 =	simm.s32 @p1 $0x1;
	p0 =	seq.s32 s7, s2  }
0x1e: {  	s7 =	smul.u32 @!p0 $0xF7A, s2;
	p2 =	seq.s32 @!p0 s5, $0x0  }
0x1f: {  	s9 =	smul.u32 $0xF7A, s1;
	s8 =	simm.s32 @!p0 $0x1BF5;
	p2 =	por !p2, p0  }
0x20: {  	[sflag:s8] =	ssyncset.s32 @!p0 $0xFFFFF086;
	s6 =	sadd.s32 @!p0 s3, s7;
	s7 =	simm.s32 @!p0 $0x108  }
0x21: {  	s3 =	sadd.s32 s3, s9;
	s6 =	sadd.s32 @!p0 $0x88, s6;
	s7 =	simm.s32 @p2 $0x1082  }
0x22: {  	[simem:s7], [sflag:s8] =	dma.local @!p0 [hbm:s6], $0xF7A  }
0x23: {  	s9 =	sor.u32 $0xD0000000, s2;
	s6 =	simm.s32 $0x108;
	_ =	swait.ge @!p0 [sflag:s8], $0x0  }
0x24: {  	s3 =	sadd.s32 $0x88, s3;
	s6 =	simm.s32 @!p1 $0x1082;
	[sflag:s4] =	ssyncset.s32 $0xFFFFF086  }
0x25: {  	[simem:s6], [sflag:s4] =	dma.local [hbm:s3], $0xF7A  }
0x26: {  	[smem:$0x3F9D] =	sst s1;
	(tag) =	ssettag s2;
	_ =	strace s9  }
0x27: {  	s1 =	sld [smem:$0x3FAD]  }
0x28: {  	s2 =	sld [smem:$0x3FAE]  }
0x29: {  	s4 =	sld [smem:$0x3FB0]  }
0x2a: {  	p0 =	seq.s32 s5, $0x0;
	s5 =	sld [smem:$0x3FB1]  }
0x2b: {  	s6 =	sld [smem:$0x3FB2]  }
0x2c: {  	s7 =	sld [smem:$0x3FB3]  }
0x2d: {  	s3 =	simm.s32 $0x108;
	s8 =	sld [smem:$0x3FB4]  }
0x2e: {  	s3 =	simm.s32 @!p0 $0x1082;
	s9 =	sld [smem:$0x3FB5]  }
0x2f: {  	lr =	sadd.s32 s0, s3;
	s0 =	sld [smem:$0x3FAC]  }
0x30: {  	s3 =	sld [smem:$0x3FAF]  }
0x31: {  	[smem:$0x3FB8] =	sst s10  }
0x32: {  	s10 =	sld [smem:$0x3FB6];
	_ =	sdelay $0x3  }
0x33: {  	p0 =	seq.s32 s10, $0x1;
	s10 =	sld [smem:$0x3FB8];
	_ =	sdelay $0x3  }
0x34: {  	[smem:$0x3FB8] =	sst s10  }
0x35: {  	s10 =	sld [smem:$0x3FB7];
	_ =	sdelay $0x3  }
0x36: {  	p1 =	seq.s32 s10, $0x1;
	s10 =	sld [smem:$0x3FB8];
	_ =	sdelay $0x3  }
0x37: {  	[smem:$0x3FB8] =	sst s10  }
0x38: {  	s10 =	sld [smem:$0x3FB9]  }
0x39: {  	_ = 	snop;
	(pc) =	sbr.ind lr, $3  }
0x3a: {  	_ = 	snop  }
0x3b: {  	_ = 	snop  }
0x3c: {  	p2 =	seq.s32 s10, $0x1;
	s10 =	sld [smem:$0x3FB8]  }
0x3d: {  	_ =	shalt  }
0x3e: {  	_ =	shalt  }
0x3f: {  	_ =	shalt  }
0x40: {  	_ =	shalt  }
0x41: {  	_ =	shalt  }
0x42: {  	_ =	shalt  }
0x43: {  	_ =	shalt  }
0x44: {  	_ =	shalt  }
0x45: {  	_ =	shalt  }
0x46: {  	_ =	shalt  }
0x47: {  	_ =	shalt  }
0x48: {  	_ =	shalt  }
0x49: {  	_ =	shalt  }
0x4a: {  	_ =	shalt  }
0x4b: {  	_ =	shalt  }
0x4c: {  	_ =	shalt  }
0x4d: {  	_ =	shalt  }
0x4e: {  	_ =	shalt  }
0x4f: {  	_ =	shalt  }
0x50: {  	_ =	shalt  }
0x51: {  	_ =	shalt  }
0x52: {  	_ =	shalt  }
0x53: {  	_ =	shalt  }
0x54: {  	_ =	shalt  }
0x55: {  	_ =	shalt  }
0x56: {  	_ =	shalt  }
0x57: {  	_ =	shalt  }
0x58: {  	_ =	shalt  }
0x59: {  	_ =	shalt  }
0x5a: {  	_ =	shalt  }
0x5b: {  	_ =	shalt  }
0x5c: {  	_ =	shalt  }
0x5d: {  	_ =	shalt  }
0x5e: {  	_ =	shalt  }
0x5f: {  	_ =	shalt  }
0x60: {  	_ =	shalt  }
0x61: {  	_ =	shalt  }
0x62: {  	_ =	shalt  }
0x63: {  	_ =	shalt  }
0x64: {  	_ =	shalt  }
0x65: {  	_ =	shalt  }
0x66: {  	_ =	shalt  }
0x67: {  	_ =	shalt  }
0x68: {  	_ =	shalt  }
0x69: {  	_ =	shalt  }
0x6a: {  	_ =	shalt  }
0x6b: {  	_ =	shalt  }
0x6c: {  	_ =	shalt  }
0x6d: {  	_ =	shalt  }
0x6e: {  	_ =	shalt  }
0x6f: {  	_ =	shalt  }
0x70: {  	_ =	shalt  }
0x71: {  	_ =	shalt  }
0x72: {  	_ =	shalt  }
0x73: {  	_ =	shalt  }
0x74: {  	_ =	shalt  }
0x75: {  	_ =	shalt  }
0x76: {  	_ =	shalt  }
0x77: {  	_ =	shalt  }
0x78: {  	_ =	shalt  }
0x79: {  	_ =	shalt  }
0x7a: {  	_ =	shalt  }
0x7b: {  	_ =	shalt  }
0x7c: {  	_ =	shalt  }
0x7d: {  	_ =	shalt  }
0x7e: {  	_ =	shalt  }
0x7f: {  	_ =	shalt  }
0x80: {  	_ =	shalt  }
0x81: {  	_ =	shalt  }
0x82: {  	_ =	shalt  }
0x83: {  	_ =	shalt  }
0x84: {  	_ =	shalt  }
0x85: {  	_ =	shalt  }
0x86: {  	_ =	shalt  }
0x87: {  	_ =	shalt  }
.Lfunc_end0:
.L_simem_size_0:
called_computation_lowered:
.L_overlay_start_0:
0x88: {  	s2 =	sld [smem:$0x3FD9]  }
0x89: {  	s3 =	sld [smem:$0x3FFE];
	_ =	sdelay $0x1  }
0x8a: {  	s1 =	srdreg.scid  }
0x8b: {  	s0 =	sand.u32 $0x1, s1  }
0x8c: {  	s17 =	sshll.u32 s0, $0xA;
	s2 =	sadd.s32 s3, s2  }
0x8d: {  	s2 =	sadd.s32 s2, s17  }
0x8e: {  	[smem:$0x3FC4] =	sst s2  }
0x8f: {  	_ = 	snop  }
0x90: {  	s2 =	sld [smem:$0x3FC8]  }
0x91: {  	s18 =	sld [smem:$0x3FD0];
	(tm) =	ssettm $0x1  }
0x92: {  	s4 =	sld [smem:$0x3FFB];
	_ =	sdelay $0x3  }
0x93: {  	_ =	strace s4  }
0x94: {  	s4 =	sld [smem:$0x3FFC];
	_ =	sdelay $0x3  }
0x95: {  	_ =	strace s4  }
0x96: {  	s4 =	sld [smem:$0x3FFD];
	_ =	sdelay $0x3  }
0x97: {  	_ =	strace s4  }
0x98: {  	_ =	strace $0x8FFFFFFF  }
0x99: {  	s19 =	sld [smem:$0x3FDB];
	_ =	sdelay $0x1  }
0x9a: {  	s5 =	simm.s32 $_scs_section_size  }
0x9b: {  	s6 =	simm.s32 $_size__tile_overlayer_lowered;
	s7 =	simm.s32 $_tile_overlayer_lowered  }
0x9c: {  	s22 =	simm.s32 $0x1BFF;
	s21 =	sshll.u32 s7, $0x1;
	s4 =	sadd.s32 s5, s19  }
0x9d: {  	s8 =	simm.s32 $0x0;
	s20 =	sshll.u32 s6, $0x1;
	s6 =	sadd.s32 s21, s4  }
0x9e: {  	[timem:s8], [sflag:s22] =	dma.local [hbm:s6], s20  }
0x9f: {  	_ =	swait.ge [sflag:s22], s20  }
0xa0: {  	s5 =	ssub.s32 $0x0, s20;
	[sflag:s22] =	ssyncset.done $0x0  }
0xa1: {  	[sflag:s22] =	ssyncadd.s32 s5;
	_ =	sdelay $0x1  }
0xa2: {  	s23 =	simm.s32 $0x1B8B  }
0xa3: {  	_ =	swait.ge [sflag:s23], $0x1  }
0xa4: {  	[sflag:s23] =	ssyncset.done $0x0  }
0xa5: {  	s25 =	simm.s32 $0x1B8E;
	s24 =	sld [smem:$0x3FFE];
	[sflag:s23] =	ssyncadd.s32 $0xFFFFFFFF  }
0xa6: {  	s26 =	simm.s32 $execute0_lowered;
	[smem:$0x3FD2] =	sst s25  }
0xa7: {  	s6 =	sshll.u32 s26, $0x1;
	_ =	strace $0x80000046;
	[dreg:$0x1] =	wrdreg $0xFFFFFFFF  }
0xa8: {  	s28 =	simm.s32 $_size_execute0_lowered;
	s4 =	sadd.s32 s4, s6;
	[dreg:$0x0] =	wrdreg $0x0  }
0xa9: {  	s6 =	sshll.u32 s28, $0x1;
	[dreg:$0x2] =	wrdreg s4  }
0xaa: {  	[dreg:$0x3] =	wrdreg s6  }
0xab: {  	[dreg:$0x4] =	wrdreg $0xC0  }
0xac: {  	_ =	task [dreg:s8], $0x5FFFF  }
0xad: {  	[dreg:$0x1] =	wrdreg $0xFFFFFFFF  }
0xae: {  	[dreg:$0x0] =	wrdreg $0x60  }
0xaf: {  	[dreg:$0x2] =	wrdreg s24  }
0xb0: {  	[dreg:$0x3] =	wrdreg s2  }
0xb1: {  	[dreg:$0x4] =	wrdreg s18  }
0xb2: {  	[dreg:$0x5] =	wrdreg $0x0  }
0xb3: {  	[dreg:$0x6] =	wrdreg $0x9  }
0xb4: {  	_ =	task.clear_ibuf [dreg:s8], $0x7FFFF;
	_ =	strace $0x90000046  }
0xb5: {  	s29 =	simm.s32 $0x9;
	_ =	strace $0x80000048  }
0xb6: {  	_ =	swait.ge [sflag:s29], $0x1  }
0xb7: {  	[sflag:s29] =	ssyncadd.s32 $0xFFFFFFFF  }
0xb8: {  	_ =	strace $0x90000048  }
0xb9: {  	_ =	sfence  }
0xba: {  	s30 =	sld [smem:$0x0];
	_ =	sdelay $0x2  }
0xbb: {  	s31 =	sshll.u32 s1, $0xD;
	s1 =	sshrl.u32 s1, $0x2  }
0xbc: {  	s3 =	sand.u32 $0x4000, s31;
	s1 =	sadd.s32 s1, s30  }
0xbd: {  	s0 =	sor.u32 s3, s0;
	s1 =	sshll.u32 s1, $0x11  }
0xbe: {  	s0 =	sor.u32 s1, s0  }
0xbf: {  	s0 =	sadd.s32 $0x8F2B, s0  }
0xc0: {  	[sflag:s0] =	ssyncadd.remote.s32 $0x1  }
0xc1: {  	_ =	sfence.sel $0xFFFF  }
0xc2: {  	[dreg:$0x0] =	wrdreg $0xFFFFFFFF;
	(pc) =	sbr.abs _section_cstart, $3  }
0xc3: {  	[dreg:$0x1] =	wrdreg $0xFFFFFFFF  }
0xc4: {  	_ =	task.clear_ibuf [dreg:s8], $0x2FFFF;
	_ =	strace $0x9FFFFFFF  }
0xc5: {  	(tm) =	ssettm $0x7FFFFFFF  }
tec
execute0_lowered:
.L_overlay_start_1:
0x0: {  	(tag) =	ssettag $0x1  }
0x1: {  	s0 =	rddreg [dreg:$0x0]  }
0x2: {  	s1 =	rddreg [dreg:$0x1]  }
0x3: {  	s7 =	rddreg [dreg:$0x2]  }
0x4: {  	s2 =	rddreg [dreg:$0x3];
	s3 =	simm.s32 $0x0  }
0x5: {  	s4 =	srdreg.scid;
	s14 =	stileid.u32;
	s31 =	simm.s32 $0x14800  }
0x6: {  	s28 =	simm.s32 $0x2;
	s29 =	simm.s32 $0x3;
	[smem:$0x7FF] =	sst s3  }
0x7: {  	s8 =	sand.u32 $0x1, s4;
	s9 =	sadd.s32 $0xA400, s0;
	s6 =	sadd.s32 $0x600, s0  }
0x8: {  	s5 =	sadd.s32 $0x14200, s0;
	s11 =	sadd.s32 $0x14600, s0;
	s0 =	sadd.s32 $0x14C00, s0  }
0x9: {  	s16 =	sadd.s32 $0x138000, s2;
	s26 =	smul.u32 $0x2710, s14;
	s4 =	sshll.u32 s8, $0x4  }
0xa: {  	s13 =	smul.u32 $0x4E000, s14;
	_ =	strace $0x80000047;
	s4 =	sor.u32 s14, s4  }
0xb: {  	[dreg:$0x1f] =	wrdreg s5;
	s21 =	ssub.s32 $0x2, s8;
	s10 =	smul.u32 $0x2710, s4  }
0xc: {  	[smem:$0x7E8] =	sst s11;
	s22 =	sshrl.u32 s21, $0x1;
	s24 =	smul.u32 $0x500, s4  }
0xd: {  	[smem:$0x7FC] =	sst s16;
	s11 =	ssub.s32 s21, s22;
	s4 =	smul.u32 $0x13800, s14  }
0xe: {  	s11 =	smax.u32 s11, $0x1;
	s23 =	sshrl.u32 s10, $0x3;
	s7 =	sadd.s32 s7, s24  }
0xf: {  	s25 =	sadd.s32 $0x12000, s4;
	[smem:$0x7EE] =	sst s11;
	s5 =	sadd.s32 $0x4E0, s23  }
0x10: {  	[smem:$0x7EB] =	sst s7;
	s12 =	sadd.s32 s9, s5;
	s5 =	sadd.s32 s6, s5  }
0x11: {  	s15 =	sadd.s32 s25, s2;
	[smem:$0x7EA] =	sst s5;
	s5 =	smul.u32 $0x138800, s8  }
0x12: {  	s11 =	smov.u32 s15;
	[smem:$0x7E9] =	sst s12;
	s8 =	smul.u32 $0x27100, s8  }
0x13: {  	s17 =	sshrl.u32 s13, $0x2;
	[smem:$0x7FD] =	sst s11;
	s7 =	sadd.s32 s5, s25  }
0x14: {  	s30 =	sshrl.u32 s5, $0x3;
	s8 =	sadd.s32 s26, s8;
	s7 =	sshrl.u32 s7, $0x3  }
0x15: {  	s12 =	sadd.s32 s0, s30;
	s10 =	sshrl.u32 s8, $0x3;
	s20 =	sadd.s32 $0x600, s8  }
0x16: {  	s22 =	sadd.s32 $0x580, s8;
	s23 =	sadd.s32 $0x500, s8;
	s7 =	sadd.s32 s0, s7  }
0x17: {  	s13 =	sadd.s32 $0x400, s8;
	s18 =	sadd.s32 s10, s6;
	[smem:$0x7EC] =	sst s7  }
0x18: {  	s15 =	sadd.s32 $0x380, s8;
	s19 =	sadd.s32 s10, s9;
	[dreg:$0x5] =	wrdreg s18  }
0x19: {  	s9 =	sshrl.u32 s22, $0x3;
	s7 =	sadd.s32 $0x27000, s12;
	[dreg:$0x6] =	wrdreg s19  }
0x1a: {  	s25 =	sshrl.u32 s23, $0x3;
	s24 =	sadd.s32 s9, s6;
	[smem:$0x7ED] =	sst s7  }
0x1b: {  	s21 =	sshrl.u32 s20, $0x3;
	s26 =	sadd.s32 s25, s6;
	[dreg:$0x8] =	wrdreg s24  }
0x1c: {  	s23 =	sadd.s32 $0x200, s8;
	s12 =	sadd.s32 s17, s2;
	[dreg:$0x9] =	wrdreg s26  }
0x1d: {  	s9 =	sshrl.u32 s13, $0x3;
	s7 =	sadd.s32 s21, s6;
	[smem:$0x7FA] =	sst s12  }
0x1e: {  	s18 =	sshrl.u32 s15, $0x3;
	s17 =	sadd.s32 s9, s6;
	[dreg:$0x7] =	wrdreg s7  }
0x1f: {  	s25 =	sshrl.u32 s23, $0x3;
	s19 =	sadd.s32 s18, s6;
	[dreg:$0xb] =	wrdreg s17  }
0x20: {  	s30 =	sadd.s32 $0x480, s8;
	s26 =	sadd.s32 s25, s6;
	[dreg:$0xc] =	wrdreg s19  }
0x21: {  	s20 =	sadd.s32 $0x300, s8;
	s18 =	simm.s32 $0x13900;
	[dreg:$0xf] =	wrdreg s26  }
0x22: {  	s21 =	sshrl.u32 s20, $0x3;
	s20 =	simm.s32 $0x13980;
	[dreg:$0x13] =	wrdreg s18  }
0x23: {  	s22 =	sadd.s32 $0x280, s8;
	s23 =	sadd.s32 $0x6000, s12;
	[dreg:$0x14] =	wrdreg s20  }
0x24: {  	s9 =	sshrl.u32 s22, $0x3;
	s22 =	simm.s32 $0x13A00;
	[smem:$0x7F2] =	sst s23  }
0x25: {  	s10 =	sshrl.u32 s30, $0x3;
	s25 =	sadd.s32 $0x7800, s12;
	[dreg:$0x15] =	wrdreg s22  }
0x26: {  	p0 =	sne.s32 s14, $0xF;
	s7 =	sadd.s32 s10, s6;
	[smem:$0x7F3] =	sst s25  }
0x27: {  	s15 =	sadd.s32 s2, s4;
	s24 =	sadd.s32 s9, s6;
	[dreg:$0xa] =	wrdreg s7  }
0x28: {  	s14 =	simm.s32 $0x14100;
	s17 =	sadd.s32 $0x1800, s15;
	[dreg:$0xe] =	wrdreg s24  }
0x29: {  	s30 =	sadd.s32 $0x180, s8;
	s19 =	sadd.s32 $0x3000, s12;
	[smem:$0x7EF] =	sst s17  }
0x2a: {  	s9 =	sshrl.u32 s30, $0x3;
	s30 =	sadd.s32 $0x9000, s12;
	[smem:$0x7F0] =	sst s19  }
0x2b: {  	s4 =	sadd.s32 s4, s5;
	s26 =	simm.s32 $0x13B00;
	[smem:$0x7F4] =	sst s30  }
0x2c: {  	s10 =	sadd.s32 $0x100, s8;
	s15 =	simm.s32 $0x13D00;
	[dreg:$0x17] =	wrdreg s26  }
0x2d: {  	s8 =	sadd.s32 $0x80, s8;
	s18 =	simm.s32 $0x13E00;
	[dreg:$0x1b] =	wrdreg s15  }
0x2e: {  	s20 =	sadd.s32 $0xA800, s12;
	s25 =	sadd.s32 $0xF000, s12;
	[dreg:$0x1d] =	wrdreg s18  }
0x2f: {  	s7 =	sadd.s32 s21, s6;
	s8 =	sshrl.u32 s8, $0x3;
	[smem:$0x7F5] =	sst s20  }
0x30: {  	s21 =	sadd.s32 $0x4800, s12;
	s24 =	simm.s32 $0x13A80;
	[smem:$0x7F8] =	sst s25  }
0x31: {  	s17 =	simm.s32 $0x13D80;
	s19 =	simm.s32 $0x13E80;
	[dreg:$0xd] =	wrdreg s7  }
0x32: {  	s26 =	sadd.s32 $0x10800, s12;
	s30 =	sadd.s32 $0x1800, s12;
	[smem:$0x7F1] =	sst s21  }
0x33: {  	s25 =	simm.s32 $0x80;
	s15 =	simm.s32 $0x4;
	[dreg:$0x16] =	wrdreg s24  }
0x34: {  	s18 =	simm.s32 $0x14280;
	s20 =	simm.s32 $0x14380;
	[dreg:$0x1c] =	wrdreg s17  }
0x35: {  	s7 =	sadd.s32 s9, s6;
	s9 =	sshrl.u32 s10, $0x3;
	[dreg:$0x1e] =	wrdreg s19  }
0x36: {  	s10 =	sadd.s32 $0x1800, s4;
	s4 =	sshrl.u32 s4, $0x3;
	[smem:$0x7F9] =	sst s26  }
0x37: {  	s21 =	sadd.s32 $0xC000, s12;
	s24 =	sadd.s32 $0xD800, s12;
	[smem:$0x7FB] =	sst s30  }
0x38: {  	s26 =	simm.s32 $0x18800;
	s12 =	simm.s32 $0x14000;
	[dreg:$0x10] =	wrdreg s7  }
0x39: {  	s17 =	simm.s32 $0x14200;
	s19 =	simm.s32 $0x14300;
	[smem:$0x7F6] =	sst s21  }
0x3a: {  	s13 =	sadd.s32 s9, s6;
	s6 =	sadd.s32 s8, s6;
	[smem:$0x7F7] =	sst s24  }
0x3b: {  	s8 =	simm.s32 $0x13B80;
	s9 =	simm.s32 $0x13C00;
	[dreg:$0x11] =	wrdreg s13  }
0x3c: {  	s23 =	sadd.s32 s4, s0;
	s4 =	simm.s32 $0x1C800;
	[dreg:$0x12] =	wrdreg s6  }
0x3d: {  	s24 =	simm.s32 $0x1;
	s7 =	simm.s32 $0x5;
	[dreg:$0x18] =	wrdreg s8  }
0x3e: {  	s21 =	simm.s32 $0x14400;
	[dreg:$0x19] =	wrdreg s9;
	s13 =	simm.s32 $0x13C80  }
0x3f: {  	s6 =	sshrl.u32 s10, $0x3;
	s8 =	simm.s32 $0x13F00;
	s9 =	simm.s32 $0x0  }
0x40: {  	s10 =	simm.s32 $0x13F80;
	[dreg:$0x1a] =	wrdreg s13;
	s22 =	sadd.s32 s6, s0  }
0x41: {  	v0 =	vimm.f32 $1.000000000e+00;
	s0 =	simm.s32 $0x6;
	s6 =	simm.s32 $0x13880;
	s13 =	simm.s32 $0x14080  }
.LBB2_1:
0x42: {  	[smem:$0x7E7] =	sst s9  }
0x43: {  	s5 =	rddreg [dreg:$0x1f]  }
0x44: {  	[tilespmem:s31], [sflag:$0x6] =	stream.linear.gather [hbm4b:s5+s3], $0x1800, $0x38;
	[tilespmem:$0x1F000] =	vst v63  }
0x45: {  	_ =	swait.ge [sflag:s0], $0x1800  }
0x46: {  	s9 =	sld [smem:$0x7E8]  }
0x47: {  	[sflag:s0] =	ssyncset.done $0x0  }
0x48: {  	[sflag:s0] =	ssyncadd.s32 $0xFFFFE800  }
0x49: {  	[tilespmem:s4], [sflag:$0x6] =	stream.linear.gather [hbm4b:s9+s3], $0x2800, $0x38;
	[tilespmem:$0x1F000] =	vst v63  }
0x4a: {  	_ =	swait.ge [sflag:s0], $0x2800  }
0x4b: {  	s9 =	sld [smem:$0x7FA]  }
0x4c: {  	[sflag:s0] =	ssyncset.done $0x0  }
0x4d: {  	[sflag:s0] =	ssyncadd.s32 $0xFFFFD800  }
0x4e: {  	[spmem:s9] =	stream.linear.scatter [tilespmem:s31], [sflag:$0x6], $0x1800, $0x38;
	[tilespmem:$0x1F000] =	vst v63  }
0x4f: {  	_ =	swait.ge [sflag:s0], $0x1800  }
0x50: {  	s9 =	sld [smem:$0x7EF]  }
0x51: {  	[sflag:s0] =	ssyncset.done $0x0  }
0x52: {  	[sflag:s0] =	ssyncadd.s32 $0xFFFFE800  }
0x53: {  	[spmem:s9] =	stream.linear.scatter [tilespmem:s31], [sflag:$0x6], $0x1800, $0x38;
	[tilespmem:$0x1F000] =	vst v63  }
0x54: {  	_ =	swait.ge [sflag:s0], $0x1800  }
0x55: {  	s9 =	sld [smem:$0x7F0]  }
0x56: {  	[sflag:s0] =	ssyncset.done $0x0  }
0x57: {  	[sflag:s0] =	ssyncadd.s32 $0xFFFFE800  }
0x58: {  	[spmem:s9] =	stream.linear.scatter [tilespmem:s31], [sflag:$0x6], $0x1800, $0x38;
	[tilespmem:$0x1F000] =	vst v63  }
0x59: {  	_ =	swait.ge [sflag:s0], $0x1800  }
0x5a: {  	s9 =	sld [smem:$0x7F1]  }
0x5b: {  	[sflag:s0] =	ssyncset.done $0x0  }
0x5c: {  	[sflag:s0] =	ssyncadd.s32 $0xFFFFE800  }
0x5d: {  	[spmem:s9] =	stream.linear.scatter [tilespmem:s31], [sflag:$0x6], $0x1800, $0x38;
	[tilespmem:$0x1F000] =	vst v63  }
0x5e: {  	_ =	swait.ge [sflag:s0], $0x1800  }
0x5f: {  	s9 =	sld [smem:$0x7F2]  }
0x60: {  	[sflag:s0] =	ssyncset.done $0x0  }
0x61: {  	[sflag:s0] =	ssyncadd.s32 $0xFFFFE800  }
0x62: {  	[spmem:s9] =	stream.linear.scatter [tilespmem:s31], [sflag:$0x6], $0x1800, $0x38;
	[tilespmem:$0x1F000] =	vst v63  }
0x63: {  	_ =	swait.ge [sflag:s0], $0x1800  }
0x64: {  	s9 =	sld [smem:$0x7F3]  }
0x65: {  	[sflag:s0] =	ssyncset.done $0x0  }
0x66: {  	[sflag:s0] =	ssyncadd.s32 $0xFFFFE800  }
0x67: {  	[spmem:s9] =	stream.linear.scatter [tilespmem:s31], [sflag:$0x6], $0x1800, $0x38;
	[tilespmem:$0x1F000] =	vst v63  }
0x68: {  	_ =	swait.ge [sflag:s0], $0x1800  }
0x69: {  	s9 =	sld [smem:$0x7F4]  }
0x6a: {  	[sflag:s0] =	ssyncset.done $0x0  }
0x6b: {  	[sflag:s0] =	ssyncadd.s32 $0xFFFFE800  }
0x6c: {  	[spmem:s9] =	stream.linear.scatter [tilespmem:s31], [sflag:$0x6], $0x1800, $0x38;
	[tilespmem:$0x1F000] =	vst v63  }
0x6d: {  	_ =	swait.ge [sflag:s0], $0x1800  }
0x6e: {  	s9 =	sld [smem:$0x7F5]  }
0x6f: {  	[sflag:s0] =	ssyncset.done $0x0  }
0x70: {  	[sflag:s0] =	ssyncadd.s32 $0xFFFFE800  }
0x71: {  	[spmem:s9] =	stream.linear.scatter [tilespmem:s31], [sflag:$0x6], $0x1800, $0x38;
	[tilespmem:$0x1F000] =	vst v63  }
0x72: {  	_ =	swait.ge [sflag:s0], $0x1800  }
0x73: {  	s9 =	sld [smem:$0x7F6]  }
0x74: {  	[sflag:s0] =	ssyncset.done $0x0  }
0x75: {  	[sflag:s0] =	ssyncadd.s32 $0xFFFFE800  }
0x76: {  	[spmem:s9] =	stream.linear.scatter [tilespmem:s31], [sflag:$0x6], $0x1800, $0x38;
	[tilespmem:$0x1F000] =	vst v63  }
0x77: {  	_ =	swait.ge [sflag:s0], $0x1800  }
0x78: {  	s9 =	sld [smem:$0x7F7]  }
0x79: {  	[sflag:s0] =	ssyncset.done $0x0  }
0x7a: {  	[sflag:s0] =	ssyncadd.s32 $0xFFFFE800  }
0x7b: {  	[spmem:s9] =	stream.linear.scatter [tilespmem:s31], [sflag:$0x6], $0x1800, $0x38;
	[tilespmem:$0x1F000] =	vst v63  }
0x7c: {  	_ =	swait.ge [sflag:s0], $0x1800  }
0x7d: {  	s9 =	sld [smem:$0x7F8]  }
0x7e: {  	[sflag:s0] =	ssyncset.done $0x0  }
0x7f: {  	[sflag:s0] =	ssyncadd.s32 $0xFFFFE800  }
0x80: {  	[spmem:s9] =	stream.linear.scatter [tilespmem:s31], [sflag:$0x6], $0x1800, $0x38;
	[tilespmem:$0x1F000] =	vst v63  }
0x81: {  	_ =	swait.ge [sflag:s0], $0x1800  }
0x82: {  	s9 =	sld [smem:$0x7F9]  }
0x83: {  	[sflag:s0] =	ssyncset.done $0x0  }
0x84: {  	[sflag:s0] =	ssyncadd.s32 $0xFFFFE800  }
0x85: {  	[spmem:s9] =	stream.linear.scatter [tilespmem:s31], [sflag:$0x6], $0x1800, $0x38;
	[tilespmem:$0x1F000] =	vst v63  }
0x86: {  	_ =	swait.ge [sflag:s0], $0x1800  }
0x87: {  	[sflag:s0] =	ssyncset.done $0x0  }
0x88: {  	[sflag:s0] =	ssyncadd.s32 $0xFFFFE800  }
0x89: {  	[spmem:s11] =	stream.linear.scatter [tilespmem:s31], [sflag:$0x6], $0x1800, $0x38;
	[tilespmem:$0x1F000] =	vst v63  }
0x8a: {  	_ =	swait.ge [sflag:s0], $0x1800  }
0x8b: {  	[sflag:s0] =	ssyncset.done $0x0  }
0x8c: {  	s5 =	simm.s32 @!p0 $0x14800;
	[sflag:s0] =	ssyncadd.s32 $0xFFFFE800  }
0x8d: {  	[spmem:s16] =	stream.linear.scatter @!p0 [tilespmem:s5], [sflag:$0x6], $0x800, $0x38;
	[tilespmem:$0x1F000] =	vst v63  }
0x8e: {  	s5 =	simm.s32 @!p0 $0x6  }
0x8f: {  	_ =	swait.ge @!p0 [sflag:s5], $0x800  }
0x90: {  	[sflag:s5] =	ssyncset.done @!p0 $0x0  }
0x91: {  	[sflag:s5] =	ssyncadd.s32 @!p0 $0xFFFFF800  }
0x92: {  	s30 =	simm.s32 $0x0;
	[bflag:$0x0] =	sbarrier.arrive $0xFFFF  }
.LBB2_2:
0x93: {  	s5 =	rddreg [dreg:$0x6]  }
0x94: {  	s11 =	rddreg [dreg:$0x5];
	s5 =	sadd.s32 s30, s5  }
0x95: {  	[tilespmem:s6], [sflag:$0x1] =	stream.linear.gather [hbm4b:s5+s3], $0x680, $0x38;
	[tilespmem:$0x1F000] =	vst v63  }
0x96: {  	s16 =	rddreg [dreg:$0x12];
	s11 =	sadd.s32 s30, s11  }
0x97: {  	[tilespmem:s8], [sflag:$0x1] =	stream.linear.gather [hbm4b:s11+s3], $0x80, $0x38;
	[tilespmem:$0x1F000] =	vst v63  }
0x98: {  	s9 =	rddreg [dreg:$0x11];
	s11 =	sadd.s32 s30, s16  }
0x99: {  	[tilespmem:s10], [sflag:$0x1] =	stream.linear.gather [hbm4b:s11+s3], $0x80, $0x38;
	[tilespmem:$0x1F000] =	vst v63  }
0x9a: {  	s5 =	sadd.s32 s30, s9;
	s16 =	rddreg [dreg:$0x10]  }
0x9b: {  	[tilespmem:s12], [sflag:$0x1] =	stream.linear.gather [hbm4b:s5+s3], $0x80, $0x38;
	[tilespmem:$0x1F000] =	vst v63  }
0x9c: {  	s9 =	rddreg [dreg:$0xf];
	s11 =	sadd.s32 s30, s16  }
0x9d: {  	[tilespmem:s13], [sflag:$0x1] =	stream.linear.gather [hbm4b:s11+s3], $0x80, $0x38;
	[tilespmem:$0x1F000] =	vst v63  }
0x9e: {  	s16 =	rddreg [dreg:$0xe];
	s5 =	sadd.s32 s30, s9  }
0x9f: {  	[tilespmem:s14], [sflag:$0x1] =	stream.linear.gather [hbm4b:s5+s3], $0x80, $0x38;
	[tilespmem:$0x1F000] =	vst v63  }
0xa0: {  	s9 =	rddreg [dreg:$0xd];
	s11 =	sadd.s32 s30, s16;
	s16 =	simm.s32 $0x14180  }
0xa1: {  	[tilespmem:s16], [sflag:$0x1] =	stream.linear.gather [hbm4b:s11+s3], $0x80, $0x38;
	[tilespmem:$0x1F000] =	vst v63  }
0xa2: {  	s5 =	sadd.s32 s30, s9;
	s11 =	rddreg [dreg:$0xc]  }
0xa3: {  	[tilespmem:s17], [sflag:$0x1] =	stream.linear.gather [hbm4b:s5+s3], $0x80, $0x38;
	[tilespmem:$0x1F000] =	vst v63  }
0xa4: {  	s9 =	rddreg [dreg:$0xb];
	s11 =	sadd.s32 s30, s11  }
0xa5: {  	[tilespmem:s18], [sflag:$0x1] =	stream.linear.gather [hbm4b:s11+s3], $0x80, $0x38;
	[tilespmem:$0x1F000] =	vst v63  }
0xa6: {  	s5 =	sadd.s32 s30, s9;
	s11 =	rddreg [dreg:$0xa]  }
0xa7: {  	[tilespmem:s19], [sflag:$0x1] =	stream.linear.gather [hbm4b:s5+s3], $0x80, $0x38;
	[tilespmem:$0x1F000] =	vst v63  }
0xa8: {  	s9 =	rddreg [dreg:$0x9];
	s11 =	sadd.s32 s30, s11  }
0xa9: {  	[tilespmem:s20], [sflag:$0x1] =	stream.linear.gather [hbm4b:s11+s3], $0x80, $0x38;
	[tilespmem:$0x1F000] =	vst v63  }
0xaa: {  	s5 =	sadd.s32 s30, s9;
	s9 =	rddreg [dreg:$0x8]  }
0xab: {  	[tilespmem:s21], [sflag:$0x1] =	stream.linear.gather [hbm4b:s5+s3], $0x80, $0x38;
	[tilespmem:$0x1F000] =	vst v63  }
0xac: {  	s11 =	sadd.s32 s30, s9;
	s9 =	simm.s32 $0x14480;
	s5 =	rddreg [dreg:$0x7]  }
0xad: {  	[tilespmem:s9], [sflag:$0x1] =	stream.linear.gather [hbm4b:s11+s3], $0x80, $0x38;
	[tilespmem:$0x1F000] =	vst v63  }
0xae: {  	s5 =	sadd.s32 s30, s5;
	s11 =	simm.s32 $0x14500  }
0xaf: {  	[tilespmem:s11], [sflag:$0x1] =	stream.linear.gather [hbm4b:s5+s3], $0x80, $0x38;
	[tilespmem:$0x1F000] =	vst v63  }
0xb0: {  	_ =	swait.ge [sflag:s24], $0x680  }
0xb1: {  	[sflag:s24] =	ssyncset.done $0x0  }
0xb2: {  	[sflag:s24] =	ssyncadd.s32 $0xFFFFF980  }
0xb3: {  	_ =	swait.ge [sflag:s24], $0x80  }
0xb4: {  	[sflag:s24] =	ssyncset.done $0x0  }
0xb5: {  	[sflag:s24] =	ssyncadd.s32 $0xFFFFFF80  }
0xb6: {  	_ =	swait.ge [sflag:s24], $0x80  }
0xb7: {  	[sflag:s24] =	ssyncset.done $0x0  }
0xb8: {  	[sflag:s24] =	ssyncadd.s32 $0xFFFFFF80  }
0xb9: {  	_ =	swait.ge [sflag:s24], $0x80  }
0xba: {  	[sflag:s24] =	ssyncset.done $0x0  }
0xbb: {  	[sflag:s24] =	ssyncadd.s32 $0xFFFFFF80  }
0xbc: {  	_ =	swait.ge [sflag:s24], $0x80  }
0xbd: {  	[sflag:s24] =	ssyncset.done $0x0  }
0xbe: {  	[sflag:s24] =	ssyncadd.s32 $0xFFFFFF80  }
0xbf: {  	_ =	swait.ge [sflag:s24], $0x80  }
0xc0: {  	[sflag:s24] =	ssyncset.done $0x0  }
0xc1: {  	[sflag:s24] =	ssyncadd.s32 $0xFFFFFF80  }
0xc2: {  	_ =	swait.ge [sflag:s24], $0x80  }
0xc3: {  	[sflag:s24] =	ssyncset.done $0x0  }
0xc4: {  	[sflag:s24] =	ssyncadd.s32 $0xFFFFFF80  }
0xc5: {  	_ =	swait.ge [sflag:s24], $0x80  }
0xc6: {  	[sflag:s24] =	ssyncset.done $0x0  }
0xc7: {  	[sflag:s24] =	ssyncadd.s32 $0xFFFFFF80  }
0xc8: {  	_ =	swait.ge [sflag:s24], $0x80  }
0xc9: {  	[sflag:s24] =	ssyncset.done $0x0  }
0xca: {  	[sflag:s24] =	ssyncadd.s32 $0xFFFFFF80  }
0xcb: {  	_ =	swait.ge [sflag:s24], $0x80  }
0xcc: {  	[sflag:s24] =	ssyncset.done $0x0  }
0xcd: {  	[sflag:s24] =	ssyncadd.s32 $0xFFFFFF80  }
0xce: {  	_ =	swait.ge [sflag:s24], $0x80  }
0xcf: {  	[sflag:s24] =	ssyncset.done $0x0  }
0xd0: {  	[sflag:s24] =	ssyncadd.s32 $0xFFFFFF80  }
0xd1: {  	_ =	swait.ge [sflag:s24], $0x80  }
0xd2: {  	[sflag:s24] =	ssyncset.done $0x0  }
0xd3: {  	[sflag:s24] =	ssyncadd.s32 $0xFFFFFF80  }
0xd4: {  	_ =	swait.ge [sflag:s24], $0x80  }
0xd5: {  	[sflag:s24] =	ssyncset.done $0x0  }
0xd6: {  	[sflag:s24] =	ssyncadd.s32 $0xFFFFFF80  }
0xd7: {  	_ =	swait.ge [sflag:s24], $0x80  }
0xd8: {  	[sflag:s24] =	ssyncset.done $0x0  }
0xd9: {  	[sflag:s24] =	ssyncadd.s32 $0xFFFFFF80  }
0xda: {  	[tilespmem:s31], [sflag:$0x2] =	stream.indirect.gather [hbm4b:s1+s25], $0x80, s6, s25, $0xb8;
	[tilespmem:$0x1F000] =	vst v63  }
0xdb: {  	s5 =	rddreg [dreg:$0x13]  }
0xdc: {  	[tilespmem:s26], [sflag:$0x3] =	stream.indirect.gather [hbm4b:s1+s25], $0x80, s5, s25, $0xb8;
	[tilespmem:$0x1F000] =	vst v63  }
0xdd: {  	_ =	swait.ge [sflag:s28], $0x4000  }
0xde: {  	[sflag:s28] =	ssyncset.done $0x0  }
0xdf: {  	[sflag:s28] =	ssyncadd.s32 $0xFFFFC000  }
0xe0: {  	[spmem:s2] =	stream.indirect.scatter.add.f32 [tilespmem:s31], [sflag:$0x6], $0x80, s8, s25, $0xb8;
	[tilespmem:$0x1F000] =	vst v63  }
0xe1: {  	_ =	swait.ge [sflag:s0], $0x4000  }
0xe2: {  	[sflag:s0] =	ssyncset.done $0x0  }
0xe3: {  	[sflag:s0] =	ssyncadd.s32 $0xFFFFC000  }
0xe4: {  	v1 =	vld [tilespmem:$0x13F00];
	_ =	sdelay $0x7  }
0xe5: {  	[tilespmem:v1+s4+$0x0] =	vst.idx.add.f32.msk $0xffff, v0  }
0xe6: {  	v1 =	vld [tilespmem:$0x13F10];
	_ =	sdelay $0x7  }
0xe7: {  	[tilespmem:v1+s4+$0x0] =	vst.idx.add.f32.msk $0xffff, v0  }
0xe8: {  	v1 =	vld [tilespmem:$0x13F20];
	_ =	sdelay $0x7  }
0xe9: {  	[tilespmem:v1+s4+$0x0] =	vst.idx.add.f32.msk $0xffff, v0  }
0xea: {  	v1 =	vld [tilespmem:$0x13F30];
	_ =	sdelay $0x7  }
0xeb: {  	[tilespmem:v1+s4+$0x0] =	vst.idx.add.f32.msk $0xffff, v0  }
0xec: {  	v1 =	vld [tilespmem:$0x13F40];
	_ =	sdelay $0x7  }
0xed: {  	[tilespmem:v1+s4+$0x0] =	vst.idx.add.f32.msk $0xffff, v0  }
0xee: {  	v1 =	vld [tilespmem:$0x13F50];
	_ =	sdelay $0x7  }
0xef: {  	[tilespmem:v1+s4+$0x0] =	vst.idx.add.f32.msk $0xffff, v0  }
0xf0: {  	v1 =	vld [tilespmem:$0x13F60];
	_ =	sdelay $0x7  }
0xf1: {  	[tilespmem:v1+s4+$0x0] =	vst.idx.add.f32.msk $0xffff, v0  }
0xf2: {  	v1 =	vld [tilespmem:$0x13F70];
	_ =	sdelay $0x7  }
0xf3: {  	s5 =	rddreg [dreg:$0x14];
	[tilespmem:v1+s4+$0x0] =	vst.idx.add.f32.msk $0xffff, v0  }
0xf4: {  	[tilespmem:s31], [sflag:$0x2] =	stream.indirect.gather [hbm4b:s1+s25], $0x80, s5, s25, $0xb8;
	[tilespmem:$0x1F000] =	vst v63  }
0xf5: {  	_ =	swait.ge [sflag:s29], $0x4000  }
0xf6: {  	[sflag:s29] =	ssyncset.done $0x0  }
0xf7: {  	[sflag:s29] =	ssyncadd.s32 $0xFFFFC000  }
0xf8: {  	[spmem:s2] =	stream.indirect.scatter.add.f32 [tilespmem:s26], [sflag:$0x6], $0x80, s10, s25, $0xb8;
	[tilespmem:$0x1F000] =	vst v63  }
0xf9: {  	_ =	swait.ge [sflag:s0], $0x4000  }
0xfa: {  	[sflag:s0] =	ssyncset.done $0x0  }
0xfb: {  	[sflag:s0] =	ssyncadd.s32 $0xFFFFC000  }
0xfc: {  	v1 =	vld [tilespmem:$0x13F80];
	_ =	sdelay $0x7  }
0xfd: {  	[tilespmem:v1+s4+$0x0] =	vst.idx.add.f32.msk $0xffff, v0  }
0xfe: {  	v1 =	vld [tilespmem:$0x13F90];
	_ =	sdelay $0x7  }
0xff: {  	[tilespmem:v1+s4+$0x0] =	vst.idx.add.f32.msk $0xffff, v0  }
0x100: {  	v1 =	vld [tilespmem:$0x13FA0];
	_ =	sdelay $0x7  }
0x101: {  	[tilespmem:v1+s4+$0x0] =	vst.idx.add.f32.msk $0xffff, v0  }
0x102: {  	v1 =	vld [tilespmem:$0x13FB0];
	_ =	sdelay $0x7  }
0x103: {  	[tilespmem:v1+s4+$0x0] =	vst.idx.add.f32.msk $0xffff, v0  }
0x104: {  	v1 =	vld [tilespmem:$0x13FC0];
	_ =	sdelay $0x7  }
0x105: {  	[tilespmem:v1+s4+$0x0] =	vst.idx.add.f32.msk $0xffff, v0  }
0x106: {  	v1 =	vld [tilespmem:$0x13FD0];
	_ =	sdelay $0x7  }
0x107: {  	[tilespmem:v1+s4+$0x0] =	vst.idx.add.f32.msk $0xffff, v0  }
0x108: {  	v1 =	vld [tilespmem:$0x13FE0];
	_ =	sdelay $0x7  }
0x109: {  	[tilespmem:v1+s4+$0x0] =	vst.idx.add.f32.msk $0xffff, v0  }
0x10a: {  	v1 =	vld [tilespmem:$0x13FF0];
	_ =	sdelay $0x7  }
0x10b: {  	s5 =	rddreg [dreg:$0x15];
	[tilespmem:v1+s4+$0x0] =	vst.idx.add.f32.msk $0xffff, v0  }
0x10c: {  	[tilespmem:s26], [sflag:$0x3] =	stream.indirect.gather [hbm4b:s1+s25], $0x80, s5, s25, $0xb8;
	[tilespmem:$0x1F000] =	vst v63  }
0x10d: {  	_ =	swait.ge [sflag:s28], $0x4000  }
0x10e: {  	[sflag:s28] =	ssyncset.done $0x0  }
0x10f: {  	[sflag:s28] =	ssyncadd.s32 $0xFFFFC000  }
0x110: {  	[spmem:s2] =	stream.indirect.scatter.add.f32 [tilespmem:s31], [sflag:$0x6], $0x80, s12, s25, $0xb8;
	[tilespmem:$0x1F000] =	vst v63  }
0x111: {  	_ =	swait.ge [sflag:s0], $0x4000  }
0x112: {  	[sflag:s0] =	ssyncset.done $0x0  }
0x113: {  	[sflag:s0] =	ssyncadd.s32 $0xFFFFC000  }
0x114: {  	v1 =	vld [tilespmem:$0x14000];
	_ =	sdelay $0x7  }
0x115: {  	[tilespmem:v1+s4+$0x0] =	vst.idx.add.f32.msk $0xffff, v0  }
0x116: {  	v1 =	vld [tilespmem:$0x14010];
	_ =	sdelay $0x7  }
0x117: {  	[tilespmem:v1+s4+$0x0] =	vst.idx.add.f32.msk $0xffff, v0  }
0x118: {  	v1 =	vld [tilespmem:$0x14020];
	_ =	sdelay $0x7  }
0x119: {  	[tilespmem:v1+s4+$0x0] =	vst.idx.add.f32.msk $0xffff, v0  }
0x11a: {  	v1 =	vld [tilespmem:$0x14030];
	_ =	sdelay $0x7  }
0x11b: {  	[tilespmem:v1+s4+$0x0] =	vst.idx.add.f32.msk $0xffff, v0  }
0x11c: {  	v1 =	vld [tilespmem:$0x14040];
	_ =	sdelay $0x7  }
0x11d: {  	[tilespmem:v1+s4+$0x0] =	vst.idx.add.f32.msk $0xffff, v0  }
0x11e: {  	v1 =	vld [tilespmem:$0x14050];
	_ =	sdelay $0x7  }
0x11f: {  	[tilespmem:v1+s4+$0x0] =	vst.idx.add.f32.msk $0xffff, v0  }
0x120: {  	v1 =	vld [tilespmem:$0x14060];
	_ =	sdelay $0x7  }
0x121: {  	[tilespmem:v1+s4+$0x0] =	vst.idx.add.f32.msk $0xffff, v0  }
0x122: {  	v1 =	vld [tilespmem:$0x14070];
	_ =	sdelay $0x7  }
0x123: {  	s5 =	rddreg [dreg:$0x16];
	[tilespmem:v1+s4+$0x0] =	vst.idx.add.f32.msk $0xffff, v0  }
0x124: {  	[tilespmem:s31], [sflag:$0x2] =	stream.indirect.gather [hbm4b:s1+s25], $0x80, s5, s25, $0xb8;
	[tilespmem:$0x1F000] =	vst v63  }
0x125: {  	_ =	swait.ge [sflag:s29], $0x4000  }
0x126: {  	[sflag:s29] =	ssyncset.done $0x0  }
0x127: {  	[sflag:s29] =	ssyncadd.s32 $0xFFFFC000  }
0x128: {  	[spmem:s2] =	stream.indirect.scatter.add.f32 [tilespmem:s26], [sflag:$0x6], $0x80, s13, s25, $0xb8;
	[tilespmem:$0x1F000] =	vst v63  }
0x129: {  	_ =	swait.ge [sflag:s0], $0x4000  }
0x12a: {  	[sflag:s0] =	ssyncset.done $0x0  }
0x12b: {  	[sflag:s0] =	ssyncadd.s32 $0xFFFFC000  }
0x12c: {  	v1 =	vld [tilespmem:$0x14080];
	_ =	sdelay $0x7  }
0x12d: {  	[tilespmem:v1+s4+$0x0] =	vst.idx.add.f32.msk $0xffff, v0  }
0x12e: {  	v1 =	vld [tilespmem:$0x14090];
	_ =	sdelay $0x7  }
0x12f: {  	[tilespmem:v1+s4+$0x0] =	vst.idx.add.f32.msk $0xffff, v0  }
0x130: {  	v1 =	vld [tilespmem:$0x140A0];
	_ =	sdelay $0x7  }
0x131: {  	[tilespmem:v1+s4+$0x0] =	vst.idx.add.f32.msk $0xffff, v0  }
0x132: {  	v1 =	vld [tilespmem:$0x140B0];
	_ =	sdelay $0x7  }
0x133: {  	[tilespmem:v1+s4+$0x0] =	vst.idx.add.f32.msk $0xffff, v0  }
0x134: {  	v1 =	vld [tilespmem:$0x140C0];
	_ =	sdelay $0x7  }
0x135: {  	[tilespmem:v1+s4+$0x0] =	vst.idx.add.f32.msk $0xffff, v0  }
0x136: {  	v1 =	vld [tilespmem:$0x140D0];
	_ =	sdelay $0x7  }
0x137: {  	[tilespmem:v1+s4+$0x0] =	vst.idx.add.f32.msk $0xffff, v0  }
0x138: {  	v1 =	vld [tilespmem:$0x140E0];
	_ =	sdelay $0x7  }
0x139: {  	[tilespmem:v1+s4+$0x0] =	vst.idx.add.f32.msk $0xffff, v0  }
0x13a: {  	v1 =	vld [tilespmem:$0x140F0];
	_ =	sdelay $0x7  }
0x13b: {  	s5 =	rddreg [dreg:$0x17];
	[tilespmem:v1+s4+$0x0] =	vst.idx.add.f32.msk $0xffff, v0  }
0x13c: {  	[tilespmem:s26], [sflag:$0x3] =	stream.indirect.gather [hbm4b:s1+s25], $0x80, s5, s25, $0xb8;
	[tilespmem:$0x1F000] =	vst v63  }
0x13d: {  	_ =	swait.ge [sflag:s28], $0x4000  }
0x13e: {  	[sflag:s28] =	ssyncset.done $0x0  }
0x13f: {  	[sflag:s28] =	ssyncadd.s32 $0xFFFFC000  }
0x140: {  	[spmem:s2] =	stream.indirect.scatter.add.f32 [tilespmem:s31], [sflag:$0x6], $0x80, s14, s25, $0xb8;
	[tilespmem:$0x1F000] =	vst v63  }
0x141: {  	_ =	swait.ge [sflag:s0], $0x4000  }
0x142: {  	[sflag:s0] =	ssyncset.done $0x0  }
0x143: {  	[sflag:s0] =	ssyncadd.s32 $0xFFFFC000  }
0x144: {  	v1 =	vld [tilespmem:$0x14100];
	_ =	sdelay $0x7  }
0x145: {  	[tilespmem:v1+s4+$0x0] =	vst.idx.add.f32.msk $0xffff, v0  }
0x146: {  	v1 =	vld [tilespmem:$0x14110];
	_ =	sdelay $0x7  }
0x147: {  	[tilespmem:v1+s4+$0x0] =	vst.idx.add.f32.msk $0xffff, v0  }
0x148: {  	v1 =	vld [tilespmem:$0x14120];
	_ =	sdelay $0x7  }
0x149: {  	[tilespmem:v1+s4+$0x0] =	vst.idx.add.f32.msk $0xffff, v0  }
0x14a: {  	v1 =	vld [tilespmem:$0x14130];
	_ =	sdelay $0x7  }
0x14b: {  	[tilespmem:v1+s4+$0x0] =	vst.idx.add.f32.msk $0xffff, v0  }
0x14c: {  	v1 =	vld [tilespmem:$0x14140];
	_ =	sdelay $0x7  }
0x14d: {  	[tilespmem:v1+s4+$0x0] =	vst.idx.add.f32.msk $0xffff, v0  }
0x14e: {  	v1 =	vld [tilespmem:$0x14150];
	_ =	sdelay $0x7  }
0x14f: {  	[tilespmem:v1+s4+$0x0] =	vst.idx.add.f32.msk $0xffff, v0  }
0x150: {  	v1 =	vld [tilespmem:$0x14160];
	_ =	sdelay $0x7  }
0x151: {  	[tilespmem:v1+s4+$0x0] =	vst.idx.add.f32.msk $0xffff, v0  }
0x152: {  	v1 =	vld [tilespmem:$0x14170];
	_ =	sdelay $0x7  }
0x153: {  	s5 =	rddreg [dreg:$0x18];
	[tilespmem:v1+s4+$0x0] =	vst.idx.add.f32.msk $0xffff, v0  }
0x154: {  	[tilespmem:s31], [sflag:$0x2] =	stream.indirect.gather [hbm4b:s1+s25], $0x80, s5, s25, $0xb8;
	[tilespmem:$0x1F000] =	vst v63  }
0x155: {  	_ =	swait.ge [sflag:s29], $0x4000  }
0x156: {  	[sflag:s29] =	ssyncset.done $0x0  }
0x157: {  	[sflag:s29] =	ssyncadd.s32 $0xFFFFC000  }
0x158: {  	[spmem:s2] =	stream.indirect.scatter.add.f32 [tilespmem:s26], [sflag:$0x6], $0x80, s16, s25, $0xb8;
	[tilespmem:$0x1F000] =	vst v63  }
0x159: {  	_ =	swait.ge [sflag:s0], $0x4000  }
0x15a: {  	[sflag:s0] =	ssyncset.done $0x0  }
0x15b: {  	[sflag:s0] =	ssyncadd.s32 $0xFFFFC000  }
0x15c: {  	v1 =	vld [tilespmem:$0x14180];
	_ =	sdelay $0x7  }
0x15d: {  	[tilespmem:v1+s4+$0x0] =	vst.idx.add.f32.msk $0xffff, v0  }
0x15e: {  	v1 =	vld [tilespmem:$0x14190];
	_ =	sdelay $0x7  }
0x15f: {  	[tilespmem:v1+s4+$0x0] =	vst.idx.add.f32.msk $0xffff, v0  }
0x160: {  	v1 =	vld [tilespmem:$0x141A0];
	_ =	sdelay $0x7  }
0x161: {  	[tilespmem:v1+s4+$0x0] =	vst.idx.add.f32.msk $0xffff, v0  }
0x162: {  	v1 =	vld [tilespmem:$0x141B0];
	_ =	sdelay $0x7  }
0x163: {  	[tilespmem:v1+s4+$0x0] =	vst.idx.add.f32.msk $0xffff, v0  }
0x164: {  	v1 =	vld [tilespmem:$0x141C0];
	_ =	sdelay $0x7  }
0x165: {  	[tilespmem:v1+s4+$0x0] =	vst.idx.add.f32.msk $0xffff, v0  }
0x166: {  	v1 =	vld [tilespmem:$0x141D0];
	_ =	sdelay $0x7  }
0x167: {  	[tilespmem:v1+s4+$0x0] =	vst.idx.add.f32.msk $0xffff, v0  }
0x168: {  	v1 =	vld [tilespmem:$0x141E0];
	_ =	sdelay $0x7  }
0x169: {  	[tilespmem:v1+s4+$0x0] =	vst.idx.add.f32.msk $0xffff, v0  }
0x16a: {  	v1 =	vld [tilespmem:$0x141F0];
	_ =	sdelay $0x7  }
0x16b: {  	s16 =	rddreg [dreg:$0x19];
	[tilespmem:v1+s4+$0x0] =	vst.idx.add.f32.msk $0xffff, v0  }
0x16c: {  	[tilespmem:s26], [sflag:$0x3] =	stream.indirect.gather [hbm4b:s1+s25], $0x80, s16, s25, $0xb8;
	[tilespmem:$0x1F000] =	vst v63  }
0x16d: {  	_ =	swait.ge [sflag:s28], $0x4000  }
0x16e: {  	[sflag:s28] =	ssyncset.done $0x0  }
0x16f: {  	[sflag:s28] =	ssyncadd.s32 $0xFFFFC000  }
0x170: {  	[spmem:s2] =	stream.indirect.scatter.add.f32 [tilespmem:s31], [sflag:$0x6], $0x80, s17, s25, $0xb8;
	[tilespmem:$0x1F000] =	vst v63  }
0x171: {  	_ =	swait.ge [sflag:s0], $0x4000  }
0x172: {  	[sflag:s0] =	ssyncset.done $0x0  }
0x173: {  	[sflag:s0] =	ssyncadd.s32 $0xFFFFC000  }
0x174: {  	v1 =	vld [tilespmem:$0x14200];
	_ =	sdelay $0x7  }
0x175: {  	[tilespmem:v1+s4+$0x0] =	vst.idx.add.f32.msk $0xffff, v0  }
0x176: {  	v1 =	vld [tilespmem:$0x14210];
	_ =	sdelay $0x7  }
0x177: {  	[tilespmem:v1+s4+$0x0] =	vst.idx.add.f32.msk $0xffff, v0  }
0x178: {  	v1 =	vld [tilespmem:$0x14220];
	_ =	sdelay $0x7  }
0x179: {  	[tilespmem:v1+s4+$0x0] =	vst.idx.add.f32.msk $0xffff, v0  }
0x17a: {  	v1 =	vld [tilespmem:$0x14230];
	_ =	sdelay $0x7  }
0x17b: {  	[tilespmem:v1+s4+$0x0] =	vst.idx.add.f32.msk $0xffff, v0  }
0x17c: {  	v1 =	vld [tilespmem:$0x14240];
	_ =	sdelay $0x7  }
0x17d: {  	[tilespmem:v1+s4+$0x0] =	vst.idx.add.f32.msk $0xffff, v0  }
0x17e: {  	v1 =	vld [tilespmem:$0x14250];
	_ =	sdelay $0x7  }
0x17f: {  	[tilespmem:v1+s4+$0x0] =	vst.idx.add.f32.msk $0xffff, v0  }
0x180: {  	v1 =	vld [tilespmem:$0x14260];
	_ =	sdelay $0x7  }
0x181: {  	[tilespmem:v1+s4+$0x0] =	vst.idx.add.f32.msk $0xffff, v0  }
0x182: {  	v1 =	vld [tilespmem:$0x14270];
	_ =	sdelay $0x7  }
0x183: {  	s16 =	rddreg [dreg:$0x1a];
	[tilespmem:v1+s4+$0x0] =	vst.idx.add.f32.msk $0xffff, v0  }
0x184: {  	[tilespmem:s31], [sflag:$0x2] =	stream.indirect.gather [hbm4b:s1+s25], $0x80, s16, s25, $0xb8;
	[tilespmem:$0x1F000] =	vst v63  }
0x185: {  	_ =	swait.ge [sflag:s29], $0x4000  }
0x186: {  	[sflag:s29] =	ssyncset.done $0x0  }
0x187: {  	[sflag:s29] =	ssyncadd.s32 $0xFFFFC000  }
0x188: {  	[spmem:s2] =	stream.indirect.scatter.add.f32 [tilespmem:s26], [sflag:$0x6], $0x80, s18, s25, $0xb8;
	[tilespmem:$0x1F000] =	vst v63  }
0x189: {  	_ =	swait.ge [sflag:s0], $0x4000  }
0x18a: {  	[sflag:s0] =	ssyncset.done $0x0  }
0x18b: {  	[sflag:s0] =	ssyncadd.s32 $0xFFFFC000  }
0x18c: {  	v1 =	vld [tilespmem:$0x14280];
	_ =	sdelay $0x7  }
0x18d: {  	[tilespmem:v1+s4+$0x0] =	vst.idx.add.f32.msk $0xffff, v0  }
0x18e: {  	v1 =	vld [tilespmem:$0x14290];
	_ =	sdelay $0x7  }
0x18f: {  	[tilespmem:v1+s4+$0x0] =	vst.idx.add.f32.msk $0xffff, v0  }
0x190: {  	v1 =	vld [tilespmem:$0x142A0];
	_ =	sdelay $0x7  }
0x191: {  	[tilespmem:v1+s4+$0x0] =	vst.idx.add.f32.msk $0xffff, v0  }
0x192: {  	v1 =	vld [tilespmem:$0x142B0];
	_ =	sdelay $0x7  }
0x193: {  	[tilespmem:v1+s4+$0x0] =	vst.idx.add.f32.msk $0xffff, v0  }
0x194: {  	v1 =	vld [tilespmem:$0x142C0];
	_ =	sdelay $0x7  }
0x195: {  	[tilespmem:v1+s4+$0x0] =	vst.idx.add.f32.msk $0xffff, v0  }
0x196: {  	v1 =	vld [tilespmem:$0x142D0];
	_ =	sdelay $0x7  }
0x197: {  	[tilespmem:v1+s4+$0x0] =	vst.idx.add.f32.msk $0xffff, v0  }
0x198: {  	v1 =	vld [tilespmem:$0x142E0];
	_ =	sdelay $0x7  }
0x199: {  	[tilespmem:v1+s4+$0x0] =	vst.idx.add.f32.msk $0xffff, v0  }
0x19a: {  	v1 =	vld [tilespmem:$0x142F0];
	_ =	sdelay $0x7  }
0x19b: {  	s16 =	rddreg [dreg:$0x1b];
	[tilespmem:v1+s4+$0x0] =	vst.idx.add.f32.msk $0xffff, v0  }
0x19c: {  	[tilespmem:s26], [sflag:$0x3] =	stream.indirect.gather [hbm4b:s1+s25], $0x80, s16, s25, $0xb8;
	[tilespmem:$0x1F000] =	vst v63  }
0x19d: {  	_ =	swait.ge [sflag:s28], $0x4000  }
0x19e: {  	[sflag:s28] =	ssyncset.done $0x0  }
0x19f: {  	[sflag:s28] =	ssyncadd.s32 $0xFFFFC000  }
0x1a0: {  	[spmem:s2] =	stream.indirect.scatter.add.f32 [tilespmem:s31], [sflag:$0x6], $0x80, s19, s25, $0xb8;
	[tilespmem:$0x1F000] =	vst v63  }
0x1a1: {  	_ =	swait.ge [sflag:s0], $0x4000  }
0x1a2: {  	[sflag:s0] =	ssyncset.done $0x0  }
0x1a3: {  	[sflag:s0] =	ssyncadd.s32 $0xFFFFC000  }
0x1a4: {  	v1 =	vld [tilespmem:$0x14300];
	_ =	sdelay $0x7  }
0x1a5: {  	[tilespmem:v1+s4+$0x0] =	vst.idx.add.f32.msk $0xffff, v0  }
0x1a6: {  	v1 =	vld [tilespmem:$0x14310];
	_ =	sdelay $0x7  }
0x1a7: {  	[tilespmem:v1+s4+$0x0] =	vst.idx.add.f32.msk $0xffff, v0  }
0x1a8: {  	v1 =	vld [tilespmem:$0x14320];
	_ =	sdelay $0x7  }
0x1a9: {  	[tilespmem:v1+s4+$0x0] =	vst.idx.add.f32.msk $0xffff, v0  }
0x1aa: {  	v1 =	vld [tilespmem:$0x14330];
	_ =	sdelay $0x7  }
0x1ab: {  	[tilespmem:v1+s4+$0x0] =	vst.idx.add.f32.msk $0xffff, v0  }
0x1ac: {  	v1 =	vld [tilespmem:$0x14340];
	_ =	sdelay $0x7  }
0x1ad: {  	[tilespmem:v1+s4+$0x0] =	vst.idx.add.f32.msk $0xffff, v0  }
0x1ae: {  	v1 =	vld [tilespmem:$0x14350];
	_ =	sdelay $0x7  }
0x1af: {  	[tilespmem:v1+s4+$0x0] =	vst.idx.add.f32.msk $0xffff, v0  }
0x1b0: {  	v1 =	vld [tilespmem:$0x14360];
	_ =	sdelay $0x7  }
0x1b1: {  	[tilespmem:v1+s4+$0x0] =	vst.idx.add.f32.msk $0xffff, v0  }
0x1b2: {  	v1 =	vld [tilespmem:$0x14370];
	_ =	sdelay $0x7  }
0x1b3: {  	s16 =	rddreg [dreg:$0x1c];
	[tilespmem:v1+s4+$0x0] =	vst.idx.add.f32.msk $0xffff, v0  }
0x1b4: {  	[tilespmem:s31], [sflag:$0x2] =	stream.indirect.gather [hbm4b:s1+s25], $0x80, s16, s25, $0xb8;
	[tilespmem:$0x1F000] =	vst v63  }
0x1b5: {  	_ =	swait.ge [sflag:s29], $0x4000  }
0x1b6: {  	[sflag:s29] =	ssyncset.done $0x0  }
0x1b7: {  	[sflag:s29] =	ssyncadd.s32 $0xFFFFC000  }
0x1b8: {  	[spmem:s2] =	stream.indirect.scatter.add.f32 [tilespmem:s26], [sflag:$0x6], $0x80, s20, s25, $0xb8;
	[tilespmem:$0x1F000] =	vst v63  }
0x1b9: {  	_ =	swait.ge [sflag:s0], $0x4000  }
0x1ba: {  	[sflag:s0] =	ssyncset.done $0x0  }
0x1bb: {  	[sflag:s0] =	ssyncadd.s32 $0xFFFFC000  }
0x1bc: {  	v1 =	vld [tilespmem:$0x14380];
	_ =	sdelay $0x7  }
0x1bd: {  	[tilespmem:v1+s4+$0x0] =	vst.idx.add.f32.msk $0xffff, v0  }
0x1be: {  	v1 =	vld [tilespmem:$0x14390];
	_ =	sdelay $0x7  }
0x1bf: {  	[tilespmem:v1+s4+$0x0] =	vst.idx.add.f32.msk $0xffff, v0  }
0x1c0: {  	v1 =	vld [tilespmem:$0x143A0];
	_ =	sdelay $0x7  }
0x1c1: {  	[tilespmem:v1+s4+$0x0] =	vst.idx.add.f32.msk $0xffff, v0  }
0x1c2: {  	v1 =	vld [tilespmem:$0x143B0];
	_ =	sdelay $0x7  }
0x1c3: {  	[tilespmem:v1+s4+$0x0] =	vst.idx.add.f32.msk $0xffff, v0  }
0x1c4: {  	v1 =	vld [tilespmem:$0x143C0];
	_ =	sdelay $0x7  }
0x1c5: {  	[tilespmem:v1+s4+$0x0] =	vst.idx.add.f32.msk $0xffff, v0  }
0x1c6: {  	v1 =	vld [tilespmem:$0x143D0];
	_ =	sdelay $0x7  }
0x1c7: {  	[tilespmem:v1+s4+$0x0] =	vst.idx.add.f32.msk $0xffff, v0  }
0x1c8: {  	v1 =	vld [tilespmem:$0x143E0];
	_ =	sdelay $0x7  }
0x1c9: {  	[tilespmem:v1+s4+$0x0] =	vst.idx.add.f32.msk $0xffff, v0  }
0x1ca: {  	v1 =	vld [tilespmem:$0x143F0];
	_ =	sdelay $0x7  }
0x1cb: {  	s16 =	rddreg [dreg:$0x1d];
	[tilespmem:v1+s4+$0x0] =	vst.idx.add.f32.msk $0xffff, v0  }
0x1cc: {  	[tilespmem:s26], [sflag:$0x3] =	stream.indirect.gather [hbm4b:s1+s25], $0x80, s16, s25, $0xb8;
	[tilespmem:$0x1F000] =	vst v63  }
0x1cd: {  	_ =	swait.ge [sflag:s28], $0x4000  }
0x1ce: {  	[sflag:s28] =	ssyncset.done $0x0  }
0x1cf: {  	[sflag:s28] =	ssyncadd.s32 $0xFFFFC000  }
0x1d0: {  	[spmem:s2] =	stream.indirect.scatter.add.f32 [tilespmem:s31], [sflag:$0x6], $0x80, s21, s25, $0xb8;
	[tilespmem:$0x1F000] =	vst v63  }
0x1d1: {  	_ =	swait.ge [sflag:s0], $0x4000  }
0x1d2: {  	[sflag:s0] =	ssyncset.done $0x0  }
0x1d3: {  	[sflag:s0] =	ssyncadd.s32 $0xFFFFC000  }
0x1d4: {  	v1 =	vld [tilespmem:$0x14400];
	_ =	sdelay $0x7  }
0x1d5: {  	[tilespmem:v1+s4+$0x0] =	vst.idx.add.f32.msk $0xffff, v0  }
0x1d6: {  	v1 =	vld [tilespmem:$0x14410];
	_ =	sdelay $0x7  }
0x1d7: {  	[tilespmem:v1+s4+$0x0] =	vst.idx.add.f32.msk $0xffff, v0  }
0x1d8: {  	v1 =	vld [tilespmem:$0x14420];
	_ =	sdelay $0x7  }
0x1d9: {  	[tilespmem:v1+s4+$0x0] =	vst.idx.add.f32.msk $0xffff, v0  }
0x1da: {  	v1 =	vld [tilespmem:$0x14430];
	_ =	sdelay $0x7  }
0x1db: {  	[tilespmem:v1+s4+$0x0] =	vst.idx.add.f32.msk $0xffff, v0  }
0x1dc: {  	v1 =	vld [tilespmem:$0x14440];
	_ =	sdelay $0x7  }
0x1dd: {  	[tilespmem:v1+s4+$0x0] =	vst.idx.add.f32.msk $0xffff, v0  }
0x1de: {  	v1 =	vld [tilespmem:$0x14450];
	_ =	sdelay $0x7  }
0x1df: {  	[tilespmem:v1+s4+$0x0] =	vst.idx.add.f32.msk $0xffff, v0  }
0x1e0: {  	v1 =	vld [tilespmem:$0x14460];
	_ =	sdelay $0x7  }
0x1e1: {  	[tilespmem:v1+s4+$0x0] =	vst.idx.add.f32.msk $0xffff, v0  }
0x1e2: {  	v1 =	vld [tilespmem:$0x14470];
	_ =	sdelay $0x7  }
0x1e3: {  	s16 =	rddreg [dreg:$0x1e];
	[tilespmem:v1+s4+$0x0] =	vst.idx.add.f32.msk $0xffff, v0  }
0x1e4: {  	[tilespmem:s31], [sflag:$0x2] =	stream.indirect.gather [hbm4b:s1+s25], $0x80, s16, s25, $0xb8;
	[tilespmem:$0x1F000] =	vst v63  }
0x1e5: {  	_ =	swait.ge [sflag:s29], $0x4000  }
0x1e6: {  	[sflag:s29] =	ssyncset.done $0x0  }
0x1e7: {  	[sflag:s29] =	ssyncadd.s32 $0xFFFFC000  }
0x1e8: {  	[spmem:s2] =	stream.indirect.scatter.add.f32 [tilespmem:s26], [sflag:$0x6], $0x80, s9, s25, $0xb8;
	[tilespmem:$0x1F000] =	vst v63  }
0x1e9: {  	_ =	swait.ge [sflag:s0], $0x4000  }
0x1ea: {  	[sflag:s0] =	ssyncset.done $0x0  }
0x1eb: {  	[sflag:s0] =	ssyncadd.s32 $0xFFFFC000  }
0x1ec: {  	v1 =	vld [tilespmem:$0x14480];
	_ =	sdelay $0x7  }
0x1ed: {  	[tilespmem:v1+s4+$0x0] =	vst.idx.add.f32.msk $0xffff, v0  }
0x1ee: {  	v1 =	vld [tilespmem:$0x14490];
	_ =	sdelay $0x7  }
0x1ef: {  	[tilespmem:v1+s4+$0x0] =	vst.idx.add.f32.msk $0xffff, v0  }
0x1f0: {  	v1 =	vld [tilespmem:$0x144A0];
	_ =	sdelay $0x7  }
0x1f1: {  	[tilespmem:v1+s4+$0x0] =	vst.idx.add.f32.msk $0xffff, v0  }
0x1f2: {  	v1 =	vld [tilespmem:$0x144B0];
	_ =	sdelay $0x7  }
0x1f3: {  	[tilespmem:v1+s4+$0x0] =	vst.idx.add.f32.msk $0xffff, v0  }
0x1f4: {  	v1 =	vld [tilespmem:$0x144C0];
	_ =	sdelay $0x7  }
0x1f5: {  	[tilespmem:v1+s4+$0x0] =	vst.idx.add.f32.msk $0xffff, v0  }
0x1f6: {  	v1 =	vld [tilespmem:$0x144D0];
	_ =	sdelay $0x7  }
0x1f7: {  	[tilespmem:v1+s4+$0x0] =	vst.idx.add.f32.msk $0xffff, v0  }
0x1f8: {  	v1 =	vld [tilespmem:$0x144E0];
	_ =	sdelay $0x7  }
0x1f9: {  	[tilespmem:v1+s4+$0x0] =	vst.idx.add.f32.msk $0xffff, v0  }
0x1fa: {  	v1 =	vld [tilespmem:$0x144F0];
	_ =	sdelay $0x7  }
0x1fb: {  	[tilespmem:v1+s4+$0x0] =	vst.idx.add.f32.msk $0xffff, v0  }
0x1fc: {  	_ =	swait.ge [sflag:s28], $0x4000  }
0x1fd: {  	[sflag:s28] =	ssyncset.done $0x0  }
0x1fe: {  	[sflag:s28] =	ssyncadd.s32 $0xFFFFC000  }
0x1ff: {  	[spmem:s2] =	stream.indirect.scatter.add.f32 [tilespmem:s31], [sflag:$0x6], $0x80, s11, s25, $0xb8;
	[tilespmem:$0x1F000] =	vst v63  }
0x200: {  	_ =	swait.ge [sflag:s0], $0x4000  }
0x201: {  	[sflag:s0] =	ssyncset.done $0x0  }
0x202: {  	[sflag:s0] =	ssyncadd.s32 $0xFFFFC000  }
0x203: {  	v1 =	vld [tilespmem:$0x14500];
	_ =	sdelay $0x7  }
0x204: {  	[tilespmem:v1+s4+$0x0] =	vst.idx.add.f32.msk $0xffff, v0  }
0x205: {  	v1 =	vld [tilespmem:$0x14510];
	_ =	sdelay $0x7  }
0x206: {  	[tilespmem:v1+s4+$0x0] =	vst.idx.add.f32.msk $0xffff, v0  }
0x207: {  	v1 =	vld [tilespmem:$0x14520];
	_ =	sdelay $0x7  }
0x208: {  	[tilespmem:v1+s4+$0x0] =	vst.idx.add.f32.msk $0xffff, v0  }
0x209: {  	v1 =	vld [tilespmem:$0x14530];
	_ =	sdelay $0x7  }
0x20a: {  	[tilespmem:v1+s4+$0x0] =	vst.idx.add.f32.msk $0xffff, v0  }
0x20b: {  	v1 =	vld [tilespmem:$0x14540];
	_ =	sdelay $0x7  }
0x20c: {  	[tilespmem:v1+s4+$0x0] =	vst.idx.add.f32.msk $0xffff, v0  }
0x20d: {  	v1 =	vld [tilespmem:$0x14550];
	_ =	sdelay $0x7  }
0x20e: {  	[tilespmem:v1+s4+$0x0] =	vst.idx.add.f32.msk $0xffff, v0  }
0x20f: {  	v1 =	vld [tilespmem:$0x14560];
	_ =	sdelay $0x7  }
0x210: {  	[tilespmem:v1+s4+$0x0] =	vst.idx.add.f32.msk $0xffff, v0  }
0x211: {  	v1 =	vld [tilespmem:$0x14570];
	_ =	sdelay $0x2  }
0x212: {  	p1 =	sne.s32 s30, $0x410  }
.Ltmp0:
0x213: {  	_ = 	snop;
	(pc) =	sbr.rel @p1 .LBB2_2-.Ltmp0, $2  }
0x214: {  	_ =	sdelay $0x2  }
0x215: {  	s30 =	sadd.s32 $0xD0, s30;
	[tilespmem:v1+s4+$0x0] =	vst.idx.add.f32.msk $0xffff, v0  }
0x216: {  	s6 =	sld [smem:$0x7E9];
	_ =	sdelay $0x1  }
0x217: {  	s5 =	simm.s32 $0x0;
	s8 =	simm.s32 $0x14700  }
0x218: {  	[tilespmem:s8], [sflag:$0x6] =	stream.linear.gather [hbm4b:s6+s5], $0x10, $0x38;
	[tilespmem:$0x1F000] =	vst v63  }
0x219: {  	_ =	swait.ge [sflag:s0], $0x10  }
0x21a: {  	s16 =	sld [smem:$0x7EA]  }
0x21b: {  	[sflag:s0] =	ssyncset.done $0x0  }
0x21c: {  	s9 =	simm.s32 $0x14780;
	[sflag:s0] =	ssyncadd.s32 $0xFFFFFFF0  }
0x21d: {  	[tilespmem:s9], [sflag:$0x6] =	stream.linear.gather [hbm4b:s16+s5], $0x10, $0x38;
	[tilespmem:$0x1F000] =	vst v63  }
0x21e: {  	_ =	swait.ge [sflag:s0], $0x10  }
0x21f: {  	[sflag:s0] =	ssyncset.done $0x0  }
0x220: {  	s11 =	simm.s32 $0x10;
	[sflag:s0] =	ssyncadd.s32 $0xFFFFFFF0  }
0x221: {  	[tilespmem:s31], [sflag:$0x2] =	stream.indirect.gather [hbm4b:s1+s11], $0x80, s8, s11, $0xb8;
	[tilespmem:$0x1F000] =	vst v63  }
0x222: {  	_ =	swait.ge [sflag:s28], $0x800  }
0x223: {  	[sflag:s28] =	ssyncset.done $0x0  }
0x224: {  	[sflag:s28] =	ssyncadd.s32 $0xFFFFF800  }
0x225: {  	[spmem:s2] =	stream.indirect.scatter.add.f32 [tilespmem:s31], [sflag:$0x6], $0x80, s9, s11, $0xb8;
	[tilespmem:$0x1F000] =	vst v63  }
0x226: {  	_ =	swait.ge [sflag:s0], $0x800  }
0x227: {  	[sflag:s0] =	ssyncset.done $0x0  }
0x228: {  	[sflag:s0] =	ssyncadd.s32 $0xFFFFF800  }
0x229: {  	v1 =	vld [tilespmem:$0x14780];
	_ =	sdelay $0x5  }
0x22a: {  	s16 =	sld [smem:$0x7EB];
	_ =	sdelay $0x1  }
0x22b: {  	[tilespmem:v1+s4+$0x0] =	vst.idx.add.f32.msk $0xffff, v0  }
0x22c: {  	[hbm4b:s16+s5] =	stream.linear.scatter [tilespmem:s4], [sflag:$0x6], $0x2800, $0x38;
	[tilespmem:$0x1F000] =	vst v63  }
0x22d: {  	_ =	swait.ge [sflag:s0], $0x2800  }
0x22e: {  	[sflag:s0] =	ssyncset.done $0x0  }
0x22f: {  	[sflag:s0] =	ssyncadd.s32 $0xFFFFD800  }
0x230: {  	[bflag:$0x0] =	sbarrier.arrive $0xFFFF  }
0x231: {  	s8 =	sld [smem:$0x7FB];
	_ =	sdelay $0x2  }
0x232: {  	s9 =	sadd.s32 $0xFFFFE800, s8  }
0x233: {  	[tilespmem:s31], [sflag:$0x6] =	stream.linear.gather [spmem:s9], $0x1800, $0x38;
	[tilespmem:$0x1F000] =	vst v63  }
0x234: {  	_ =	swait.ge [sflag:s0], $0x1800  }
0x235: {  	[sflag:s0] =	ssyncset.done $0x0  }
0x236: {  	s11 =	sadd.s32 $0x0, s23;
	[sflag:s0] =	ssyncadd.s32 $0xFFFFE800  }
0x237: {  	[hbm4b:s11+s3] =	stream.linear.scatter [tilespmem:s31], [sflag:$0x4], $0x1800, $0x38;
	[tilespmem:$0x1F000] =	vst v63  }
0x238: {  	_ = 	snop  }
0x239: {  	[tilespmem:s26], [sflag:$0x6] =	stream.linear.gather [spmem:s8], $0x1800, $0x38;
	[tilespmem:$0x1F000] =	vst v63  }
0x23a: {  	_ =	swait.ge [sflag:s0], $0x1800  }
0x23b: {  	[sflag:s0] =	ssyncset.done $0x0  }
0x23c: {  	s16 =	sadd.s32 $0x0, s22;
	[sflag:s0] =	ssyncadd.s32 $0xFFFFE800  }
0x23d: {  	[hbm4b:s16+s3] =	stream.linear.scatter [tilespmem:s26], [sflag:$0x5], $0x1800, $0x38;
	[tilespmem:$0x1F000] =	vst v63  }
0x23e: {  	_ =	swait.ge [sflag:s15], $0x1800  }
0x23f: {  	[sflag:s15] =	ssyncset.done $0x0  }
0x240: {  	[sflag:s15] =	ssyncadd.s32 $0xFFFFE800  }
0x241: {  	s30 =	simm.s32 $0x600;
	_ =	swait.ge [sflag:s7], $0x1800  }
0x242: {  	s5 =	simm.s32 $0xC00;
	s11 =	sadd.s32 $0x3000, s8;
	[sflag:s7] =	ssyncset.done $0x0  }
.LBB2_4:
0x243: {  	p1 =	sne.s32 s5, $0x1E00;
	s6 =	sadd.s32 $0xFFFFE800, s11;
	[sflag:s7] =	ssyncadd.s32 $0xFFFFE800  }
0x244: {  	[tilespmem:s31], [sflag:$0x6] =	stream.linear.gather [spmem:s6], $0x1800, $0x38;
	[tilespmem:$0x1F000] =	vst v63  }
0x245: {  	s6 =	smov.u32 s5;
	s5 =	sadd.s32 $0x600, s5;
	_ =	swait.ge [sflag:s0], $0x1800  }
0x246: {  	[sflag:s0] =	ssyncset.done $0x0  }
0x247: {  	s8 =	sadd.s32 s30, s23;
	[sflag:s0] =	ssyncadd.s32 $0xFFFFE800  }
0x248: {  	[hbm4b:s8+s3] =	stream.linear.scatter [tilespmem:s31], [sflag:$0x4], $0x1800, $0x38;
	[tilespmem:$0x1F000] =	vst v63  }
0x249: {  	_ = 	snop  }
0x24a: {  	[tilespmem:s26], [sflag:$0x6] =	stream.linear.gather [spmem:s11], $0x1800, $0x38;
	[tilespmem:$0x1F000] =	vst v63  }
0x24b: {  	_ =	swait.ge [sflag:s0], $0x1800  }
0x24c: {  	[sflag:s0] =	ssyncset.done $0x0  }
0x24d: {  	s8 =	sadd.s32 s30, s22;
	s30 =	smov.u32 s6;
	[sflag:s0] =	ssyncadd.s32 $0xFFFFE800  }
0x24e: {  	[hbm4b:s8+s3] =	stream.linear.scatter [tilespmem:s26], [sflag:$0x5], $0x1800, $0x38;
	[tilespmem:$0x1F000] =	vst v63  }
.Ltmp1:
0x24f: {  	_ =	swait.ge [sflag:s15], $0x1800;
	(pc) =	sbr.rel @p1 .LBB2_4-.Ltmp1, $4  }
0x250: {  	[sflag:s15] =	ssyncset.done $0x0  }
0x251: {  	[sflag:s15] =	ssyncadd.s32 $0xFFFFE800  }
0x252: {  	_ =	swait.ge [sflag:s7], $0x1800  }
0x253: {  	s11 =	sadd.s32 $0x3000, s11;
	[sflag:s7] =	ssyncset.done $0x0  }
0x254: {  	s5 =	sadd.s32 $0xFFFFE800, s11;
	[sflag:s7] =	ssyncadd.s32 $0xFFFFE800  }
0x255: {  	[tilespmem:s31], [sflag:$0x6] =	stream.linear.gather [spmem:s5], $0x1800, $0x38;
	[tilespmem:$0x1F000] =	vst v63  }
0x256: {  	_ =	swait.ge [sflag:s0], $0x1800  }
0x257: {  	[sflag:s0] =	ssyncset.done $0x0  }
0x258: {  	s9 =	sadd.s32 s30, s23;
	[sflag:s0] =	ssyncadd.s32 $0xFFFFE800  }
0x259: {  	[hbm4b:s9+s3] =	stream.linear.scatter [tilespmem:s31], [sflag:$0x4], $0x1800, $0x38;
	[tilespmem:$0x1F000] =	vst v63  }
0x25a: {  	_ = 	snop  }
0x25b: {  	[tilespmem:s26], [sflag:$0x6] =	stream.linear.gather [spmem:s11], $0x1800, $0x38;
	[tilespmem:$0x1F000] =	vst v63  }
0x25c: {  	_ =	swait.ge [sflag:s0], $0x1800  }
0x25d: {  	[sflag:s0] =	ssyncset.done $0x0  }
0x25e: {  	s11 =	sadd.s32 s30, s22;
	[sflag:s0] =	ssyncadd.s32 $0xFFFFE800  }
0x25f: {  	[hbm4b:s11+s3] =	stream.linear.scatter [tilespmem:s26], [sflag:$0x5], $0x1800, $0x38;
	[tilespmem:$0x1F000] =	vst v63  }
0x260: {  	_ =	swait.ge [sflag:s15], $0x1800  }
0x261: {  	[sflag:s15] =	ssyncset.done $0x0  }
0x262: {  	[sflag:s15] =	ssyncadd.s32 $0xFFFFE800  }
0x263: {  	_ =	swait.ge [sflag:s7], $0x1800  }
0x264: {  	s11 =	sld [smem:$0x7FD]  }
0x265: {  	[sflag:s7] =	ssyncset.done $0x0  }
0x266: {  	[sflag:s7] =	ssyncadd.s32 $0xFFFFE800  }
0x267: {  	[tilespmem:s31], [sflag:$0x6] =	stream.linear.gather [spmem:s11], $0x1800, $0x38;
	[tilespmem:$0x1F000] =	vst v63  }
0x268: {  	_ =	swait.ge [sflag:s0], $0x1800  }
0x269: {  	s16 =	sld [smem:$0x7EC]  }
0x26a: {  	[sflag:s0] =	ssyncset.done $0x0  }
0x26b: {  	[sflag:s0] =	ssyncadd.s32 $0xFFFFE800  }
0x26c: {  	[hbm4b:s16+s3] =	stream.linear.scatter [tilespmem:s31], [sflag:$0x6], $0x1800, $0x38;
	[tilespmem:$0x1F000] =	vst v63  }
0x26d: {  	_ =	swait.ge [sflag:s0], $0x1800  }
0x26e: {  	s16 =	sld [smem:$0x7FC]  }
0x26f: {  	[sflag:s0] =	ssyncset.done $0x0  }
0x270: {  	s6 =	simm.s32 @!p0 $0x6;
	s5 =	simm.s32 @!p0 $0x18800;
	[sflag:s0] =	ssyncadd.s32 $0xFFFFE800  }
0x271: {  	[tilespmem:s5], [sflag:$0x6] =	stream.linear.gather @!p0 [spmem:s16], $0x800, $0x38;
	[tilespmem:$0x1F000] =	vst v63  }
0x272: {  	_ =	swait.ge @!p0 [sflag:s6], $0x800  }
0x273: {  	s30 =	sld [smem:$0x7ED]  }
0x274: {  	[sflag:s6] =	ssyncset.done @!p0 $0x0  }
0x275: {  	s8 =	simm.s32 @!p0 $0x0;
	[sflag:s6] =	ssyncadd.s32 @!p0 $0xFFFFF800  }
0x276: {  	[hbm4b:s30+s8] =	stream.linear.scatter @!p0 [tilespmem:s5], [sflag:$0x6], $0x800, $0x38;
	[tilespmem:$0x1F000] =	vst v63  }
0x277: {  	_ =	swait.ge @!p0 [sflag:s6], $0x800  }
0x278: {  	s9 =	sld [smem:$0x7E7]  }
0x279: {  	s30 =	sld [smem:$0x7EE];
	_ =	sdelay $0x1  }
0x27a: {  	s9 =	sadd.s32 $0x1, s9  }
0x27b: {  	p1 =	sne.s32 s9, s30  }
.Ltmp2:
0x27c: {  	_ = 	snop;
	(pc) =	sbr.rel @p1 .LBB2_1-.Ltmp2, $3  }
0x27d: {  	_ =	sdelay $0x1  }
0x27e: {  	[sflag:s6] =	ssyncset.done @!p0 $0x0  }
0x27f: {  	s8 =	simm.s32 $0x13F00;
	[sflag:s6] =	ssyncadd.s32 @!p0 $0xFFFFF800;
	s6 =	simm.s32 $0x13880  }
0x280: {  	_ =	sfence.sel $0x180000  }
0x281: {  	[bflag:$0x0] =	sbarrier.arrive $0xFFFF  }
0x282: {  	_ =	strace $0x90000047  }
0x283: {  	s0 =	stileid.u32;
	[bflag:$0x2] =	sbarrier.arrive $0xFFFF  }
0x284: {  	p0 =	sne.s32 s0, $0x0;
	s0 =	rddreg [dreg:$0x4]  }
0x285: {  	s0 =	sadd.s32 @!p0 $0x100000, s0  }
0x286: {  	[sflag:s0] =	ssyncadd.tile.s32 @!p0 $0x1;
	_ =	shalt  }
.Lfunc_end2:
_tile_overlayer_lowered:
.L_overlay_start_2:
0x287: {  	(tag) =	ssettag $0x2  }
0x288: {  	s0 =	rddreg [dreg:$0x0];
	s2 =	stileid.u32  }
0x289: {  	s1 =	rddreg [dreg:$0x1];
	p0 =	sne.s32 s2, $0x0  }
0x28a: {  	s3 =	rddreg [dreg:$0x2];
	[bflag:$0x3] =	sbarrier.arrive $0xFFFF;
	s2 =	simm.s32 @!p0 $0x1C06  }
0x28b: {  	[timem:s3], [sflag:s2] =	dma.local @!p0 [hbm:s0], s1  }
0x28c: {  	s0 =	simm.s32 @!p0 $0x6  }
0x28d: {  	_ =	swait.ge @!p0 [sflag:s0], s1  }
0x28e: {  	s1 =	ssub.s32 @!p0 $0x0, s1;
	[sflag:s0] =	ssyncset.done @!p0 $0x0  }
0x28f: {  	[sflag:s0] =	ssyncadd.s32 @!p0 s1  }
0x290: {  	[bflag:$0x3] =	sbarrier.arrive $0xFFFF  }
0x291: {  	_ =	shalt  }

</sc_bundles>
